<compile_context>
chip_gen: v7x
topology: tpu7x:2x2x1
jax: 0.10.2.dev20260603
libtpu: 0.0.44.dev20260713+nightly
codegen_flags: <defaults>
</compile_context>

<pallas_src>
import functools

import jax
import jax.numpy as jnp
from jax import lax
from jax.experimental import pallas as pl
from jax.experimental.pallas import tpu as pltpu
from jax.experimental.pallas import tpu_sc as plsc

S = 2048
CLIP = 64
D = 64
T = 2 * CLIP + 1
NTD = D // 8
NTJ = S // 128
KW = 400
SRC_MAX = 272
BAND_LO = 128
BAND_HI = 272
NW = 32
ROWS_PER_W = S // NW
NPH = 8
RPG = ROWS_PER_W // NPH


def _build_sc_kernel():
    mesh = plsc.VectorSubcoreMesh(core_axis_name="c", subcore_axis_name="s")

    @functools.partial(
        pl.kernel,
        mesh=mesh,
        out_type=jax.ShapeDtypeStruct((S, NTD, NTJ, 8, 128), jnp.float32),
        scratch_types=[
            pltpu.VMEM((T * D,), jnp.float32),
            pltpu.VMEM((NTD, 8, KW), jnp.float32),
            pltpu.VMEM((NTD, 8, KW), jnp.float32),
            pltpu.SemaphoreType.DMA,
        ],
        compiler_params=pltpu.CompilerParams(
            use_tc_tiling_on_sc=False, needs_layout_passes=False
        ),
    )
    def sc_kernel(table_hbm, out_hbm, tbl, cimg_a, cimg_b, sem):
        cid = lax.axis_index("c")
        sid = lax.axis_index("s")
        wid = sid * 2 + cid
        bufs = (cimg_a, cimg_b)

        pltpu.sync_copy(table_hbm, tbl)

        lane = lax.iota(jnp.int32, 16)

        def build(buf, p, m_lo, m_hi):
            ng = (m_hi - m_lo) // 16

            def body(g, _):
                dcomb = g // ng
                mg = g % ng
                m = m_lo + mg * 16 + lane
                row = jnp.clip(m + p - 136, 0, T - 1)
                vals = plsc.load_gather(tbl, [row * D + dcomb])
                buf[dcomb // 8, dcomb % 8, pl.ds(m_lo + mg * 16, 16)] = vals
                return 0

            lax.fori_loop(0, D * ng, body, 0)

        def drain_group():
            def body(q, _):
                pltpu.make_async_copy(
                    bufs[0].at[:, :, pl.ds(0, 128)],
                    out_hbm.at[i0, :, 0],
                    sem,
                ).wait()
                return 0

            lax.fori_loop(0, RPG * NTJ, body, 0)

        i0 = wid * ROWS_PER_W

        build(bufs[0], 0, 0, KW)
        build(bufs[1], 7, 0, KW)

        for g in range(NPH):
            p = (-g) % NPH
            buf = bufs[g % 2]
            if g >= 1:
                drain_group()

            def issue_body(q, _, g=g, p=p, buf=buf):
                rr = q // NTJ
                tj = q % NTJ
                i = i0 + rr * NPH + g
                src = jnp.clip(S - i + tj * 128 - 1848 - p, 0, SRC_MAX)
                src = pl.multiple_of(src, 8)
                pltpu.async_copy(
                    buf.at[:, :, pl.ds(src, 128)],
                    out_hbm.at[i, :, tj],
                    sem,
                )
                return 0

            lax.fori_loop(0, RPG * NTJ, issue_body, 0)

            if 1 <= g < NPH - 1:
                build(bufs[(g + 1) % 2], (-(g + 1)) % NPH, BAND_LO, BAND_HI)

        drain_group()

    return sc_kernel


def kernel(x, encoding_matrix):
    del x
    b = _build_sc_kernel()(encoding_matrix.reshape(T * D))
    return b.transpose(0, 2, 4, 1, 3).reshape(S, S, D)

# --- scband reference (transcript-rebuilt; emitter-appended) ---
"""Pipeline reference for scband-self-att-rel-pos-encoding-v1-33706903339716 (READ-ONLY COPY).

The authoritative reference and input builder live on the scoring server;
editing this copy changes nothing except your own understanding.
"""

import jax, jax.numpy as jnp
import numpy as np

CLIPPING = 64
OUT_DIM = 64

def setup_inputs(seed: int = 0) -> dict:
    key = jax.random.key(seed)
    k1, k2 = jax.random.split(key)
    x = jax.random.normal(k1, (1, 2048, 1024), dtype=jnp.float32)
    # xavier_uniform for encoding_matrix of shape (2*clipping+1, out_dim)
    fan_in, fan_out = 2 * CLIPPING + 1, OUT_DIM
    limit = float(np.sqrt(6.0 / (fan_in + fan_out)))
    encoding_matrix = jax.random.uniform(k2, (2 * CLIPPING + 1, OUT_DIM), dtype=jnp.float32, minval=-limit, maxval=limit)
    return {"x": x, "encoding_matrix": encoding_matrix}

def reference(x, encoding_matrix):
    S = x.shape[1]
    position = jnp.arange(S, dtype=jnp.int64 if jax.config.jax_enable_x64 else jnp.int32)
    distance_mat = position[None, :] - position[:, None]
    distance_mat_clipped = jnp.clip(distance_mat, -CLIPPING, CLIPPING)
    pos_distance_mat_clipped = distance_mat_clipped + CLIPPING
    # gather rows of the relative-position embedding table -> [S, S, out_dim]
    return jnp.take(encoding_matrix, pos_distance_mat_clipped, axis=0)

if __name__ == "__main__":
    import jax
    _d = setup_inputs()
    print(jax.jit(kernel)(*tuple(_d.values())))

</pallas_src>

<mosaic_0001>
#map = affine_map<(d0, d1) -> (0)>
#map1 = affine_map<(d0, d1) -> (0, 0, 0, 0, 0)>
module attributes {stable_mosaic.version = 14 : i64} {
  func.func @sc_kernel(%arg0: i32, %arg1: i32, %arg2: memref<8256xf32, #tpu.memory_space<hbm>>, %arg3: memref<2048x8x16x8x128xf32, #tpu.memory_space<hbm>>, %arg4: memref<8256xf32, #tpu.memory_space<vmem>>, %arg5: memref<8x8x400xf32, #tpu.memory_space<vmem>>, %arg6: memref<8x8x400xf32, #tpu.memory_space<vmem>>, %arg7: memref<!tpu.dma_semaphore, #tpu.memory_space<semaphore_mem>>) attributes {dimension_semantics = [#tpu.dimension_semantics<core_parallel>, #tpu.dimension_semantics<subcore_parallel>], iteration_bounds = array<i64: 2, 16>, scalar_prefetch = 0 : i64, scratch_operands = 4 : i64, tpu.core_type = #tpu.core_type<sc_vector_subcore>, window_params = [{transform_indices = #map}, {transform_indices = #map1}]} {
    %mul3A = arith.constant 2 : i32
    %mul3A_0 = arith.muli %arg1, %mul3A : i32
    %add3A = arith.addi %mul3A_0, %arg0 : i32
    "tpu.region"() ({
      %run_scoped3A = tpu.sem_alloc : memref<!tpu.dma_semaphore, #tpu.memory_space<semaphore_mem>>
      tpu.enqueue_dma source(%arg2 : memref<8256xf32, #tpu.memory_space<hbm>>) target(%arg4 : memref<8256xf32, #tpu.memory_space<vmem>>) target_semaphore(%run_scoped3A : memref<!tpu.dma_semaphore, #tpu.memory_space<semaphore_mem>>)
      tpu.wait_dma2 semaphore(%run_scoped3A : memref<!tpu.dma_semaphore, #tpu.memory_space<semaphore_mem>>) src(%arg2 : memref<8256xf32, #tpu.memory_space<hbm>>) dst(%arg4 : memref<8256xf32, #tpu.memory_space<vmem>>)
      tpu.yield
    }) : () -> ()
    %iota3A = tpu.iota {dimensions = array<i32: 0>} : vector<16xi32>
    %mul3A_1 = arith.constant 64 : i32
    %mul3A_2 = arith.muli %add3A, %mul3A_1 : i32
    %scan3A = arith.constant 0 : i32
    %scan3A_3 = arith.constant 0 : i32
    %scan3A_4 = arith.constant 1600 : i32
    %scan3A_5 = arith.addi %scan3A_3, %scan3A_4 : i32
    %scan3A_6 = arith.constant 1 : i32
    %scan3A_7 = scf.for %scan3A_170 = %scan3A_3 to %scan3A_5 step %scan3A_6 iter_args(%scan3A_171 = %scan3A) -> (i32)  : i32 {
      %jit3A = arith.constant 25 : i32
      %div3A = arith.divsi %scan3A_170, %jit3A : i32
      %sign3A = arith.constant 0 : i32
      %sign3A_172 = arith.cmpi sgt, %scan3A_170, %sign3A : i32
      %sign3A_173 = arith.extui %sign3A_172 : i1 to i32
      %sign3A_174 = arith.constant 0 : i32
      %sign3A_175 = arith.cmpi slt, %scan3A_170, %sign3A_174 : i32
      %sign3A_176 = arith.extui %sign3A_175 : i1 to i32
      %sign3A_177 = arith.subi %sign3A_173, %sign3A_176 : i32
      %sign3A_178 = arith.constant 0 : i32
      %sign3A_179 = arith.cmpi sgt, %jit3A, %sign3A_178 : i32
      %sign3A_180 = arith.extui %sign3A_179 : i1 to i32
      %sign3A_181 = arith.constant 0 : i32
      %sign3A_182 = arith.cmpi slt, %jit3A, %sign3A_181 : i32
      %sign3A_183 = arith.extui %sign3A_182 : i1 to i32
      %sign3A_184 = arith.subi %sign3A_180, %sign3A_183 : i32
      %ne3A = arith.cmpi ne, %sign3A_177, %sign3A_184 : i32
      %rem3A = arith.remsi %scan3A_170, %jit3A : i32
      %ne3A_185 = arith.constant 0 : i32
      %ne3A_186 = arith.cmpi ne, %rem3A, %ne3A_185 : i32
      %and3A = arith.andi %ne3A, %ne3A_186 : i1
      %sub3A = arith.constant 1 : i32
      %sub3A_187 = arith.subi %div3A, %sub3A : i32
      %select_n3A = arith.select %and3A, %sub3A_187, %div3A : i32
      %jit3A_188 = arith.constant 25 : i32
      %eq3A = arith.constant 0 : i32
      %eq3A_189 = arith.cmpi eq, %jit3A_188, %eq3A : i32
      %jit3A_190 = arith.constant 1 : i32
      %select_n3A_191 = arith.select %eq3A_189, %jit3A_190, %jit3A_188 : i32
      %rem3A_192 = arith.remsi %scan3A_170, %select_n3A_191 : i32
      %ne3A_193 = arith.constant 0 : i32
      %ne3A_194 = arith.cmpi ne, %rem3A_192, %ne3A_193 : i32
      %lt3A = arith.constant 0 : i32
      %lt3A_195 = arith.cmpi slt, %rem3A_192, %lt3A : i32
      %lt3A_196 = arith.constant 0 : i32
      %lt3A_197 = arith.cmpi slt, %select_n3A_191, %lt3A_196 : i32
      %ne3A_198 = arith.xori %lt3A_195, %lt3A_197 : i1
      %and3A_199 = arith.andi %ne3A_198, %ne3A_194 : i1
      %add3A_200 = arith.addi %rem3A_192, %select_n3A_191 : i32
      %select_n3A_201 = arith.select %and3A_199, %add3A_200, %rem3A_192 : i32
      %mul3A_202 = arith.constant 16 : i32
      %mul3A_203 = arith.muli %select_n3A_201, %mul3A_202 : i32
      %add3A_204 = arith.constant 0 : i32
      %add3A_205 = arith.addi %add3A_204, %mul3A_203 : i32
      %add3A_206 = vector.broadcast %add3A_205 : i32 to vector<16xi32>
      %add3A_207 = arith.addi %add3A_206, %iota3A : vector<16xi32>
      %add3A_208 = arith.constant 0 : i32
      %add3A_209 = vector.broadcast %add3A_208 : i32 to vector<16xi32>
      %add3A_210 = arith.addi %add3A_207, %add3A_209 : vector<16xi32>
      %sub3A_211 = arith.constant 136 : i32
      %sub3A_212 = vector.broadcast %sub3A_211 : i32 to vector<16xi32>
      %sub3A_213 = arith.subi %add3A_210, %sub3A_212 : vector<16xi32>
      %jit3A_214 = arith.constant 0 : i32
      %jit3A_215 = arith.constant 128 : i32
      %max3A = vector.broadcast %jit3A_214 : i32 to vector<16xi32>
      %max3A_216 = arith.maxsi %max3A, %sub3A_213 : vector<16xi32>
      %min3A = vector.broadcast %jit3A_215 : i32 to vector<16xi32>
      %min3A_217 = arith.minsi %min3A, %max3A_216 : vector<16xi32>
      %mul3A_218 = arith.constant 64 : i32
      %mul3A_219 = vector.broadcast %mul3A_218 : i32 to vector<16xi32>
      %mul3A_220 = arith.muli %min3A_217, %mul3A_219 : vector<16xi32>
      %add3A_221 = vector.broadcast %select_n3A : i32 to vector<16xi32>
      %add3A_222 = arith.addi %mul3A_220, %add3A_221 : vector<16xi32>
      %gather3A = tpu.vector_load_idx %arg4[%add3A_222] : memref<8256xf32, #tpu.memory_space<vmem>>[vector<16xi32>], vector<16xf32>,
      %jit3A_223 = arith.constant 8 : i32
      %div3A_224 = arith.divsi %select_n3A, %jit3A_223 : i32
      %sign3A_225 = arith.constant 0 : i32
      %sign3A_226 = arith.cmpi sgt, %select_n3A, %sign3A_225 : i32
      %sign3A_227 = arith.extui %sign3A_226 : i1 to i32
      %sign3A_228 = arith.constant 0 : i32
      %sign3A_229 = arith.cmpi slt, %select_n3A, %sign3A_228 : i32
      %sign3A_230 = arith.extui %sign3A_229 : i1 to i32
      %sign3A_231 = arith.subi %sign3A_227, %sign3A_230 : i32
      %sign3A_232 = arith.constant 0 : i32
      %sign3A_233 = arith.cmpi sgt, %jit3A_223, %sign3A_232 : i32
      %sign3A_234 = arith.extui %sign3A_233 : i1 to i32
      %sign3A_235 = arith.constant 0 : i32
      %sign3A_236 = arith.cmpi slt, %jit3A_223, %sign3A_235 : i32
      %sign3A_237 = arith.extui %sign3A_236 : i1 to i32
      %sign3A_238 = arith.subi %sign3A_234, %sign3A_237 : i32
      %ne3A_239 = arith.cmpi ne, %sign3A_231, %sign3A_238 : i32
      %rem3A_240 = arith.remsi %select_n3A, %jit3A_223 : i32
      %ne3A_241 = arith.constant 0 : i32
      %ne3A_242 = arith.cmpi ne, %rem3A_240, %ne3A_241 : i32
      %and3A_243 = arith.andi %ne3A_239, %ne3A_242 : i1
      %sub3A_244 = arith.constant 1 : i32
      %sub3A_245 = arith.subi %div3A_224, %sub3A_244 : i32
      %select_n3A_246 = arith.select %and3A_243, %sub3A_245, %div3A_224 : i32
      %jit3A_247 = arith.constant 8 : i32
      %eq3A_248 = arith.constant 0 : i32
      %eq3A_249 = arith.cmpi eq, %jit3A_247, %eq3A_248 : i32
      %jit3A_250 = arith.constant 1 : i32
      %select_n3A_251 = arith.select %eq3A_249, %jit3A_250, %jit3A_247 : i32
      %rem3A_252 = arith.remsi %select_n3A, %select_n3A_251 : i32
      %ne3A_253 = arith.constant 0 : i32
      %ne3A_254 = arith.cmpi ne, %rem3A_252, %ne3A_253 : i32
      %lt3A_255 = arith.constant 0 : i32
      %lt3A_256 = arith.cmpi slt, %rem3A_252, %lt3A_255 : i32
      %lt3A_257 = arith.constant 0 : i32
      %lt3A_258 = arith.cmpi slt, %select_n3A_251, %lt3A_257 : i32
      %ne3A_259 = arith.xori %lt3A_256, %lt3A_258 : i1
      %and3A_260 = arith.andi %ne3A_259, %ne3A_254 : i1
      %add3A_261 = arith.addi %rem3A_252, %select_n3A_251 : i32
      %select_n3A_262 = arith.select %and3A_260, %add3A_261, %rem3A_252 : i32
      %mul3A_263 = arith.constant 16 : i32
      %mul3A_264 = arith.muli %select_n3A_201, %mul3A_263 : i32
      %add3A_265 = arith.constant 0 : i32
      %add3A_266 = arith.addi %add3A_265, %mul3A_264 : i32
      %swap3A = arith.index_cast %select_n3A_246 : i32 to index
      %swap3A_267 = arith.index_cast %select_n3A_262 : i32 to index
      %swap3A_268 = arith.index_cast %add3A_266 : i32 to index
      %swap3A_269 = tpu.vector_load %arg5[%swap3A, %swap3A_267, %swap3A_268] {strides = array<i32>} : memref<8x8x400xf32, #tpu.memory_space<vmem>>, vector<16xf32>,
      tpu.vector_store %arg5[%swap3A, %swap3A_267, %swap3A_268], %gather3A {strides = array<i32>} : memref<8x8x400xf32, #tpu.memory_space<vmem>>, vector<16xf32>,
      %scan3A_270 = arith.constant 0 : i32
      scf.yield %scan3A_270 : i32
    }
    %scan3A_8 = arith.constant 1600 : i32
    %scan3A_9 = arith.constant 0 : i32
    %scan3A_10 = arith.constant 0 : i32
    %scan3A_11 = arith.constant 1600 : i32
    %scan3A_12 = arith.addi %scan3A_10, %scan3A_11 : i32
    %scan3A_13 = arith.constant 1 : i32
    %scan3A_14 = scf.for %scan3A_170 = %scan3A_10 to %scan3A_12 step %scan3A_13 iter_args(%scan3A_171 = %scan3A_9) -> (i32)  : i32 {
      %jit3A = arith.constant 25 : i32
      %div3A = arith.divsi %scan3A_170, %jit3A : i32
      %sign3A = arith.constant 0 : i32
      %sign3A_172 = arith.cmpi sgt, %scan3A_170, %sign3A : i32
      %sign3A_173 = arith.extui %sign3A_172 : i1 to i32
      %sign3A_174 = arith.constant 0 : i32
      %sign3A_175 = arith.cmpi slt, %scan3A_170, %sign3A_174 : i32
      %sign3A_176 = arith.extui %sign3A_175 : i1 to i32
      %sign3A_177 = arith.subi %sign3A_173, %sign3A_176 : i32
      %sign3A_178 = arith.constant 0 : i32
      %sign3A_179 = arith.cmpi sgt, %jit3A, %sign3A_178 : i32
      %sign3A_180 = arith.extui %sign3A_179 : i1 to i32
      %sign3A_181 = arith.constant 0 : i32
      %sign3A_182 = arith.cmpi slt, %jit3A, %sign3A_181 : i32
      %sign3A_183 = arith.extui %sign3A_182 : i1 to i32
      %sign3A_184 = arith.subi %sign3A_180, %sign3A_183 : i32
      %ne3A = arith.cmpi ne, %sign3A_177, %sign3A_184 : i32
      %rem3A = arith.remsi %scan3A_170, %jit3A : i32
      %ne3A_185 = arith.constant 0 : i32
      %ne3A_186 = arith.cmpi ne, %rem3A, %ne3A_185 : i32
      %and3A = arith.andi %ne3A, %ne3A_186 : i1
      %sub3A = arith.constant 1 : i32
      %sub3A_187 = arith.subi %div3A, %sub3A : i32
      %select_n3A = arith.select %and3A, %sub3A_187, %div3A : i32
      %jit3A_188 = arith.constant 25 : i32
      %eq3A = arith.constant 0 : i32
      %eq3A_189 = arith.cmpi eq, %jit3A_188, %eq3A : i32
      %jit3A_190 = arith.constant 1 : i32
      %select_n3A_191 = arith.select %eq3A_189, %jit3A_190, %jit3A_188 : i32
      %rem3A_192 = arith.remsi %scan3A_170, %select_n3A_191 : i32
      %ne3A_193 = arith.constant 0 : i32
      %ne3A_194 = arith.cmpi ne, %rem3A_192, %ne3A_193 : i32
      %lt3A = arith.constant 0 : i32
      %lt3A_195 = arith.cmpi slt, %rem3A_192, %lt3A : i32
      %lt3A_196 = arith.constant 0 : i32
      %lt3A_197 = arith.cmpi slt, %select_n3A_191, %lt3A_196 : i32
      %ne3A_198 = arith.xori %lt3A_195, %lt3A_197 : i1
      %and3A_199 = arith.andi %ne3A_198, %ne3A_194 : i1
      %add3A_200 = arith.addi %rem3A_192, %select_n3A_191 : i32
      %select_n3A_201 = arith.select %and3A_199, %add3A_200, %rem3A_192 : i32
      %mul3A_202 = arith.constant 16 : i32
      %mul3A_203 = arith.muli %select_n3A_201, %mul3A_202 : i32
      %add3A_204 = arith.constant 0 : i32
      %add3A_205 = arith.addi %add3A_204, %mul3A_203 : i32
      %add3A_206 = vector.broadcast %add3A_205 : i32 to vector<16xi32>
      %add3A_207 = arith.addi %add3A_206, %iota3A : vector<16xi32>
      %add3A_208 = arith.constant 7 : i32
      %add3A_209 = vector.broadcast %add3A_208 : i32 to vector<16xi32>
      %add3A_210 = arith.addi %add3A_207, %add3A_209 : vector<16xi32>
      %sub3A_211 = arith.constant 136 : i32
      %sub3A_212 = vector.broadcast %sub3A_211 : i32 to vector<16xi32>
      %sub3A_213 = arith.subi %add3A_210, %sub3A_212 : vector<16xi32>
      %jit3A_214 = arith.constant 0 : i32
      %jit3A_215 = arith.constant 128 : i32
      %max3A = vector.broadcast %jit3A_214 : i32 to vector<16xi32>
      %max3A_216 = arith.maxsi %max3A, %sub3A_213 : vector<16xi32>
      %min3A = vector.broadcast %jit3A_215 : i32 to vector<16xi32>
      %min3A_217 = arith.minsi %min3A, %max3A_216 : vector<16xi32>
      %mul3A_218 = arith.constant 64 : i32
      %mul3A_219 = vector.broadcast %mul3A_218 : i32 to vector<16xi32>
      %mul3A_220 = arith.muli %min3A_217, %mul3A_219 : vector<16xi32>
      %add3A_221 = vector.broadcast %select_n3A : i32 to vector<16xi32>
      %add3A_222 = arith.addi %mul3A_220, %add3A_221 : vector<16xi32>
      %gather3A = tpu.vector_load_idx %arg4[%add3A_222] : memref<8256xf32, #tpu.memory_space<vmem>>[vector<16xi32>], vector<16xf32>,
      %jit3A_223 = arith.constant 8 : i32
      %div3A_224 = arith.divsi %select_n3A, %jit3A_223 : i32
      %sign3A_225 = arith.constant 0 : i32
      %sign3A_226 = arith.cmpi sgt, %select_n3A, %sign3A_225 : i32
      %sign3A_227 = arith.extui %sign3A_226 : i1 to i32
      %sign3A_228 = arith.constant 0 : i32
      %sign3A_229 = arith.cmpi slt, %select_n3A, %sign3A_228 : i32
      %sign3A_230 = arith.extui %sign3A_229 : i1 to i32
      %sign3A_231 = arith.subi %sign3A_227, %sign3A_230 : i32
      %sign3A_232 = arith.constant 0 : i32
      %sign3A_233 = arith.cmpi sgt, %jit3A_223, %sign3A_232 : i32
      %sign3A_234 = arith.extui %sign3A_233 : i1 to i32
      %sign3A_235 = arith.constant 0 : i32
      %sign3A_236 = arith.cmpi slt, %jit3A_223, %sign3A_235 : i32
      %sign3A_237 = arith.extui %sign3A_236 : i1 to i32
      %sign3A_238 = arith.subi %sign3A_234, %sign3A_237 : i32
      %ne3A_239 = arith.cmpi ne, %sign3A_231, %sign3A_238 : i32
      %rem3A_240 = arith.remsi %select_n3A, %jit3A_223 : i32
      %ne3A_241 = arith.constant 0 : i32
      %ne3A_242 = arith.cmpi ne, %rem3A_240, %ne3A_241 : i32
      %and3A_243 = arith.andi %ne3A_239, %ne3A_242 : i1
      %sub3A_244 = arith.constant 1 : i32
      %sub3A_245 = arith.subi %div3A_224, %sub3A_244 : i32
      %select_n3A_246 = arith.select %and3A_243, %sub3A_245, %div3A_224 : i32
      %jit3A_247 = arith.constant 8 : i32
      %eq3A_248 = arith.constant 0 : i32
      %eq3A_249 = arith.cmpi eq, %jit3A_247, %eq3A_248 : i32
      %jit3A_250 = arith.constant 1 : i32
      %select_n3A_251 = arith.select %eq3A_249, %jit3A_250, %jit3A_247 : i32
      %rem3A_252 = arith.remsi %select_n3A, %select_n3A_251 : i32
      %ne3A_253 = arith.constant 0 : i32
      %ne3A_254 = arith.cmpi ne, %rem3A_252, %ne3A_253 : i32
      %lt3A_255 = arith.constant 0 : i32
      %lt3A_256 = arith.cmpi slt, %rem3A_252, %lt3A_255 : i32
      %lt3A_257 = arith.constant 0 : i32
      %lt3A_258 = arith.cmpi slt, %select_n3A_251, %lt3A_257 : i32
      %ne3A_259 = arith.xori %lt3A_256, %lt3A_258 : i1
      %and3A_260 = arith.andi %ne3A_259, %ne3A_254 : i1
      %add3A_261 = arith.addi %rem3A_252, %select_n3A_251 : i32
      %select_n3A_262 = arith.select %and3A_260, %add3A_261, %rem3A_252 : i32
      %mul3A_263 = arith.constant 16 : i32
      %mul3A_264 = arith.muli %select_n3A_201, %mul3A_263 : i32
      %add3A_265 = arith.constant 0 : i32
      %add3A_266 = arith.addi %add3A_265, %mul3A_264 : i32
      %swap3A = arith.index_cast %select_n3A_246 : i32 to index
      %swap3A_267 = arith.index_cast %select_n3A_262 : i32 to index
      %swap3A_268 = arith.index_cast %add3A_266 : i32 to index
      %swap3A_269 = tpu.vector_load %arg6[%swap3A, %swap3A_267, %swap3A_268] {strides = array<i32>} : memref<8x8x400xf32, #tpu.memory_space<vmem>>, vector<16xf32>,
      tpu.vector_store %arg6[%swap3A, %swap3A_267, %swap3A_268], %gather3A {strides = array<i32>} : memref<8x8x400xf32, #tpu.memory_space<vmem>>, vector<16xf32>,
      %scan3A_270 = arith.constant 0 : i32
      scf.yield %scan3A_270 : i32
    }
    %scan3A_15 = arith.constant 1600 : i32
    %scan3A_16 = arith.constant 0 : i32
    %scan3A_17 = arith.constant 0 : i32
    %scan3A_18 = arith.constant 128 : i32
    %scan3A_19 = arith.addi %scan3A_17, %scan3A_18 : i32
    %scan3A_20 = arith.constant 1 : i32
    %scan3A_21 = scf.for %scan3A_170 = %scan3A_17 to %scan3A_19 step %scan3A_20 iter_args(%scan3A_171 = %scan3A_16) -> (i32)  : i32 {
      %jit3A = arith.constant 16 : i32
      %div3A = arith.divsi %scan3A_170, %jit3A : i32
      %sign3A = arith.constant 0 : i32
      %sign3A_172 = arith.cmpi sgt, %scan3A_170, %sign3A : i32
      %sign3A_173 = arith.extui %sign3A_172 : i1 to i32
      %sign3A_174 = arith.constant 0 : i32
      %sign3A_175 = arith.cmpi slt, %scan3A_170, %sign3A_174 : i32
      %sign3A_176 = arith.extui %sign3A_175 : i1 to i32
      %sign3A_177 = arith.subi %sign3A_173, %sign3A_176 : i32
      %sign3A_178 = arith.constant 0 : i32
      %sign3A_179 = arith.cmpi sgt, %jit3A, %sign3A_178 : i32
      %sign3A_180 = arith.extui %sign3A_179 : i1 to i32
      %sign3A_181 = arith.constant 0 : i32
      %sign3A_182 = arith.cmpi slt, %jit3A, %sign3A_181 : i32
      %sign3A_183 = arith.extui %sign3A_182 : i1 to i32
      %sign3A_184 = arith.subi %sign3A_180, %sign3A_183 : i32
      %ne3A = arith.cmpi ne, %sign3A_177, %sign3A_184 : i32
      %rem3A = arith.remsi %scan3A_170, %jit3A : i32
      %ne3A_185 = arith.constant 0 : i32
      %ne3A_186 = arith.cmpi ne, %rem3A, %ne3A_185 : i32
      %and3A = arith.andi %ne3A, %ne3A_186 : i1
      %sub3A = arith.constant 1 : i32
      %sub3A_187 = arith.subi %div3A, %sub3A : i32
      %select_n3A = arith.select %and3A, %sub3A_187, %div3A : i32
      %jit3A_188 = arith.constant 16 : i32
      %eq3A = arith.constant 0 : i32
      %eq3A_189 = arith.cmpi eq, %jit3A_188, %eq3A : i32
      %jit3A_190 = arith.constant 1 : i32
      %select_n3A_191 = arith.select %eq3A_189, %jit3A_190, %jit3A_188 : i32
      %rem3A_192 = arith.remsi %scan3A_170, %select_n3A_191 : i32
      %ne3A_193 = arith.constant 0 : i32
      %ne3A_194 = arith.cmpi ne, %rem3A_192, %ne3A_193 : i32
      %lt3A = arith.constant 0 : i32
      %lt3A_195 = arith.cmpi slt, %rem3A_192, %lt3A : i32
      %lt3A_196 = arith.constant 0 : i32
      %lt3A_197 = arith.cmpi slt, %select_n3A_191, %lt3A_196 : i32
      %ne3A_198 = arith.xori %lt3A_195, %lt3A_197 : i1
      %and3A_199 = arith.andi %ne3A_198, %ne3A_194 : i1
      %add3A_200 = arith.addi %rem3A_192, %select_n3A_191 : i32
      %select_n3A_201 = arith.select %and3A_199, %add3A_200, %rem3A_192 : i32
      %mul3A_202 = arith.constant 8 : i32
      %mul3A_203 = arith.muli %select_n3A, %mul3A_202 : i32
      %add3A_204 = arith.addi %mul3A_2, %mul3A_203 : i32
      %add3A_205 = arith.constant 0 : i32
      %add3A_206 = arith.addi %add3A_204, %add3A_205 : i32
      %sub3A_207 = arith.constant 2048 : i32
      %sub3A_208 = arith.subi %sub3A_207, %add3A_206 : i32
      %mul3A_209 = arith.constant 128 : i32
      %mul3A_210 = arith.muli %select_n3A_201, %mul3A_209 : i32
      %add3A_211 = arith.addi %sub3A_208, %mul3A_210 : i32
      %sub3A_212 = arith.constant 1848 : i32
      %sub3A_213 = arith.subi %add3A_211, %sub3A_212 : i32
      %sub3A_214 = arith.constant 0 : i32
      %sub3A_215 = arith.subi %sub3A_213, %sub3A_214 : i32
      %jit3A_216 = arith.constant 0 : i32
      %jit3A_217 = arith.constant 272 : i32
      %max3A = arith.maxsi %jit3A_216, %sub3A_215 : i32
      %min3A = arith.minsi %jit3A_217, %max3A : i32
      %multiple_of3A = tpu.assume_multiple %min3A, 8 : i32
      %dma_start3A = arith.constant 0 : i32
      %dma_start3A_218 = arith.constant 0 : i32
      %dma_start3A_219 = tpu.memref_slice %arg5[%dma_start3A, %dma_start3A_218, %multiple_of3A] : memref<8x8x400xf32, #tpu.memory_space<vmem>> -> memref<8x8x128xf32, #tpu.memory_space<vmem>>
      %dma_start3A_220 = arith.constant 0 : i32
      %dma_start3A_221 = arith.constant 0 : i32
      %dma_start3A_222 = arith.constant 0 : i32
      %dma_start3A_223 = tpu.memref_slice %arg3[%add3A_206, %dma_start3A_220, %select_n3A_201, %dma_start3A_221, %dma_start3A_222] : memref<2048x8x16x8x128xf32, #tpu.memory_space<hbm>> -> memref<1x8x1x8x128xf32, #tpu.memory_space<hbm>>
      %dma_start3A_224 = tpu.memref_squeeze %dma_start3A_223 : memref<1x8x1x8x128xf32, #tpu.memory_space<hbm>> -> memref<8x8x128xf32, #tpu.memory_space<hbm>>
      %dma_start3A_225 = arith.constant 0 : i32
      %dma_start3A_226 = arith.constant 0 : i32
      %dma_start3A_227 = arith.constant 0 : i32
      %dma_start3A_228 = tpu.memref_slice %arg3[%add3A_206, %dma_start3A_225, %select_n3A_201, %dma_start3A_226, %dma_start3A_227] : memref<2048x8x16x8x128xf32, #tpu.memory_space<hbm>> -> memref<1x8x1x8x128xf32, #tpu.memory_space<hbm>>
      %dma_start3A_229 = tpu.memref_squeeze %dma_start3A_228 : memref<1x8x1x8x128xf32, #tpu.memory_space<hbm>> -> memref<8x8x128xf32, #tpu.memory_space<hbm>>
      %dma_start3A_230 = arith.constant 0 : i32
      %dma_start3A_231 = arith.constant 0 : i32
      %dma_start3A_232 = tpu.memref_slice %arg5[%dma_start3A_230, %dma_start3A_231, %multiple_of3A] : memref<8x8x400xf32, #tpu.memory_space<vmem>> -> memref<8x8x128xf32, #tpu.memory_space<vmem>>
      tpu.enqueue_dma source(%dma_start3A_232 : memref<8x8x128xf32, #tpu.memory_space<vmem>>) target(%dma_start3A_229 : memref<8x8x128xf32, #tpu.memory_space<hbm>>) target_semaphore(%arg7 : memref<!tpu.dma_semaphore, #tpu.memory_space<semaphore_mem>>)
      %scan3A_233 = arith.constant 0 : i32
      scf.yield %scan3A_233 : i32
    }
    %scan3A_22 = arith.constant 128 : i32
    %scan3A_23 = arith.constant 0 : i32
    %scan3A_24 = arith.constant 0 : i32
    %scan3A_25 = arith.constant 128 : i32
    %scan3A_26 = arith.addi %scan3A_24, %scan3A_25 : i32
    %scan3A_27 = arith.constant 1 : i32
    %scan3A_28 = scf.for %scan3A_170 = %scan3A_24 to %scan3A_26 step %scan3A_27 iter_args(%scan3A_171 = %scan3A_23) -> (i32)  : i32 {
      %dma_wait3A = arith.constant 0 : i32
      %dma_wait3A_172 = arith.constant 0 : i32
      %dma_wait3A_173 = arith.constant 0 : i32
      %dma_wait3A_174 = arith.constant 0 : i32
      %dma_wait3A_175 = tpu.memref_slice %arg5[%dma_wait3A_172, %dma_wait3A_173, %dma_wait3A_174] : memref<8x8x400xf32, #tpu.memory_space<vmem>> -> memref<8x8x128xf32, #tpu.memory_space<vmem>>
      %dma_wait3A_176 = arith.constant 0 : i32
      %dma_wait3A_177 = arith.constant 0 : i32
      %dma_wait3A_178 = arith.constant 0 : i32
      %dma_wait3A_179 = tpu.memref_slice %arg3[%mul3A_2, %dma_wait3A_176, %dma_wait3A, %dma_wait3A_177, %dma_wait3A_178] : memref<2048x8x16x8x128xf32, #tpu.memory_space<hbm>> -> memref<1x8x1x8x128xf32, #tpu.memory_space<hbm>>
      %dma_wait3A_180 = tpu.memref_squeeze %dma_wait3A_179 : memref<1x8x1x8x128xf32, #tpu.memory_space<hbm>> -> memref<8x8x128xf32, #tpu.memory_space<hbm>>
      %dma_wait3A_181 = arith.constant 0 : i32
      %dma_wait3A_182 = arith.constant 0 : i32
      %dma_wait3A_183 = arith.constant 0 : i32
      %dma_wait3A_184 = tpu.memref_slice %arg3[%mul3A_2, %dma_wait3A_181, %dma_wait3A, %dma_wait3A_182, %dma_wait3A_183] : memref<2048x8x16x8x128xf32, #tpu.memory_space<hbm>> -> memref<1x8x1x8x128xf32, #tpu.memory_space<hbm>>
      %dma_wait3A_185 = tpu.memref_squeeze %dma_wait3A_184 : memref<1x8x1x8x128xf32, #tpu.memory_space<hbm>> -> memref<8x8x128xf32, #tpu.memory_space<hbm>>
      %dma_wait3A_186 = arith.constant 0 : i32
      %dma_wait3A_187 = arith.constant 0 : i32
      %dma_wait3A_188 = arith.constant 0 : i32
      %dma_wait3A_189 = tpu.memref_slice %arg5[%dma_wait3A_186, %dma_wait3A_187, %dma_wait3A_188] : memref<8x8x400xf32, #tpu.memory_space<vmem>> -> memref<8x8x128xf32, #tpu.memory_space<vmem>>
      tpu.wait_dma2 semaphore(%arg7 : memref<!tpu.dma_semaphore, #tpu.memory_space<semaphore_mem>>) src(%dma_wait3A_189 : memref<8x8x128xf32, #tpu.memory_space<vmem>>) dst(%dma_wait3A_185 : memref<8x8x128xf32, #tpu.memory_space<hbm>>)
      %scan3A_190 = arith.constant 0 : i32
      scf.yield %scan3A_190 : i32
    }
    %scan3A_29 = arith.constant 128 : i32
    %scan3A_30 = arith.constant 0 : i32
    %scan3A_31 = arith.constant 0 : i32
    %scan3A_32 = arith.constant 128 : i32
    %scan3A_33 = arith.addi %scan3A_31, %scan3A_32 : i32
    %scan3A_34 = arith.constant 1 : i32
    %scan3A_35 = scf.for %scan3A_170 = %scan3A_31 to %scan3A_33 step %scan3A_34 iter_args(%scan3A_171 = %scan3A_30) -> (i32)  : i32 {
      %jit3A = arith.constant 16 : i32
      %div3A = arith.divsi %scan3A_170, %jit3A : i32
      %sign3A = arith.constant 0 : i32
      %sign3A_172 = arith.cmpi sgt, %scan3A_170, %sign3A : i32
      %sign3A_173 = arith.extui %sign3A_172 : i1 to i32
      %sign3A_174 = arith.constant 0 : i32
      %sign3A_175 = arith.cmpi slt, %scan3A_170, %sign3A_174 : i32
      %sign3A_176 = arith.extui %sign3A_175 : i1 to i32
      %sign3A_177 = arith.subi %sign3A_173, %sign3A_176 : i32
      %sign3A_178 = arith.constant 0 : i32
      %sign3A_179 = arith.cmpi sgt, %jit3A, %sign3A_178 : i32
      %sign3A_180 = arith.extui %sign3A_179 : i1 to i32
      %sign3A_181 = arith.constant 0 : i32
      %sign3A_182 = arith.cmpi slt, %jit3A, %sign3A_181 : i32
      %sign3A_183 = arith.extui %sign3A_182 : i1 to i32
      %sign3A_184 = arith.subi %sign3A_180, %sign3A_183 : i32
      %ne3A = arith.cmpi ne, %sign3A_177, %sign3A_184 : i32
      %rem3A = arith.remsi %scan3A_170, %jit3A : i32
      %ne3A_185 = arith.constant 0 : i32
      %ne3A_186 = arith.cmpi ne, %rem3A, %ne3A_185 : i32
      %and3A = arith.andi %ne3A, %ne3A_186 : i1
      %sub3A = arith.constant 1 : i32
      %sub3A_187 = arith.subi %div3A, %sub3A : i32
      %select_n3A = arith.select %and3A, %sub3A_187, %div3A : i32
      %jit3A_188 = arith.constant 16 : i32
      %eq3A = arith.constant 0 : i32
      %eq3A_189 = arith.cmpi eq, %jit3A_188, %eq3A : i32
      %jit3A_190 = arith.constant 1 : i32
      %select_n3A_191 = arith.select %eq3A_189, %jit3A_190, %jit3A_188 : i32
      %rem3A_192 = arith.remsi %scan3A_170, %select_n3A_191 : i32
      %ne3A_193 = arith.constant 0 : i32
      %ne3A_194 = arith.cmpi ne, %rem3A_192, %ne3A_193 : i32
      %lt3A = arith.constant 0 : i32
      %lt3A_195 = arith.cmpi slt, %rem3A_192, %lt3A : i32
      %lt3A_196 = arith.constant 0 : i32
      %lt3A_197 = arith.cmpi slt, %select_n3A_191, %lt3A_196 : i32
      %ne3A_198 = arith.xori %lt3A_195, %lt3A_197 : i1
      %and3A_199 = arith.andi %ne3A_198, %ne3A_194 : i1
      %add3A_200 = arith.addi %rem3A_192, %select_n3A_191 : i32
      %select_n3A_201 = arith.select %and3A_199, %add3A_200, %rem3A_192 : i32
      %mul3A_202 = arith.constant 8 : i32
      %mul3A_203 = arith.muli %select_n3A, %mul3A_202 : i32
      %add3A_204 = arith.addi %mul3A_2, %mul3A_203 : i32
      %add3A_205 = arith.constant 1 : i32
      %add3A_206 = arith.addi %add3A_204, %add3A_205 : i32
      %sub3A_207 = arith.constant 2048 : i32
      %sub3A_208 = arith.subi %sub3A_207, %add3A_206 : i32
      %mul3A_209 = arith.constant 128 : i32
      %mul3A_210 = arith.muli %select_n3A_201, %mul3A_209 : i32
      %add3A_211 = arith.addi %sub3A_208, %mul3A_210 : i32
      %sub3A_212 = arith.constant 1848 : i32
      %sub3A_213 = arith.subi %add3A_211, %sub3A_212 : i32
      %sub3A_214 = arith.constant 7 : i32
      %sub3A_215 = arith.subi %sub3A_213, %sub3A_214 : i32
      %jit3A_216 = arith.constant 0 : i32
      %jit3A_217 = arith.constant 272 : i32
      %max3A = arith.maxsi %jit3A_216, %sub3A_215 : i32
      %min3A = arith.minsi %jit3A_217, %max3A : i32
      %multiple_of3A = tpu.assume_multiple %min3A, 8 : i32
      %dma_start3A = arith.constant 0 : i32
      %dma_start3A_218 = arith.constant 0 : i32
      %dma_start3A_219 = tpu.memref_slice %arg6[%dma_start3A, %dma_start3A_218, %multiple_of3A] : memref<8x8x400xf32, #tpu.memory_space<vmem>> -> memref<8x8x128xf32, #tpu.memory_space<vmem>>
      %dma_start3A_220 = arith.constant 0 : i32
      %dma_start3A_221 = arith.constant 0 : i32
      %dma_start3A_222 = arith.constant 0 : i32
      %dma_start3A_223 = tpu.memref_slice %arg3[%add3A_206, %dma_start3A_220, %select_n3A_201, %dma_start3A_221, %dma_start3A_222] : memref<2048x8x16x8x128xf32, #tpu.memory_space<hbm>> -> memref<1x8x1x8x128xf32, #tpu.memory_space<hbm>>
      %dma_start3A_224 = tpu.memref_squeeze %dma_start3A_223 : memref<1x8x1x8x128xf32, #tpu.memory_space<hbm>> -> memref<8x8x128xf32, #tpu.memory_space<hbm>>
      %dma_start3A_225 = arith.constant 0 : i32
      %dma_start3A_226 = arith.constant 0 : i32
      %dma_start3A_227 = arith.constant 0 : i32
      %dma_start3A_228 = tpu.memref_slice %arg3[%add3A_206, %dma_start3A_225, %select_n3A_201, %dma_start3A_226, %dma_start3A_227] : memref<2048x8x16x8x128xf32, #tpu.memory_space<hbm>> -> memref<1x8x1x8x128xf32, #tpu.memory_space<hbm>>
      %dma_start3A_229 = tpu.memref_squeeze %dma_start3A_228 : memref<1x8x1x8x128xf32, #tpu.memory_space<hbm>> -> memref<8x8x128xf32, #tpu.memory_space<hbm>>
      %dma_start3A_230 = arith.constant 0 : i32
      %dma_start3A_231 = arith.constant 0 : i32
      %dma_start3A_232 = tpu.memref_slice %arg6[%dma_start3A_230, %dma_start3A_231, %multiple_of3A] : memref<8x8x400xf32, #tpu.memory_space<vmem>> -> memref<8x8x128xf32, #tpu.memory_space<vmem>>
      tpu.enqueue_dma source(%dma_start3A_232 : memref<8x8x128xf32, #tpu.memory_space<vmem>>) target(%dma_start3A_229 : memref<8x8x128xf32, #tpu.memory_space<hbm>>) target_semaphore(%arg7 : memref<!tpu.dma_semaphore, #tpu.memory_space<semaphore_mem>>)
      %scan3A_233 = arith.constant 0 : i32
      scf.yield %scan3A_233 : i32
    }
    %scan3A_36 = arith.constant 128 : i32
    %scan3A_37 = arith.constant 0 : i32
    %scan3A_38 = arith.constant 0 : i32
    %scan3A_39 = arith.constant 576 : i32
    %scan3A_40 = arith.addi %scan3A_38, %scan3A_39 : i32
    %scan3A_41 = arith.constant 1 : i32
    %scan3A_42 = scf.for %scan3A_170 = %scan3A_38 to %scan3A_40 step %scan3A_41 iter_args(%scan3A_171 = %scan3A_37) -> (i32)  : i32 {
      %jit3A = arith.constant 9 : i32
      %div3A = arith.divsi %scan3A_170, %jit3A : i32
      %sign3A = arith.constant 0 : i32
      %sign3A_172 = arith.cmpi sgt, %scan3A_170, %sign3A : i32
      %sign3A_173 = arith.extui %sign3A_172 : i1 to i32
      %sign3A_174 = arith.constant 0 : i32
      %sign3A_175 = arith.cmpi slt, %scan3A_170, %sign3A_174 : i32
      %sign3A_176 = arith.extui %sign3A_175 : i1 to i32
      %sign3A_177 = arith.subi %sign3A_173, %sign3A_176 : i32
      %sign3A_178 = arith.constant 0 : i32
      %sign3A_179 = arith.cmpi sgt, %jit3A, %sign3A_178 : i32
      %sign3A_180 = arith.extui %sign3A_179 : i1 to i32
      %sign3A_181 = arith.constant 0 : i32
      %sign3A_182 = arith.cmpi slt, %jit3A, %sign3A_181 : i32
      %sign3A_183 = arith.extui %sign3A_182 : i1 to i32
      %sign3A_184 = arith.subi %sign3A_180, %sign3A_183 : i32
      %ne3A = arith.cmpi ne, %sign3A_177, %sign3A_184 : i32
      %rem3A = arith.remsi %scan3A_170, %jit3A : i32
      %ne3A_185 = arith.constant 0 : i32
      %ne3A_186 = arith.cmpi ne, %rem3A, %ne3A_185 : i32
      %and3A = arith.andi %ne3A, %ne3A_186 : i1
      %sub3A = arith.constant 1 : i32
      %sub3A_187 = arith.subi %div3A, %sub3A : i32
      %select_n3A = arith.select %and3A, %sub3A_187, %div3A : i32
      %jit3A_188 = arith.constant 9 : i32
      %eq3A = arith.constant 0 : i32
      %eq3A_189 = arith.cmpi eq, %jit3A_188, %eq3A : i32
      %jit3A_190 = arith.constant 1 : i32
      %select_n3A_191 = arith.select %eq3A_189, %jit3A_190, %jit3A_188 : i32
      %rem3A_192 = arith.remsi %scan3A_170, %select_n3A_191 : i32
      %ne3A_193 = arith.constant 0 : i32
      %ne3A_194 = arith.cmpi ne, %rem3A_192, %ne3A_193 : i32
      %lt3A = arith.constant 0 : i32
      %lt3A_195 = arith.cmpi slt, %rem3A_192, %lt3A : i32
      %lt3A_196 = arith.constant 0 : i32
      %lt3A_197 = arith.cmpi slt, %select_n3A_191, %lt3A_196 : i32
      %ne3A_198 = arith.xori %lt3A_195, %lt3A_197 : i1
      %and3A_199 = arith.andi %ne3A_198, %ne3A_194 : i1
      %add3A_200 = arith.addi %rem3A_192, %select_n3A_191 : i32
      %select_n3A_201 = arith.select %and3A_199, %add3A_200, %rem3A_192 : i32
      %mul3A_202 = arith.constant 16 : i32
      %mul3A_203 = arith.muli %select_n3A_201, %mul3A_202 : i32
      %add3A_204 = arith.constant 128 : i32
      %add3A_205 = arith.addi %add3A_204, %mul3A_203 : i32
      %add3A_206 = vector.broadcast %add3A_205 : i32 to vector<16xi32>
      %add3A_207 = arith.addi %add3A_206, %iota3A : vector<16xi32>
      %add3A_208 = arith.constant 6 : i32
      %add3A_209 = vector.broadcast %add3A_208 : i32 to vector<16xi32>
      %add3A_210 = arith.addi %add3A_207, %add3A_209 : vector<16xi32>
      %sub3A_211 = arith.constant 136 : i32
      %sub3A_212 = vector.broadcast %sub3A_211 : i32 to vector<16xi32>
      %sub3A_213 = arith.subi %add3A_210, %sub3A_212 : vector<16xi32>
      %jit3A_214 = arith.constant 0 : i32
      %jit3A_215 = arith.constant 128 : i32
      %max3A = vector.broadcast %jit3A_214 : i32 to vector<16xi32>
      %max3A_216 = arith.maxsi %max3A, %sub3A_213 : vector<16xi32>
      %min3A = vector.broadcast %jit3A_215 : i32 to vector<16xi32>
      %min3A_217 = arith.minsi %min3A, %max3A_216 : vector<16xi32>
      %mul3A_218 = arith.constant 64 : i32
      %mul3A_219 = vector.broadcast %mul3A_218 : i32 to vector<16xi32>
      %mul3A_220 = arith.muli %min3A_217, %mul3A_219 : vector<16xi32>
      %add3A_221 = vector.broadcast %select_n3A : i32 to vector<16xi32>
      %add3A_222 = arith.addi %mul3A_220, %add3A_221 : vector<16xi32>
      %gather3A = tpu.vector_load_idx %arg4[%add3A_222] : memref<8256xf32, #tpu.memory_space<vmem>>[vector<16xi32>], vector<16xf32>,
      %jit3A_223 = arith.constant 8 : i32
      %div3A_224 = arith.divsi %select_n3A, %jit3A_223 : i32
      %sign3A_225 = arith.constant 0 : i32
      %sign3A_226 = arith.cmpi sgt, %select_n3A, %sign3A_225 : i32
      %sign3A_227 = arith.extui %sign3A_226 : i1 to i32
      %sign3A_228 = arith.constant 0 : i32
      %sign3A_229 = arith.cmpi slt, %select_n3A, %sign3A_228 : i32
      %sign3A_230 = arith.extui %sign3A_229 : i1 to i32
      %sign3A_231 = arith.subi %sign3A_227, %sign3A_230 : i32
      %sign3A_232 = arith.constant 0 : i32
      %sign3A_233 = arith.cmpi sgt, %jit3A_223, %sign3A_232 : i32
      %sign3A_234 = arith.extui %sign3A_233 : i1 to i32
      %sign3A_235 = arith.constant 0 : i32
      %sign3A_236 = arith.cmpi slt, %jit3A_223, %sign3A_235 : i32
      %sign3A_237 = arith.extui %sign3A_236 : i1 to i32
      %sign3A_238 = arith.subi %sign3A_234, %sign3A_237 : i32
      %ne3A_239 = arith.cmpi ne, %sign3A_231, %sign3A_238 : i32
      %rem3A_240 = arith.remsi %select_n3A, %jit3A_223 : i32
      %ne3A_241 = arith.constant 0 : i32
      %ne3A_242 = arith.cmpi ne, %rem3A_240, %ne3A_241 : i32
      %and3A_243 = arith.andi %ne3A_239, %ne3A_242 : i1
      %sub3A_244 = arith.constant 1 : i32
      %sub3A_245 = arith.subi %div3A_224, %sub3A_244 : i32
      %select_n3A_246 = arith.select %and3A_243, %sub3A_245, %div3A_224 : i32
      %jit3A_247 = arith.constant 8 : i32
      %eq3A_248 = arith.constant 0 : i32
      %eq3A_249 = arith.cmpi eq, %jit3A_247, %eq3A_248 : i32
      %jit3A_250 = arith.constant 1 : i32
      %select_n3A_251 = arith.select %eq3A_249, %jit3A_250, %jit3A_247 : i32
      %rem3A_252 = arith.remsi %select_n3A, %select_n3A_251 : i32
      %ne3A_253 = arith.constant 0 : i32
      %ne3A_254 = arith.cmpi ne, %rem3A_252, %ne3A_253 : i32
      %lt3A_255 = arith.constant 0 : i32
      %lt3A_256 = arith.cmpi slt, %rem3A_252, %lt3A_255 : i32
      %lt3A_257 = arith.constant 0 : i32
      %lt3A_258 = arith.cmpi slt, %select_n3A_251, %lt3A_257 : i32
      %ne3A_259 = arith.xori %lt3A_256, %lt3A_258 : i1
      %and3A_260 = arith.andi %ne3A_259, %ne3A_254 : i1
      %add3A_261 = arith.addi %rem3A_252, %select_n3A_251 : i32
      %select_n3A_262 = arith.select %and3A_260, %add3A_261, %rem3A_252 : i32
      %mul3A_263 = arith.constant 16 : i32
      %mul3A_264 = arith.muli %select_n3A_201, %mul3A_263 : i32
      %add3A_265 = arith.constant 128 : i32
      %add3A_266 = arith.addi %add3A_265, %mul3A_264 : i32
      %swap3A = arith.index_cast %select_n3A_246 : i32 to index
      %swap3A_267 = arith.index_cast %select_n3A_262 : i32 to index
      %swap3A_268 = arith.index_cast %add3A_266 : i32 to index
      %swap3A_269 = tpu.vector_load %arg5[%swap3A, %swap3A_267, %swap3A_268] {strides = array<i32>} : memref<8x8x400xf32, #tpu.memory_space<vmem>>, vector<16xf32>,
      tpu.vector_store %arg5[%swap3A, %swap3A_267, %swap3A_268], %gather3A {strides = array<i32>} : memref<8x8x400xf32, #tpu.memory_space<vmem>>, vector<16xf32>,
      %scan3A_270 = arith.constant 0 : i32
      scf.yield %scan3A_270 : i32
    }
    %scan3A_43 = arith.constant 576 : i32
    %scan3A_44 = arith.constant 0 : i32
    %scan3A_45 = arith.constant 0 : i32
    %scan3A_46 = arith.constant 128 : i32
    %scan3A_47 = arith.addi %scan3A_45, %scan3A_46 : i32
    %scan3A_48 = arith.constant 1 : i32
    %scan3A_49 = scf.for %scan3A_170 = %scan3A_45 to %scan3A_47 step %scan3A_48 iter_args(%scan3A_171 = %scan3A_44) -> (i32)  : i32 {
      %dma_wait3A = arith.constant 0 : i32
      %dma_wait3A_172 = arith.constant 0 : i32
      %dma_wait3A_173 = arith.constant 0 : i32
      %dma_wait3A_174 = arith.constant 0 : i32
      %dma_wait3A_175 = tpu.memref_slice %arg5[%dma_wait3A_172, %dma_wait3A_173, %dma_wait3A_174] : memref<8x8x400xf32, #tpu.memory_space<vmem>> -> memref<8x8x128xf32, #tpu.memory_space<vmem>>
      %dma_wait3A_176 = arith.constant 0 : i32
      %dma_wait3A_177 = arith.constant 0 : i32
      %dma_wait3A_178 = arith.constant 0 : i32
      %dma_wait3A_179 = tpu.memref_slice %arg3[%mul3A_2, %dma_wait3A_176, %dma_wait3A, %dma_wait3A_177, %dma_wait3A_178] : memref<2048x8x16x8x128xf32, #tpu.memory_space<hbm>> -> memref<1x8x1x8x128xf32, #tpu.memory_space<hbm>>
      %dma_wait3A_180 = tpu.memref_squeeze %dma_wait3A_179 : memref<1x8x1x8x128xf32, #tpu.memory_space<hbm>> -> memref<8x8x128xf32, #tpu.memory_space<hbm>>
      %dma_wait3A_181 = arith.constant 0 : i32
      %dma_wait3A_182 = arith.constant 0 : i32
      %dma_wait3A_183 = arith.constant 0 : i32
      %dma_wait3A_184 = tpu.memref_slice %arg3[%mul3A_2, %dma_wait3A_181, %dma_wait3A, %dma_wait3A_182, %dma_wait3A_183] : memref<2048x8x16x8x128xf32, #tpu.memory_space<hbm>> -> memref<1x8x1x8x128xf32, #tpu.memory_space<hbm>>
      %dma_wait3A_185 = tpu.memref_squeeze %dma_wait3A_184 : memref<1x8x1x8x128xf32, #tpu.memory_space<hbm>> -> memref<8x8x128xf32, #tpu.memory_space<hbm>>
      %dma_wait3A_186 = arith.constant 0 : i32
      %dma_wait3A_187 = arith.constant 0 : i32
      %dma_wait3A_188 = arith.constant 0 : i32
      %dma_wait3A_189 = tpu.memref_slice %arg5[%dma_wait3A_186, %dma_wait3A_187, %dma_wait3A_188] : memref<8x8x400xf32, #tpu.memory_space<vmem>> -> memref<8x8x128xf32, #tpu.memory_space<vmem>>
      tpu.wait_dma2 semaphore(%arg7 : memref<!tpu.dma_semaphore, #tpu.memory_space<semaphore_mem>>) src(%dma_wait3A_189 : memref<8x8x128xf32, #tpu.memory_space<vmem>>) dst(%dma_wait3A_185 : memref<8x8x128xf32, #tpu.memory_space<hbm>>)
      %scan3A_190 = arith.constant 0 : i32
      scf.yield %scan3A_190 : i32
    }
    %scan3A_50 = arith.constant 128 : i32
    %scan3A_51 = arith.constant 0 : i32
    %scan3A_52 = arith.constant 0 : i32
    %scan3A_53 = arith.constant 128 : i32
    %scan3A_54 = arith.addi %scan3A_52, %scan3A_53 : i32
    %scan3A_55 = arith.constant 1 : i32
    %scan3A_56 = scf.for %scan3A_170 = %scan3A_52 to %scan3A_54 step %scan3A_55 iter_args(%scan3A_171 = %scan3A_51) -> (i32)  : i32 {
      %jit3A = arith.constant 16 : i32
      %div3A = arith.divsi %scan3A_170, %jit3A : i32
      %sign3A = arith.constant 0 : i32
      %sign3A_172 = arith.cmpi sgt, %scan3A_170, %sign3A : i32
      %sign3A_173 = arith.extui %sign3A_172 : i1 to i32
      %sign3A_174 = arith.constant 0 : i32
      %sign3A_175 = arith.cmpi slt, %scan3A_170, %sign3A_174 : i32
      %sign3A_176 = arith.extui %sign3A_175 : i1 to i32
      %sign3A_177 = arith.subi %sign3A_173, %sign3A_176 : i32
      %sign3A_178 = arith.constant 0 : i32
      %sign3A_179 = arith.cmpi sgt, %jit3A, %sign3A_178 : i32
      %sign3A_180 = arith.extui %sign3A_179 : i1 to i32
      %sign3A_181 = arith.constant 0 : i32
      %sign3A_182 = arith.cmpi slt, %jit3A, %sign3A_181 : i32
      %sign3A_183 = arith.extui %sign3A_182 : i1 to i32
      %sign3A_184 = arith.subi %sign3A_180, %sign3A_183 : i32
      %ne3A = arith.cmpi ne, %sign3A_177, %sign3A_184 : i32
      %rem3A = arith.remsi %scan3A_170, %jit3A : i32
      %ne3A_185 = arith.constant 0 : i32
      %ne3A_186 = arith.cmpi ne, %rem3A, %ne3A_185 : i32
      %and3A = arith.andi %ne3A, %ne3A_186 : i1
      %sub3A = arith.constant 1 : i32
      %sub3A_187 = arith.subi %div3A, %sub3A : i32
      %select_n3A = arith.select %and3A, %sub3A_187, %div3A : i32
      %jit3A_188 = arith.constant 16 : i32
      %eq3A = arith.constant 0 : i32
      %eq3A_189 = arith.cmpi eq, %jit3A_188, %eq3A : i32
      %jit3A_190 = arith.constant 1 : i32
      %select_n3A_191 = arith.select %eq3A_189, %jit3A_190, %jit3A_188 : i32
      %rem3A_192 = arith.remsi %scan3A_170, %select_n3A_191 : i32
      %ne3A_193 = arith.constant 0 : i32
      %ne3A_194 = arith.cmpi ne, %rem3A_192, %ne3A_193 : i32
      %lt3A = arith.constant 0 : i32
      %lt3A_195 = arith.cmpi slt, %rem3A_192, %lt3A : i32
      %lt3A_196 = arith.constant 0 : i32
      %lt3A_197 = arith.cmpi slt, %select_n3A_191, %lt3A_196 : i32
      %ne3A_198 = arith.xori %lt3A_195, %lt3A_197 : i1
      %and3A_199 = arith.andi %ne3A_198, %ne3A_194 : i1
      %add3A_200 = arith.addi %rem3A_192, %select_n3A_191 : i32
      %select_n3A_201 = arith.select %and3A_199, %add3A_200, %rem3A_192 : i32
      %mul3A_202 = arith.constant 8 : i32
      %mul3A_203 = arith.muli %select_n3A, %mul3A_202 : i32
      %add3A_204 = arith.addi %mul3A_2, %mul3A_203 : i32
      %add3A_205 = arith.constant 2 : i32
      %add3A_206 = arith.addi %add3A_204, %add3A_205 : i32
      %sub3A_207 = arith.constant 2048 : i32
      %sub3A_208 = arith.subi %sub3A_207, %add3A_206 : i32
      %mul3A_209 = arith.constant 128 : i32
      %mul3A_210 = arith.muli %select_n3A_201, %mul3A_209 : i32
      %add3A_211 = arith.addi %sub3A_208, %mul3A_210 : i32
      %sub3A_212 = arith.constant 1848 : i32
      %sub3A_213 = arith.subi %add3A_211, %sub3A_212 : i32
      %sub3A_214 = arith.constant 6 : i32
      %sub3A_215 = arith.subi %sub3A_213, %sub3A_214 : i32
      %jit3A_216 = arith.constant 0 : i32
      %jit3A_217 = arith.constant 272 : i32
      %max3A = arith.maxsi %jit3A_216, %sub3A_215 : i32
      %min3A = arith.minsi %jit3A_217, %max3A : i32
      %multiple_of3A = tpu.assume_multiple %min3A, 8 : i32
      %dma_start3A = arith.constant 0 : i32
      %dma_start3A_218 = arith.constant 0 : i32
      %dma_start3A_219 = tpu.memref_slice %arg5[%dma_start3A, %dma_start3A_218, %multiple_of3A] : memref<8x8x400xf32, #tpu.memory_space<vmem>> -> memref<8x8x128xf32, #tpu.memory_space<vmem>>
      %dma_start3A_220 = arith.constant 0 : i32
      %dma_start3A_221 = arith.constant 0 : i32
      %dma_start3A_222 = arith.constant 0 : i32
      %dma_start3A_223 = tpu.memref_slice %arg3[%add3A_206, %dma_start3A_220, %select_n3A_201, %dma_start3A_221, %dma_start3A_222] : memref<2048x8x16x8x128xf32, #tpu.memory_space<hbm>> -> memref<1x8x1x8x128xf32, #tpu.memory_space<hbm>>
      %dma_start3A_224 = tpu.memref_squeeze %dma_start3A_223 : memref<1x8x1x8x128xf32, #tpu.memory_space<hbm>> -> memref<8x8x128xf32, #tpu.memory_space<hbm>>
      %dma_start3A_225 = arith.constant 0 : i32
      %dma_start3A_226 = arith.constant 0 : i32
      %dma_start3A_227 = arith.constant 0 : i32
      %dma_start3A_228 = tpu.memref_slice %arg3[%add3A_206, %dma_start3A_225, %select_n3A_201, %dma_start3A_226, %dma_start3A_227] : memref<2048x8x16x8x128xf32, #tpu.memory_space<hbm>> -> memref<1x8x1x8x128xf32, #tpu.memory_space<hbm>>
      %dma_start3A_229 = tpu.memref_squeeze %dma_start3A_228 : memref<1x8x1x8x128xf32, #tpu.memory_space<hbm>> -> memref<8x8x128xf32, #tpu.memory_space<hbm>>
      %dma_start3A_230 = arith.constant 0 : i32
      %dma_start3A_231 = arith.constant 0 : i32
      %dma_start3A_232 = tpu.memref_slice %arg5[%dma_start3A_230, %dma_start3A_231, %multiple_of3A] : memref<8x8x400xf32, #tpu.memory_space<vmem>> -> memref<8x8x128xf32, #tpu.memory_space<vmem>>
      tpu.enqueue_dma source(%dma_start3A_232 : memref<8x8x128xf32, #tpu.memory_space<vmem>>) target(%dma_start3A_229 : memref<8x8x128xf32, #tpu.memory_space<hbm>>) target_semaphore(%arg7 : memref<!tpu.dma_semaphore, #tpu.memory_space<semaphore_mem>>)
      %scan3A_233 = arith.constant 0 : i32
      scf.yield %scan3A_233 : i32
    }
    %scan3A_57 = arith.constant 128 : i32
    %scan3A_58 = arith.constant 0 : i32
    %scan3A_59 = arith.constant 0 : i32
    %scan3A_60 = arith.constant 576 : i32
    %scan3A_61 = arith.addi %scan3A_59, %scan3A_60 : i32
    %scan3A_62 = arith.constant 1 : i32
    %scan3A_63 = scf.for %scan3A_170 = %scan3A_59 to %scan3A_61 step %scan3A_62 iter_args(%scan3A_171 = %scan3A_58) -> (i32)  : i32 {
      %jit3A = arith.constant 9 : i32
      %div3A = arith.divsi %scan3A_170, %jit3A : i32
      %sign3A = arith.constant 0 : i32
      %sign3A_172 = arith.cmpi sgt, %scan3A_170, %sign3A : i32
      %sign3A_173 = arith.extui %sign3A_172 : i1 to i32
      %sign3A_174 = arith.constant 0 : i32
      %sign3A_175 = arith.cmpi slt, %scan3A_170, %sign3A_174 : i32
      %sign3A_176 = arith.extui %sign3A_175 : i1 to i32
      %sign3A_177 = arith.subi %sign3A_173, %sign3A_176 : i32
      %sign3A_178 = arith.constant 0 : i32
      %sign3A_179 = arith.cmpi sgt, %jit3A, %sign3A_178 : i32
      %sign3A_180 = arith.extui %sign3A_179 : i1 to i32
      %sign3A_181 = arith.constant 0 : i32
      %sign3A_182 = arith.cmpi slt, %jit3A, %sign3A_181 : i32
      %sign3A_183 = arith.extui %sign3A_182 : i1 to i32
      %sign3A_184 = arith.subi %sign3A_180, %sign3A_183 : i32
      %ne3A = arith.cmpi ne, %sign3A_177, %sign3A_184 : i32
      %rem3A = arith.remsi %scan3A_170, %jit3A : i32
      %ne3A_185 = arith.constant 0 : i32
      %ne3A_186 = arith.cmpi ne, %rem3A, %ne3A_185 : i32
      %and3A = arith.andi %ne3A, %ne3A_186 : i1
      %sub3A = arith.constant 1 : i32
      %sub3A_187 = arith.subi %div3A, %sub3A : i32
      %select_n3A = arith.select %and3A, %sub3A_187, %div3A : i32
      %jit3A_188 = arith.constant 9 : i32
      %eq3A = arith.constant 0 : i32
      %eq3A_189 = arith.cmpi eq, %jit3A_188, %eq3A : i32
      %jit3A_190 = arith.constant 1 : i32
      %select_n3A_191 = arith.select %eq3A_189, %jit3A_190, %jit3A_188 : i32
      %rem3A_192 = arith.remsi %scan3A_170, %select_n3A_191 : i32
      %ne3A_193 = arith.constant 0 : i32
      %ne3A_194 = arith.cmpi ne, %rem3A_192, %ne3A_193 : i32
      %lt3A = arith.constant 0 : i32
      %lt3A_195 = arith.cmpi slt, %rem3A_192, %lt3A : i32
      %lt3A_196 = arith.constant 0 : i32
      %lt3A_197 = arith.cmpi slt, %select_n3A_191, %lt3A_196 : i32
      %ne3A_198 = arith.xori %lt3A_195, %lt3A_197 : i1
      %and3A_199 = arith.andi %ne3A_198, %ne3A_194 : i1
      %add3A_200 = arith.addi %rem3A_192, %select_n3A_191 : i32
      %select_n3A_201 = arith.select %and3A_199, %add3A_200, %rem3A_192 : i32
      %mul3A_202 = arith.constant 16 : i32
      %mul3A_203 = arith.muli %select_n3A_201, %mul3A_202 : i32
      %add3A_204 = arith.constant 128 : i32
      %add3A_205 = arith.addi %add3A_204, %mul3A_203 : i32
      %add3A_206 = vector.broadcast %add3A_205 : i32 to vector<16xi32>
      %add3A_207 = arith.addi %add3A_206, %iota3A : vector<16xi32>
      %add3A_208 = arith.constant 5 : i32
      %add3A_209 = vector.broadcast %add3A_208 : i32 to vector<16xi32>
      %add3A_210 = arith.addi %add3A_207, %add3A_209 : vector<16xi32>
      %sub3A_211 = arith.constant 136 : i32
      %sub3A_212 = vector.broadcast %sub3A_211 : i32 to vector<16xi32>
      %sub3A_213 = arith.subi %add3A_210, %sub3A_212 : vector<16xi32>
      %jit3A_214 = arith.constant 0 : i32
      %jit3A_215 = arith.constant 128 : i32
      %max3A = vector.broadcast %jit3A_214 : i32 to vector<16xi32>
      %max3A_216 = arith.maxsi %max3A, %sub3A_213 : vector<16xi32>
      %min3A = vector.broadcast %jit3A_215 : i32 to vector<16xi32>
      %min3A_217 = arith.minsi %min3A, %max3A_216 : vector<16xi32>
      %mul3A_218 = arith.constant 64 : i32
      %mul3A_219 = vector.broadcast %mul3A_218 : i32 to vector<16xi32>
      %mul3A_220 = arith.muli %min3A_217, %mul3A_219 : vector<16xi32>
      %add3A_221 = vector.broadcast %select_n3A : i32 to vector<16xi32>
      %add3A_222 = arith.addi %mul3A_220, %add3A_221 : vector<16xi32>
      %gather3A = tpu.vector_load_idx %arg4[%add3A_222] : memref<8256xf32, #tpu.memory_space<vmem>>[vector<16xi32>], vector<16xf32>,
      %jit3A_223 = arith.constant 8 : i32
      %div3A_224 = arith.divsi %select_n3A, %jit3A_223 : i32
      %sign3A_225 = arith.constant 0 : i32
      %sign3A_226 = arith.cmpi sgt, %select_n3A, %sign3A_225 : i32
      %sign3A_227 = arith.extui %sign3A_226 : i1 to i32
      %sign3A_228 = arith.constant 0 : i32
      %sign3A_229 = arith.cmpi slt, %select_n3A, %sign3A_228 : i32
      %sign3A_230 = arith.extui %sign3A_229 : i1 to i32
      %sign3A_231 = arith.subi %sign3A_227, %sign3A_230 : i32
      %sign3A_232 = arith.constant 0 : i32
      %sign3A_233 = arith.cmpi sgt, %jit3A_223, %sign3A_232 : i32
      %sign3A_234 = arith.extui %sign3A_233 : i1 to i32
      %sign3A_235 = arith.constant 0 : i32
      %sign3A_236 = arith.cmpi slt, %jit3A_223, %sign3A_235 : i32
      %sign3A_237 = arith.extui %sign3A_236 : i1 to i32
      %sign3A_238 = arith.subi %sign3A_234, %sign3A_237 : i32
      %ne3A_239 = arith.cmpi ne, %sign3A_231, %sign3A_238 : i32
      %rem3A_240 = arith.remsi %select_n3A, %jit3A_223 : i32
      %ne3A_241 = arith.constant 0 : i32
      %ne3A_242 = arith.cmpi ne, %rem3A_240, %ne3A_241 : i32
      %and3A_243 = arith.andi %ne3A_239, %ne3A_242 : i1
      %sub3A_244 = arith.constant 1 : i32
      %sub3A_245 = arith.subi %div3A_224, %sub3A_244 : i32
      %select_n3A_246 = arith.select %and3A_243, %sub3A_245, %div3A_224 : i32
      %jit3A_247 = arith.constant 8 : i32
      %eq3A_248 = arith.constant 0 : i32
      %eq3A_249 = arith.cmpi eq, %jit3A_247, %eq3A_248 : i32
      %jit3A_250 = arith.constant 1 : i32
      %select_n3A_251 = arith.select %eq3A_249, %jit3A_250, %jit3A_247 : i32
      %rem3A_252 = arith.remsi %select_n3A, %select_n3A_251 : i32
      %ne3A_253 = arith.constant 0 : i32
      %ne3A_254 = arith.cmpi ne, %rem3A_252, %ne3A_253 : i32
      %lt3A_255 = arith.constant 0 : i32
      %lt3A_256 = arith.cmpi slt, %rem3A_252, %lt3A_255 : i32
      %lt3A_257 = arith.constant 0 : i32
      %lt3A_258 = arith.cmpi slt, %select_n3A_251, %lt3A_257 : i32
      %ne3A_259 = arith.xori %lt3A_256, %lt3A_258 : i1
      %and3A_260 = arith.andi %ne3A_259, %ne3A_254 : i1
      %add3A_261 = arith.addi %rem3A_252, %select_n3A_251 : i32
      %select_n3A_262 = arith.select %and3A_260, %add3A_261, %rem3A_252 : i32
      %mul3A_263 = arith.constant 16 : i32
      %mul3A_264 = arith.muli %select_n3A_201, %mul3A_263 : i32
      %add3A_265 = arith.constant 128 : i32
      %add3A_266 = arith.addi %add3A_265, %mul3A_264 : i32
      %swap3A = arith.index_cast %select_n3A_246 : i32 to index
      %swap3A_267 = arith.index_cast %select_n3A_262 : i32 to index
      %swap3A_268 = arith.index_cast %add3A_266 : i32 to index
      %swap3A_269 = tpu.vector_load %arg6[%swap3A, %swap3A_267, %swap3A_268] {strides = array<i32>} : memref<8x8x400xf32, #tpu.memory_space<vmem>>, vector<16xf32>,
      tpu.vector_store %arg6[%swap3A, %swap3A_267, %swap3A_268], %gather3A {strides = array<i32>} : memref<8x8x400xf32, #tpu.memory_space<vmem>>, vector<16xf32>,
      %scan3A_270 = arith.constant 0 : i32
      scf.yield %scan3A_270 : i32
    }
    %scan3A_64 = arith.constant 576 : i32
    %scan3A_65 = arith.constant 0 : i32
    %scan3A_66 = arith.constant 0 : i32
    %scan3A_67 = arith.constant 128 : i32
    %scan3A_68 = arith.addi %scan3A_66, %scan3A_67 : i32
    %scan3A_69 = arith.constant 1 : i32
    %scan3A_70 = scf.for %scan3A_170 = %scan3A_66 to %scan3A_68 step %scan3A_69 iter_args(%scan3A_171 = %scan3A_65) -> (i32)  : i32 {
      %dma_wait3A = arith.constant 0 : i32
      %dma_wait3A_172 = arith.constant 0 : i32
      %dma_wait3A_173 = arith.constant 0 : i32
      %dma_wait3A_174 = arith.constant 0 : i32
      %dma_wait3A_175 = tpu.memref_slice %arg5[%dma_wait3A_172, %dma_wait3A_173, %dma_wait3A_174] : memref<8x8x400xf32, #tpu.memory_space<vmem>> -> memref<8x8x128xf32, #tpu.memory_space<vmem>>
      %dma_wait3A_176 = arith.constant 0 : i32
      %dma_wait3A_177 = arith.constant 0 : i32
      %dma_wait3A_178 = arith.constant 0 : i32
      %dma_wait3A_179 = tpu.memref_slice %arg3[%mul3A_2, %dma_wait3A_176, %dma_wait3A, %dma_wait3A_177, %dma_wait3A_178] : memref<2048x8x16x8x128xf32, #tpu.memory_space<hbm>> -> memref<1x8x1x8x128xf32, #tpu.memory_space<hbm>>
      %dma_wait3A_180 = tpu.memref_squeeze %dma_wait3A_179 : memref<1x8x1x8x128xf32, #tpu.memory_space<hbm>> -> memref<8x8x128xf32, #tpu.memory_space<hbm>>
      %dma_wait3A_181 = arith.constant 0 : i32
      %dma_wait3A_182 = arith.constant 0 : i32
      %dma_wait3A_183 = arith.constant 0 : i32
      %dma_wait3A_184 = tpu.memref_slice %arg3[%mul3A_2, %dma_wait3A_181, %dma_wait3A, %dma_wait3A_182, %dma_wait3A_183] : memref<2048x8x16x8x128xf32, #tpu.memory_space<hbm>> -> memref<1x8x1x8x128xf32, #tpu.memory_space<hbm>>
      %dma_wait3A_185 = tpu.memref_squeeze %dma_wait3A_184 : memref<1x8x1x8x128xf32, #tpu.memory_space<hbm>> -> memref<8x8x128xf32, #tpu.memory_space<hbm>>
      %dma_wait3A_186 = arith.constant 0 : i32
      %dma_wait3A_187 = arith.constant 0 : i32
      %dma_wait3A_188 = arith.constant 0 : i32
      %dma_wait3A_189 = tpu.memref_slice %arg5[%dma_wait3A_186, %dma_wait3A_187, %dma_wait3A_188] : memref<8x8x400xf32, #tpu.memory_space<vmem>> -> memref<8x8x128xf32, #tpu.memory_space<vmem>>
      tpu.wait_dma2 semaphore(%arg7 : memref<!tpu.dma_semaphore, #tpu.memory_space<semaphore_mem>>) src(%dma_wait3A_189 : memref<8x8x128xf32, #tpu.memory_space<vmem>>) dst(%dma_wait3A_185 : memref<8x8x128xf32, #tpu.memory_space<hbm>>)
      %scan3A_190 = arith.constant 0 : i32
      scf.yield %scan3A_190 : i32
    }
    %scan3A_71 = arith.constant 128 : i32
    %scan3A_72 = arith.constant 0 : i32
    %scan3A_73 = arith.constant 0 : i32
    %scan3A_74 = arith.constant 128 : i32
    %scan3A_75 = arith.addi %scan3A_73, %scan3A_74 : i32
    %scan3A_76 = arith.constant 1 : i32
    %scan3A_77 = scf.for %scan3A_170 = %scan3A_73 to %scan3A_75 step %scan3A_76 iter_args(%scan3A_171 = %scan3A_72) -> (i32)  : i32 {
      %jit3A = arith.constant 16 : i32
      %div3A = arith.divsi %scan3A_170, %jit3A : i32
      %sign3A = arith.constant 0 : i32
      %sign3A_172 = arith.cmpi sgt, %scan3A_170, %sign3A : i32
      %sign3A_173 = arith.extui %sign3A_172 : i1 to i32
      %sign3A_174 = arith.constant 0 : i32
      %sign3A_175 = arith.cmpi slt, %scan3A_170, %sign3A_174 : i32
      %sign3A_176 = arith.extui %sign3A_175 : i1 to i32
      %sign3A_177 = arith.subi %sign3A_173, %sign3A_176 : i32
      %sign3A_178 = arith.constant 0 : i32
      %sign3A_179 = arith.cmpi sgt, %jit3A, %sign3A_178 : i32
      %sign3A_180 = arith.extui %sign3A_179 : i1 to i32
      %sign3A_181 = arith.constant 0 : i32
      %sign3A_182 = arith.cmpi slt, %jit3A, %sign3A_181 : i32
      %sign3A_183 = arith.extui %sign3A_182 : i1 to i32
      %sign3A_184 = arith.subi %sign3A_180, %sign3A_183 : i32
      %ne3A = arith.cmpi ne, %sign3A_177, %sign3A_184 : i32
      %rem3A = arith.remsi %scan3A_170, %jit3A : i32
      %ne3A_185 = arith.constant 0 : i32
      %ne3A_186 = arith.cmpi ne, %rem3A, %ne3A_185 : i32
      %and3A = arith.andi %ne3A, %ne3A_186 : i1
      %sub3A = arith.constant 1 : i32
      %sub3A_187 = arith.subi %div3A, %sub3A : i32
      %select_n3A = arith.select %and3A, %sub3A_187, %div3A : i32
      %jit3A_188 = arith.constant 16 : i32
      %eq3A = arith.constant 0 : i32
      %eq3A_189 = arith.cmpi eq, %jit3A_188, %eq3A : i32
      %jit3A_190 = arith.constant 1 : i32
      %select_n3A_191 = arith.select %eq3A_189, %jit3A_190, %jit3A_188 : i32
      %rem3A_192 = arith.remsi %scan3A_170, %select_n3A_191 : i32
      %ne3A_193 = arith.constant 0 : i32
      %ne3A_194 = arith.cmpi ne, %rem3A_192, %ne3A_193 : i32
      %lt3A = arith.constant 0 : i32
      %lt3A_195 = arith.cmpi slt, %rem3A_192, %lt3A : i32
      %lt3A_196 = arith.constant 0 : i32
      %lt3A_197 = arith.cmpi slt, %select_n3A_191, %lt3A_196 : i32
      %ne3A_198 = arith.xori %lt3A_195, %lt3A_197 : i1
      %and3A_199 = arith.andi %ne3A_198, %ne3A_194 : i1
      %add3A_200 = arith.addi %rem3A_192, %select_n3A_191 : i32
      %select_n3A_201 = arith.select %and3A_199, %add3A_200, %rem3A_192 : i32
      %mul3A_202 = arith.constant 8 : i32
      %mul3A_203 = arith.muli %select_n3A, %mul3A_202 : i32
      %add3A_204 = arith.addi %mul3A_2, %mul3A_203 : i32
      %add3A_205 = arith.constant 3 : i32
      %add3A_206 = arith.addi %add3A_204, %add3A_205 : i32
      %sub3A_207 = arith.constant 2048 : i32
      %sub3A_208 = arith.subi %sub3A_207, %add3A_206 : i32
      %mul3A_209 = arith.constant 128 : i32
      %mul3A_210 = arith.muli %select_n3A_201, %mul3A_209 : i32
      %add3A_211 = arith.addi %sub3A_208, %mul3A_210 : i32
      %sub3A_212 = arith.constant 1848 : i32
      %sub3A_213 = arith.subi %add3A_211, %sub3A_212 : i32
      %sub3A_214 = arith.constant 5 : i32
      %sub3A_215 = arith.subi %sub3A_213, %sub3A_214 : i32
      %jit3A_216 = arith.constant 0 : i32
      %jit3A_217 = arith.constant 272 : i32
      %max3A = arith.maxsi %jit3A_216, %sub3A_215 : i32
      %min3A = arith.minsi %jit3A_217, %max3A : i32
      %multiple_of3A = tpu.assume_multiple %min3A, 8 : i32
      %dma_start3A = arith.constant 0 : i32
      %dma_start3A_218 = arith.constant 0 : i32
      %dma_start3A_219 = tpu.memref_slice %arg6[%dma_start3A, %dma_start3A_218, %multiple_of3A] : memref<8x8x400xf32, #tpu.memory_space<vmem>> -> memref<8x8x128xf32, #tpu.memory_space<vmem>>
      %dma_start3A_220 = arith.constant 0 : i32
      %dma_start3A_221 = arith.constant 0 : i32
      %dma_start3A_222 = arith.constant 0 : i32
      %dma_start3A_223 = tpu.memref_slice %arg3[%add3A_206, %dma_start3A_220, %select_n3A_201, %dma_start3A_221, %dma_start3A_222] : memref<2048x8x16x8x128xf32, #tpu.memory_space<hbm>> -> memref<1x8x1x8x128xf32, #tpu.memory_space<hbm>>
      %dma_start3A_224 = tpu.memref_squeeze %dma_start3A_223 : memref<1x8x1x8x128xf32, #tpu.memory_space<hbm>> -> memref<8x8x128xf32, #tpu.memory_space<hbm>>
      %dma_start3A_225 = arith.constant 0 : i32
      %dma_start3A_226 = arith.constant 0 : i32
      %dma_start3A_227 = arith.constant 0 : i32
      %dma_start3A_228 = tpu.memref_slice %arg3[%add3A_206, %dma_start3A_225, %select_n3A_201, %dma_start3A_226, %dma_start3A_227] : memref<2048x8x16x8x128xf32, #tpu.memory_space<hbm>> -> memref<1x8x1x8x128xf32, #tpu.memory_space<hbm>>
      %dma_start3A_229 = tpu.memref_squeeze %dma_start3A_228 : memref<1x8x1x8x128xf32, #tpu.memory_space<hbm>> -> memref<8x8x128xf32, #tpu.memory_space<hbm>>
      %dma_start3A_230 = arith.constant 0 : i32
      %dma_start3A_231 = arith.constant 0 : i32
      %dma_start3A_232 = tpu.memref_slice %arg6[%dma_start3A_230, %dma_start3A_231, %multiple_of3A] : memref<8x8x400xf32, #tpu.memory_space<vmem>> -> memref<8x8x128xf32, #tpu.memory_space<vmem>>
      tpu.enqueue_dma source(%dma_start3A_232 : memref<8x8x128xf32, #tpu.memory_space<vmem>>) target(%dma_start3A_229 : memref<8x8x128xf32, #tpu.memory_space<hbm>>) target_semaphore(%arg7 : memref<!tpu.dma_semaphore, #tpu.memory_space<semaphore_mem>>)
      %scan3A_233 = arith.constant 0 : i32
      scf.yield %scan3A_233 : i32
    }
    %scan3A_78 = arith.constant 128 : i32
    %scan3A_79 = arith.constant 0 : i32
    %scan3A_80 = arith.constant 0 : i32
    %scan3A_81 = arith.constant 576 : i32
    %scan3A_82 = arith.addi %scan3A_80, %scan3A_81 : i32
    %scan3A_83 = arith.constant 1 : i32
    %scan3A_84 = scf.for %scan3A_170 = %scan3A_80 to %scan3A_82 step %scan3A_83 iter_args(%scan3A_171 = %scan3A_79) -> (i32)  : i32 {
      %jit3A = arith.constant 9 : i32
      %div3A = arith.divsi %scan3A_170, %jit3A : i32
      %sign3A = arith.constant 0 : i32
      %sign3A_172 = arith.cmpi sgt, %scan3A_170, %sign3A : i32
      %sign3A_173 = arith.extui %sign3A_172 : i1 to i32
      %sign3A_174 = arith.constant 0 : i32
      %sign3A_175 = arith.cmpi slt, %scan3A_170, %sign3A_174 : i32
      %sign3A_176 = arith.extui %sign3A_175 : i1 to i32
      %sign3A_177 = arith.subi %sign3A_173, %sign3A_176 : i32
      %sign3A_178 = arith.constant 0 : i32
      %sign3A_179 = arith.cmpi sgt, %jit3A, %sign3A_178 : i32
      %sign3A_180 = arith.extui %sign3A_179 : i1 to i32
      %sign3A_181 = arith.constant 0 : i32
      %sign3A_182 = arith.cmpi slt, %jit3A, %sign3A_181 : i32
      %sign3A_183 = arith.extui %sign3A_182 : i1 to i32
      %sign3A_184 = arith.subi %sign3A_180, %sign3A_183 : i32
      %ne3A = arith.cmpi ne, %sign3A_177, %sign3A_184 : i32
      %rem3A = arith.remsi %scan3A_170, %jit3A : i32
      %ne3A_185 = arith.constant 0 : i32
      %ne3A_186 = arith.cmpi ne, %rem3A, %ne3A_185 : i32
      %and3A = arith.andi %ne3A, %ne3A_186 : i1
      %sub3A = arith.constant 1 : i32
      %sub3A_187 = arith.subi %div3A, %sub3A : i32
      %select_n3A = arith.select %and3A, %sub3A_187, %div3A : i32
      %jit3A_188 = arith.constant 9 : i32
      %eq3A = arith.constant 0 : i32
      %eq3A_189 = arith.cmpi eq, %jit3A_188, %eq3A : i32
      %jit3A_190 = arith.constant 1 : i32
      %select_n3A_191 = arith.select %eq3A_189, %jit3A_190, %jit3A_188 : i32
      %rem3A_192 = arith.remsi %scan3A_170, %select_n3A_191 : i32
      %ne3A_193 = arith.constant 0 : i32
      %ne3A_194 = arith.cmpi ne, %rem3A_192, %ne3A_193 : i32
      %lt3A = arith.constant 0 : i32
      %lt3A_195 = arith.cmpi slt, %rem3A_192, %lt3A : i32
      %lt3A_196 = arith.constant 0 : i32
      %lt3A_197 = arith.cmpi slt, %select_n3A_191, %lt3A_196 : i32
      %ne3A_198 = arith.xori %lt3A_195, %lt3A_197 : i1
      %and3A_199 = arith.andi %ne3A_198, %ne3A_194 : i1
      %add3A_200 = arith.addi %rem3A_192, %select_n3A_191 : i32
      %select_n3A_201 = arith.select %and3A_199, %add3A_200, %rem3A_192 : i32
      %mul3A_202 = arith.constant 16 : i32
      %mul3A_203 = arith.muli %select_n3A_201, %mul3A_202 : i32
      %add3A_204 = arith.constant 128 : i32
      %add3A_205 = arith.addi %add3A_204, %mul3A_203 : i32
      %add3A_206 = vector.broadcast %add3A_205 : i32 to vector<16xi32>
      %add3A_207 = arith.addi %add3A_206, %iota3A : vector<16xi32>
      %add3A_208 = arith.constant 4 : i32
      %add3A_209 = vector.broadcast %add3A_208 : i32 to vector<16xi32>
      %add3A_210 = arith.addi %add3A_207, %add3A_209 : vector<16xi32>
      %sub3A_211 = arith.constant 136 : i32
      %sub3A_212 = vector.broadcast %sub3A_211 : i32 to vector<16xi32>
      %sub3A_213 = arith.subi %add3A_210, %sub3A_212 : vector<16xi32>
      %jit3A_214 = arith.constant 0 : i32
      %jit3A_215 = arith.constant 128 : i32
      %max3A = vector.broadcast %jit3A_214 : i32 to vector<16xi32>
      %max3A_216 = arith.maxsi %max3A, %sub3A_213 : vector<16xi32>
      %min3A = vector.broadcast %jit3A_215 : i32 to vector<16xi32>
      %min3A_217 = arith.minsi %min3A, %max3A_216 : vector<16xi32>
      %mul3A_218 = arith.constant 64 : i32
      %mul3A_219 = vector.broadcast %mul3A_218 : i32 to vector<16xi32>
      %mul3A_220 = arith.muli %min3A_217, %mul3A_219 : vector<16xi32>
      %add3A_221 = vector.broadcast %select_n3A : i32 to vector<16xi32>
      %add3A_222 = arith.addi %mul3A_220, %add3A_221 : vector<16xi32>
      %gather3A = tpu.vector_load_idx %arg4[%add3A_222] : memref<8256xf32, #tpu.memory_space<vmem>>[vector<16xi32>], vector<16xf32>,
      %jit3A_223 = arith.constant 8 : i32
      %div3A_224 = arith.divsi %select_n3A, %jit3A_223 : i32
      %sign3A_225 = arith.constant 0 : i32
      %sign3A_226 = arith.cmpi sgt, %select_n3A, %sign3A_225 : i32
      %sign3A_227 = arith.extui %sign3A_226 : i1 to i32
      %sign3A_228 = arith.constant 0 : i32
      %sign3A_229 = arith.cmpi slt, %select_n3A, %sign3A_228 : i32
      %sign3A_230 = arith.extui %sign3A_229 : i1 to i32
      %sign3A_231 = arith.subi %sign3A_227, %sign3A_230 : i32
      %sign3A_232 = arith.constant 0 : i32
      %sign3A_233 = arith.cmpi sgt, %jit3A_223, %sign3A_232 : i32
      %sign3A_234 = arith.extui %sign3A_233 : i1 to i32
      %sign3A_235 = arith.constant 0 : i32
      %sign3A_236 = arith.cmpi slt, %jit3A_223, %sign3A_235 : i32
      %sign3A_237 = arith.extui %sign3A_236 : i1 to i32
      %sign3A_238 = arith.subi %sign3A_234, %sign3A_237 : i32
      %ne3A_239 = arith.cmpi ne, %sign3A_231, %sign3A_238 : i32
      %rem3A_240 = arith.remsi %select_n3A, %jit3A_223 : i32
      %ne3A_241 = arith.constant 0 : i32
      %ne3A_242 = arith.cmpi ne, %rem3A_240, %ne3A_241 : i32
      %and3A_243 = arith.andi %ne3A_239, %ne3A_242 : i1
      %sub3A_244 = arith.constant 1 : i32
      %sub3A_245 = arith.subi %div3A_224, %sub3A_244 : i32
      %select_n3A_246 = arith.select %and3A_243, %sub3A_245, %div3A_224 : i32
      %jit3A_247 = arith.constant 8 : i32
      %eq3A_248 = arith.constant 0 : i32
      %eq3A_249 = arith.cmpi eq, %jit3A_247, %eq3A_248 : i32
      %jit3A_250 = arith.constant 1 : i32
      %select_n3A_251 = arith.select %eq3A_249, %jit3A_250, %jit3A_247 : i32
      %rem3A_252 = arith.remsi %select_n3A, %select_n3A_251 : i32
      %ne3A_253 = arith.constant 0 : i32
      %ne3A_254 = arith.cmpi ne, %rem3A_252, %ne3A_253 : i32
      %lt3A_255 = arith.constant 0 : i32
      %lt3A_256 = arith.cmpi slt, %rem3A_252, %lt3A_255 : i32
      %lt3A_257 = arith.constant 0 : i32
      %lt3A_258 = arith.cmpi slt, %select_n3A_251, %lt3A_257 : i32
      %ne3A_259 = arith.xori %lt3A_256, %lt3A_258 : i1
      %and3A_260 = arith.andi %ne3A_259, %ne3A_254 : i1
      %add3A_261 = arith.addi %rem3A_252, %select_n3A_251 : i32
      %select_n3A_262 = arith.select %and3A_260, %add3A_261, %rem3A_252 : i32
      %mul3A_263 = arith.constant 16 : i32
      %mul3A_264 = arith.muli %select_n3A_201, %mul3A_263 : i32
      %add3A_265 = arith.constant 128 : i32
      %add3A_266 = arith.addi %add3A_265, %mul3A_264 : i32
      %swap3A = arith.index_cast %select_n3A_246 : i32 to index
      %swap3A_267 = arith.index_cast %select_n3A_262 : i32 to index
      %swap3A_268 = arith.index_cast %add3A_266 : i32 to index
      %swap3A_269 = tpu.vector_load %arg5[%swap3A, %swap3A_267, %swap3A_268] {strides = array<i32>} : memref<8x8x400xf32, #tpu.memory_space<vmem>>, vector<16xf32>,
      tpu.vector_store %arg5[%swap3A, %swap3A_267, %swap3A_268], %gather3A {strides = array<i32>} : memref<8x8x400xf32, #tpu.memory_space<vmem>>, vector<16xf32>,
      %scan3A_270 = arith.constant 0 : i32
      scf.yield %scan3A_270 : i32
    }
    %scan3A_85 = arith.constant 576 : i32
    %scan3A_86 = arith.constant 0 : i32
    %scan3A_87 = arith.constant 0 : i32
    %scan3A_88 = arith.constant 128 : i32
    %scan3A_89 = arith.addi %scan3A_87, %scan3A_88 : i32
    %scan3A_90 = arith.constant 1 : i32
    %scan3A_91 = scf.for %scan3A_170 = %scan3A_87 to %scan3A_89 step %scan3A_90 iter_args(%scan3A_171 = %scan3A_86) -> (i32)  : i32 {
      %dma_wait3A = arith.constant 0 : i32
      %dma_wait3A_172 = arith.constant 0 : i32
      %dma_wait3A_173 = arith.constant 0 : i32
      %dma_wait3A_174 = arith.constant 0 : i32
      %dma_wait3A_175 = tpu.memref_slice %arg5[%dma_wait3A_172, %dma_wait3A_173, %dma_wait3A_174] : memref<8x8x400xf32, #tpu.memory_space<vmem>> -> memref<8x8x128xf32, #tpu.memory_space<vmem>>
      %dma_wait3A_176 = arith.constant 0 : i32
      %dma_wait3A_177 = arith.constant 0 : i32
      %dma_wait3A_178 = arith.constant 0 : i32
      %dma_wait3A_179 = tpu.memref_slice %arg3[%mul3A_2, %dma_wait3A_176, %dma_wait3A, %dma_wait3A_177, %dma_wait3A_178] : memref<2048x8x16x8x128xf32, #tpu.memory_space<hbm>> -> memref<1x8x1x8x128xf32, #tpu.memory_space<hbm>>
      %dma_wait3A_180 = tpu.memref_squeeze %dma_wait3A_179 : memref<1x8x1x8x128xf32, #tpu.memory_space<hbm>> -> memref<8x8x128xf32, #tpu.memory_space<hbm>>
      %dma_wait3A_181 = arith.constant 0 : i32
      %dma_wait3A_182 = arith.constant 0 : i32
      %dma_wait3A_183 = arith.constant 0 : i32
      %dma_wait3A_184 = tpu.memref_slice %arg3[%mul3A_2, %dma_wait3A_181, %dma_wait3A, %dma_wait3A_182, %dma_wait3A_183] : memref<2048x8x16x8x128xf32, #tpu.memory_space<hbm>> -> memref<1x8x1x8x128xf32, #tpu.memory_space<hbm>>
      %dma_wait3A_185 = tpu.memref_squeeze %dma_wait3A_184 : memref<1x8x1x8x128xf32, #tpu.memory_space<hbm>> -> memref<8x8x128xf32, #tpu.memory_space<hbm>>
      %dma_wait3A_186 = arith.constant 0 : i32
      %dma_wait3A_187 = arith.constant 0 : i32
      %dma_wait3A_188 = arith.constant 0 : i32
      %dma_wait3A_189 = tpu.memref_slice %arg5[%dma_wait3A_186, %dma_wait3A_187, %dma_wait3A_188] : memref<8x8x400xf32, #tpu.memory_space<vmem>> -> memref<8x8x128xf32, #tpu.memory_space<vmem>>
      tpu.wait_dma2 semaphore(%arg7 : memref<!tpu.dma_semaphore, #tpu.memory_space<semaphore_mem>>) src(%dma_wait3A_189 : memref<8x8x128xf32, #tpu.memory_space<vmem>>) dst(%dma_wait3A_185 : memref<8x8x128xf32, #tpu.memory_space<hbm>>)
      %scan3A_190 = arith.constant 0 : i32
      scf.yield %scan3A_190 : i32
    }
    %scan3A_92 = arith.constant 128 : i32
    %scan3A_93 = arith.constant 0 : i32
    %scan3A_94 = arith.constant 0 : i32
    %scan3A_95 = arith.constant 128 : i32
    %scan3A_96 = arith.addi %scan3A_94, %scan3A_95 : i32
    %scan3A_97 = arith.constant 1 : i32
    %scan3A_98 = scf.for %scan3A_170 = %scan3A_94 to %scan3A_96 step %scan3A_97 iter_args(%scan3A_171 = %scan3A_93) -> (i32)  : i32 {
      %jit3A = arith.constant 16 : i32
      %div3A = arith.divsi %scan3A_170, %jit3A : i32
      %sign3A = arith.constant 0 : i32
      %sign3A_172 = arith.cmpi sgt, %scan3A_170, %sign3A : i32
      %sign3A_173 = arith.extui %sign3A_172 : i1 to i32
      %sign3A_174 = arith.constant 0 : i32
      %sign3A_175 = arith.cmpi slt, %scan3A_170, %sign3A_174 : i32
      %sign3A_176 = arith.extui %sign3A_175 : i1 to i32
      %sign3A_177 = arith.subi %sign3A_173, %sign3A_176 : i32
      %sign3A_178 = arith.constant 0 : i32
      %sign3A_179 = arith.cmpi sgt, %jit3A, %sign3A_178 : i32
      %sign3A_180 = arith.extui %sign3A_179 : i1 to i32
      %sign3A_181 = arith.constant 0 : i32
      %sign3A_182 = arith.cmpi slt, %jit3A, %sign3A_181 : i32
      %sign3A_183 = arith.extui %sign3A_182 : i1 to i32
      %sign3A_184 = arith.subi %sign3A_180, %sign3A_183 : i32
      %ne3A = arith.cmpi ne, %sign3A_177, %sign3A_184 : i32
      %rem3A = arith.remsi %scan3A_170, %jit3A : i32
      %ne3A_185 = arith.constant 0 : i32
      %ne3A_186 = arith.cmpi ne, %rem3A, %ne3A_185 : i32
      %and3A = arith.andi %ne3A, %ne3A_186 : i1
      %sub3A = arith.constant 1 : i32
      %sub3A_187 = arith.subi %div3A, %sub3A : i32
      %select_n3A = arith.select %and3A, %sub3A_187, %div3A : i32
      %jit3A_188 = arith.constant 16 : i32
      %eq3A = arith.constant 0 : i32
      %eq3A_189 = arith.cmpi eq, %jit3A_188, %eq3A : i32
      %jit3A_190 = arith.constant 1 : i32
      %select_n3A_191 = arith.select %eq3A_189, %jit3A_190, %jit3A_188 : i32
      %rem3A_192 = arith.remsi %scan3A_170, %select_n3A_191 : i32
      %ne3A_193 = arith.constant 0 : i32
      %ne3A_194 = arith.cmpi ne, %rem3A_192, %ne3A_193 : i32
      %lt3A = arith.constant 0 : i32
      %lt3A_195 = arith.cmpi slt, %rem3A_192, %lt3A : i32
      %lt3A_196 = arith.constant 0 : i32
      %lt3A_197 = arith.cmpi slt, %select_n3A_191, %lt3A_196 : i32
      %ne3A_198 = arith.xori %lt3A_195, %lt3A_197 : i1
      %and3A_199 = arith.andi %ne3A_198, %ne3A_194 : i1
      %add3A_200 = arith.addi %rem3A_192, %select_n3A_191 : i32
      %select_n3A_201 = arith.select %and3A_199, %add3A_200, %rem3A_192 : i32
      %mul3A_202 = arith.constant 8 : i32
      %mul3A_203 = arith.muli %select_n3A, %mul3A_202 : i32
      %add3A_204 = arith.addi %mul3A_2, %mul3A_203 : i32
      %add3A_205 = arith.constant 4 : i32
      %add3A_206 = arith.addi %add3A_204, %add3A_205 : i32
      %sub3A_207 = arith.constant 2048 : i32
      %sub3A_208 = arith.subi %sub3A_207, %add3A_206 : i32
      %mul3A_209 = arith.constant 128 : i32
      %mul3A_210 = arith.muli %select_n3A_201, %mul3A_209 : i32
      %add3A_211 = arith.addi %sub3A_208, %mul3A_210 : i32
      %sub3A_212 = arith.constant 1848 : i32
      %sub3A_213 = arith.subi %add3A_211, %sub3A_212 : i32
      %sub3A_214 = arith.constant 4 : i32
      %sub3A_215 = arith.subi %sub3A_213, %sub3A_214 : i32
      %jit3A_216 = arith.constant 0 : i32
      %jit3A_217 = arith.constant 272 : i32
      %max3A = arith.maxsi %jit3A_216, %sub3A_215 : i32
      %min3A = arith.minsi %jit3A_217, %max3A : i32
      %multiple_of3A = tpu.assume_multiple %min3A, 8 : i32
      %dma_start3A = arith.constant 0 : i32
      %dma_start3A_218 = arith.constant 0 : i32
      %dma_start3A_219 = tpu.memref_slice %arg5[%dma_start3A, %dma_start3A_218, %multiple_of3A] : memref<8x8x400xf32, #tpu.memory_space<vmem>> -> memref<8x8x128xf32, #tpu.memory_space<vmem>>
      %dma_start3A_220 = arith.constant 0 : i32
      %dma_start3A_221 = arith.constant 0 : i32
      %dma_start3A_222 = arith.constant 0 : i32
      %dma_start3A_223 = tpu.memref_slice %arg3[%add3A_206, %dma_start3A_220, %select_n3A_201, %dma_start3A_221, %dma_start3A_222] : memref<2048x8x16x8x128xf32, #tpu.memory_space<hbm>> -> memref<1x8x1x8x128xf32, #tpu.memory_space<hbm>>
      %dma_start3A_224 = tpu.memref_squeeze %dma_start3A_223 : memref<1x8x1x8x128xf32, #tpu.memory_space<hbm>> -> memref<8x8x128xf32, #tpu.memory_space<hbm>>
      %dma_start3A_225 = arith.constant 0 : i32
      %dma_start3A_226 = arith.constant 0 : i32
      %dma_start3A_227 = arith.constant 0 : i32
      %dma_start3A_228 = tpu.memref_slice %arg3[%add3A_206, %dma_start3A_225, %select_n3A_201, %dma_start3A_226, %dma_start3A_227] : memref<2048x8x16x8x128xf32, #tpu.memory_space<hbm>> -> memref<1x8x1x8x128xf32, #tpu.memory_space<hbm>>
      %dma_start3A_229 = tpu.memref_squeeze %dma_start3A_228 : memref<1x8x1x8x128xf32, #tpu.memory_space<hbm>> -> memref<8x8x128xf32, #tpu.memory_space<hbm>>
      %dma_start3A_230 = arith.constant 0 : i32
      %dma_start3A_231 = arith.constant 0 : i32
      %dma_start3A_232 = tpu.memref_slice %arg5[%dma_start3A_230, %dma_start3A_231, %multiple_of3A] : memref<8x8x400xf32, #tpu.memory_space<vmem>> -> memref<8x8x128xf32, #tpu.memory_space<vmem>>
      tpu.enqueue_dma source(%dma_start3A_232 : memref<8x8x128xf32, #tpu.memory_space<vmem>>) target(%dma_start3A_229 : memref<8x8x128xf32, #tpu.memory_space<hbm>>) target_semaphore(%arg7 : memref<!tpu.dma_semaphore, #tpu.memory_space<semaphore_mem>>)
      %scan3A_233 = arith.constant 0 : i32
      scf.yield %scan3A_233 : i32
    }
    %scan3A_99 = arith.constant 128 : i32
    %scan3A_100 = arith.constant 0 : i32
    %scan3A_101 = arith.constant 0 : i32
    %scan3A_102 = arith.constant 576 : i32
    %scan3A_103 = arith.addi %scan3A_101, %scan3A_102 : i32
    %scan3A_104 = arith.constant 1 : i32
    %scan3A_105 = scf.for %scan3A_170 = %scan3A_101 to %scan3A_103 step %scan3A_104 iter_args(%scan3A_171 = %scan3A_100) -> (i32)  : i32 {
      %jit3A = arith.constant 9 : i32
      %div3A = arith.divsi %scan3A_170, %jit3A : i32
      %sign3A = arith.constant 0 : i32
      %sign3A_172 = arith.cmpi sgt, %scan3A_170, %sign3A : i32
      %sign3A_173 = arith.extui %sign3A_172 : i1 to i32
      %sign3A_174 = arith.constant 0 : i32
      %sign3A_175 = arith.cmpi slt, %scan3A_170, %sign3A_174 : i32
      %sign3A_176 = arith.extui %sign3A_175 : i1 to i32
      %sign3A_177 = arith.subi %sign3A_173, %sign3A_176 : i32
      %sign3A_178 = arith.constant 0 : i32
      %sign3A_179 = arith.cmpi sgt, %jit3A, %sign3A_178 : i32
      %sign3A_180 = arith.extui %sign3A_179 : i1 to i32
      %sign3A_181 = arith.constant 0 : i32
      %sign3A_182 = arith.cmpi slt, %jit3A, %sign3A_181 : i32
      %sign3A_183 = arith.extui %sign3A_182 : i1 to i32
      %sign3A_184 = arith.subi %sign3A_180, %sign3A_183 : i32
      %ne3A = arith.cmpi ne, %sign3A_177, %sign3A_184 : i32
      %rem3A = arith.remsi %scan3A_170, %jit3A : i32
      %ne3A_185 = arith.constant 0 : i32
      %ne3A_186 = arith.cmpi ne, %rem3A, %ne3A_185 : i32
      %and3A = arith.andi %ne3A, %ne3A_186 : i1
      %sub3A = arith.constant 1 : i32
      %sub3A_187 = arith.subi %div3A, %sub3A : i32
      %select_n3A = arith.select %and3A, %sub3A_187, %div3A : i32
      %jit3A_188 = arith.constant 9 : i32
      %eq3A = arith.constant 0 : i32
      %eq3A_189 = arith.cmpi eq, %jit3A_188, %eq3A : i32
      %jit3A_190 = arith.constant 1 : i32
      %select_n3A_191 = arith.select %eq3A_189, %jit3A_190, %jit3A_188 : i32
      %rem3A_192 = arith.remsi %scan3A_170, %select_n3A_191 : i32
      %ne3A_193 = arith.constant 0 : i32
      %ne3A_194 = arith.cmpi ne, %rem3A_192, %ne3A_193 : i32
      %lt3A = arith.constant 0 : i32
      %lt3A_195 = arith.cmpi slt, %rem3A_192, %lt3A : i32
      %lt3A_196 = arith.constant 0 : i32
      %lt3A_197 = arith.cmpi slt, %select_n3A_191, %lt3A_196 : i32
      %ne3A_198 = arith.xori %lt3A_195, %lt3A_197 : i1
      %and3A_199 = arith.andi %ne3A_198, %ne3A_194 : i1
      %add3A_200 = arith.addi %rem3A_192, %select_n3A_191 : i32
      %select_n3A_201 = arith.select %and3A_199, %add3A_200, %rem3A_192 : i32
      %mul3A_202 = arith.constant 16 : i32
      %mul3A_203 = arith.muli %select_n3A_201, %mul3A_202 : i32
      %add3A_204 = arith.constant 128 : i32
      %add3A_205 = arith.addi %add3A_204, %mul3A_203 : i32
      %add3A_206 = vector.broadcast %add3A_205 : i32 to vector<16xi32>
      %add3A_207 = arith.addi %add3A_206, %iota3A : vector<16xi32>
      %add3A_208 = arith.constant 3 : i32
      %add3A_209 = vector.broadcast %add3A_208 : i32 to vector<16xi32>
      %add3A_210 = arith.addi %add3A_207, %add3A_209 : vector<16xi32>
      %sub3A_211 = arith.constant 136 : i32
      %sub3A_212 = vector.broadcast %sub3A_211 : i32 to vector<16xi32>
      %sub3A_213 = arith.subi %add3A_210, %sub3A_212 : vector<16xi32>
      %jit3A_214 = arith.constant 0 : i32
      %jit3A_215 = arith.constant 128 : i32
      %max3A = vector.broadcast %jit3A_214 : i32 to vector<16xi32>
      %max3A_216 = arith.maxsi %max3A, %sub3A_213 : vector<16xi32>
      %min3A = vector.broadcast %jit3A_215 : i32 to vector<16xi32>
      %min3A_217 = arith.minsi %min3A, %max3A_216 : vector<16xi32>
      %mul3A_218 = arith.constant 64 : i32
      %mul3A_219 = vector.broadcast %mul3A_218 : i32 to vector<16xi32>
      %mul3A_220 = arith.muli %min3A_217, %mul3A_219 : vector<16xi32>
      %add3A_221 = vector.broadcast %select_n3A : i32 to vector<16xi32>
      %add3A_222 = arith.addi %mul3A_220, %add3A_221 : vector<16xi32>
      %gather3A = tpu.vector_load_idx %arg4[%add3A_222] : memref<8256xf32, #tpu.memory_space<vmem>>[vector<16xi32>], vector<16xf32>,
      %jit3A_223 = arith.constant 8 : i32
      %div3A_224 = arith.divsi %select_n3A, %jit3A_223 : i32
      %sign3A_225 = arith.constant 0 : i32
      %sign3A_226 = arith.cmpi sgt, %select_n3A, %sign3A_225 : i32
      %sign3A_227 = arith.extui %sign3A_226 : i1 to i32
      %sign3A_228 = arith.constant 0 : i32
      %sign3A_229 = arith.cmpi slt, %select_n3A, %sign3A_228 : i32
      %sign3A_230 = arith.extui %sign3A_229 : i1 to i32
      %sign3A_231 = arith.subi %sign3A_227, %sign3A_230 : i32
      %sign3A_232 = arith.constant 0 : i32
      %sign3A_233 = arith.cmpi sgt, %jit3A_223, %sign3A_232 : i32
      %sign3A_234 = arith.extui %sign3A_233 : i1 to i32
      %sign3A_235 = arith.constant 0 : i32
      %sign3A_236 = arith.cmpi slt, %jit3A_223, %sign3A_235 : i32
      %sign3A_237 = arith.extui %sign3A_236 : i1 to i32
      %sign3A_238 = arith.subi %sign3A_234, %sign3A_237 : i32
      %ne3A_239 = arith.cmpi ne, %sign3A_231, %sign3A_238 : i32
      %rem3A_240 = arith.remsi %select_n3A, %jit3A_223 : i32
      %ne3A_241 = arith.constant 0 : i32
      %ne3A_242 = arith.cmpi ne, %rem3A_240, %ne3A_241 : i32
      %and3A_243 = arith.andi %ne3A_239, %ne3A_242 : i1
      %sub3A_244 = arith.constant 1 : i32
      %sub3A_245 = arith.subi %div3A_224, %sub3A_244 : i32
      %select_n3A_246 = arith.select %and3A_243, %sub3A_245, %div3A_224 : i32
      %jit3A_247 = arith.constant 8 : i32
      %eq3A_248 = arith.constant 0 : i32
      %eq3A_249 = arith.cmpi eq, %jit3A_247, %eq3A_248 : i32
      %jit3A_250 = arith.constant 1 : i32
      %select_n3A_251 = arith.select %eq3A_249, %jit3A_250, %jit3A_247 : i32
      %rem3A_252 = arith.remsi %select_n3A, %select_n3A_251 : i32
      %ne3A_253 = arith.constant 0 : i32
      %ne3A_254 = arith.cmpi ne, %rem3A_252, %ne3A_253 : i32
      %lt3A_255 = arith.constant 0 : i32
      %lt3A_256 = arith.cmpi slt, %rem3A_252, %lt3A_255 : i32
      %lt3A_257 = arith.constant 0 : i32
      %lt3A_258 = arith.cmpi slt, %select_n3A_251, %lt3A_257 : i32
      %ne3A_259 = arith.xori %lt3A_256, %lt3A_258 : i1
      %and3A_260 = arith.andi %ne3A_259, %ne3A_254 : i1
      %add3A_261 = arith.addi %rem3A_252, %select_n3A_251 : i32
      %select_n3A_262 = arith.select %and3A_260, %add3A_261, %rem3A_252 : i32
      %mul3A_263 = arith.constant 16 : i32
      %mul3A_264 = arith.muli %select_n3A_201, %mul3A_263 : i32
      %add3A_265 = arith.constant 128 : i32
      %add3A_266 = arith.addi %add3A_265, %mul3A_264 : i32
      %swap3A = arith.index_cast %select_n3A_246 : i32 to index
      %swap3A_267 = arith.index_cast %select_n3A_262 : i32 to index
      %swap3A_268 = arith.index_cast %add3A_266 : i32 to index
      %swap3A_269 = tpu.vector_load %arg6[%swap3A, %swap3A_267, %swap3A_268] {strides = array<i32>} : memref<8x8x400xf32, #tpu.memory_space<vmem>>, vector<16xf32>,
      tpu.vector_store %arg6[%swap3A, %swap3A_267, %swap3A_268], %gather3A {strides = array<i32>} : memref<8x8x400xf32, #tpu.memory_space<vmem>>, vector<16xf32>,
      %scan3A_270 = arith.constant 0 : i32
      scf.yield %scan3A_270 : i32
    }
    %scan3A_106 = arith.constant 576 : i32
    %scan3A_107 = arith.constant 0 : i32
    %scan3A_108 = arith.constant 0 : i32
    %scan3A_109 = arith.constant 128 : i32
    %scan3A_110 = arith.addi %scan3A_108, %scan3A_109 : i32
    %scan3A_111 = arith.constant 1 : i32
    %scan3A_112 = scf.for %scan3A_170 = %scan3A_108 to %scan3A_110 step %scan3A_111 iter_args(%scan3A_171 = %scan3A_107) -> (i32)  : i32 {
      %dma_wait3A = arith.constant 0 : i32
      %dma_wait3A_172 = arith.constant 0 : i32
      %dma_wait3A_173 = arith.constant 0 : i32
      %dma_wait3A_174 = arith.constant 0 : i32
      %dma_wait3A_175 = tpu.memref_slice %arg5[%dma_wait3A_172, %dma_wait3A_173, %dma_wait3A_174] : memref<8x8x400xf32, #tpu.memory_space<vmem>> -> memref<8x8x128xf32, #tpu.memory_space<vmem>>
      %dma_wait3A_176 = arith.constant 0 : i32
      %dma_wait3A_177 = arith.constant 0 : i32
      %dma_wait3A_178 = arith.constant 0 : i32
      %dma_wait3A_179 = tpu.memref_slice %arg3[%mul3A_2, %dma_wait3A_176, %dma_wait3A, %dma_wait3A_177, %dma_wait3A_178] : memref<2048x8x16x8x128xf32, #tpu.memory_space<hbm>> -> memref<1x8x1x8x128xf32, #tpu.memory_space<hbm>>
      %dma_wait3A_180 = tpu.memref_squeeze %dma_wait3A_179 : memref<1x8x1x8x128xf32, #tpu.memory_space<hbm>> -> memref<8x8x128xf32, #tpu.memory_space<hbm>>
      %dma_wait3A_181 = arith.constant 0 : i32
      %dma_wait3A_182 = arith.constant 0 : i32
      %dma_wait3A_183 = arith.constant 0 : i32
      %dma_wait3A_184 = tpu.memref_slice %arg3[%mul3A_2, %dma_wait3A_181, %dma_wait3A, %dma_wait3A_182, %dma_wait3A_183] : memref<2048x8x16x8x128xf32, #tpu.memory_space<hbm>> -> memref<1x8x1x8x128xf32, #tpu.memory_space<hbm>>
      %dma_wait3A_185 = tpu.memref_squeeze %dma_wait3A_184 : memref<1x8x1x8x128xf32, #tpu.memory_space<hbm>> -> memref<8x8x128xf32, #tpu.memory_space<hbm>>
      %dma_wait3A_186 = arith.constant 0 : i32
      %dma_wait3A_187 = arith.constant 0 : i32
      %dma_wait3A_188 = arith.constant 0 : i32
      %dma_wait3A_189 = tpu.memref_slice %arg5[%dma_wait3A_186, %dma_wait3A_187, %dma_wait3A_188] : memref<8x8x400xf32, #tpu.memory_space<vmem>> -> memref<8x8x128xf32, #tpu.memory_space<vmem>>
      tpu.wait_dma2 semaphore(%arg7 : memref<!tpu.dma_semaphore, #tpu.memory_space<semaphore_mem>>) src(%dma_wait3A_189 : memref<8x8x128xf32, #tpu.memory_space<vmem>>) dst(%dma_wait3A_185 : memref<8x8x128xf32, #tpu.memory_space<hbm>>)
      %scan3A_190 = arith.constant 0 : i32
      scf.yield %scan3A_190 : i32
    }
    %scan3A_113 = arith.constant 128 : i32
    %scan3A_114 = arith.constant 0 : i32
    %scan3A_115 = arith.constant 0 : i32
    %scan3A_116 = arith.constant 128 : i32
    %scan3A_117 = arith.addi %scan3A_115, %scan3A_116 : i32
    %scan3A_118 = arith.constant 1 : i32
    %scan3A_119 = scf.for %scan3A_170 = %scan3A_115 to %scan3A_117 step %scan3A_118 iter_args(%scan3A_171 = %scan3A_114) -> (i32)  : i32 {
      %jit3A = arith.constant 16 : i32
      %div3A = arith.divsi %scan3A_170, %jit3A : i32
      %sign3A = arith.constant 0 : i32
      %sign3A_172 = arith.cmpi sgt, %scan3A_170, %sign3A : i32
      %sign3A_173 = arith.extui %sign3A_172 : i1 to i32
      %sign3A_174 = arith.constant 0 : i32
      %sign3A_175 = arith.cmpi slt, %scan3A_170, %sign3A_174 : i32
      %sign3A_176 = arith.extui %sign3A_175 : i1 to i32
      %sign3A_177 = arith.subi %sign3A_173, %sign3A_176 : i32
      %sign3A_178 = arith.constant 0 : i32
      %sign3A_179 = arith.cmpi sgt, %jit3A, %sign3A_178 : i32
      %sign3A_180 = arith.extui %sign3A_179 : i1 to i32
      %sign3A_181 = arith.constant 0 : i32
      %sign3A_182 = arith.cmpi slt, %jit3A, %sign3A_181 : i32
      %sign3A_183 = arith.extui %sign3A_182 : i1 to i32
      %sign3A_184 = arith.subi %sign3A_180, %sign3A_183 : i32
      %ne3A = arith.cmpi ne, %sign3A_177, %sign3A_184 : i32
      %rem3A = arith.remsi %scan3A_170, %jit3A : i32
      %ne3A_185 = arith.constant 0 : i32
      %ne3A_186 = arith.cmpi ne, %rem3A, %ne3A_185 : i32
      %and3A = arith.andi %ne3A, %ne3A_186 : i1
      %sub3A = arith.constant 1 : i32
      %sub3A_187 = arith.subi %div3A, %sub3A : i32
      %select_n3A = arith.select %and3A, %sub3A_187, %div3A : i32
      %jit3A_188 = arith.constant 16 : i32
      %eq3A = arith.constant 0 : i32
      %eq3A_189 = arith.cmpi eq, %jit3A_188, %eq3A : i32
      %jit3A_190 = arith.constant 1 : i32
      %select_n3A_191 = arith.select %eq3A_189, %jit3A_190, %jit3A_188 : i32
      %rem3A_192 = arith.remsi %scan3A_170, %select_n3A_191 : i32
      %ne3A_193 = arith.constant 0 : i32
      %ne3A_194 = arith.cmpi ne, %rem3A_192, %ne3A_193 : i32
      %lt3A = arith.constant 0 : i32
      %lt3A_195 = arith.cmpi slt, %rem3A_192, %lt3A : i32
      %lt3A_196 = arith.constant 0 : i32
      %lt3A_197 = arith.cmpi slt, %select_n3A_191, %lt3A_196 : i32
      %ne3A_198 = arith.xori %lt3A_195, %lt3A_197 : i1
      %and3A_199 = arith.andi %ne3A_198, %ne3A_194 : i1
      %add3A_200 = arith.addi %rem3A_192, %select_n3A_191 : i32
      %select_n3A_201 = arith.select %and3A_199, %add3A_200, %rem3A_192 : i32
      %mul3A_202 = arith.constant 8 : i32
      %mul3A_203 = arith.muli %select_n3A, %mul3A_202 : i32
      %add3A_204 = arith.addi %mul3A_2, %mul3A_203 : i32
      %add3A_205 = arith.constant 5 : i32
      %add3A_206 = arith.addi %add3A_204, %add3A_205 : i32
      %sub3A_207 = arith.constant 2048 : i32
      %sub3A_208 = arith.subi %sub3A_207, %add3A_206 : i32
      %mul3A_209 = arith.constant 128 : i32
      %mul3A_210 = arith.muli %select_n3A_201, %mul3A_209 : i32
      %add3A_211 = arith.addi %sub3A_208, %mul3A_210 : i32
      %sub3A_212 = arith.constant 1848 : i32
      %sub3A_213 = arith.subi %add3A_211, %sub3A_212 : i32
      %sub3A_214 = arith.constant 3 : i32
      %sub3A_215 = arith.subi %sub3A_213, %sub3A_214 : i32
      %jit3A_216 = arith.constant 0 : i32
      %jit3A_217 = arith.constant 272 : i32
      %max3A = arith.maxsi %jit3A_216, %sub3A_215 : i32
      %min3A = arith.minsi %jit3A_217, %max3A : i32
      %multiple_of3A = tpu.assume_multiple %min3A, 8 : i32
      %dma_start3A = arith.constant 0 : i32
      %dma_start3A_218 = arith.constant 0 : i32
      %dma_start3A_219 = tpu.memref_slice %arg6[%dma_start3A, %dma_start3A_218, %multiple_of3A] : memref<8x8x400xf32, #tpu.memory_space<vmem>> -> memref<8x8x128xf32, #tpu.memory_space<vmem>>
      %dma_start3A_220 = arith.constant 0 : i32
      %dma_start3A_221 = arith.constant 0 : i32
      %dma_start3A_222 = arith.constant 0 : i32
      %dma_start3A_223 = tpu.memref_slice %arg3[%add3A_206, %dma_start3A_220, %select_n3A_201, %dma_start3A_221, %dma_start3A_222] : memref<2048x8x16x8x128xf32, #tpu.memory_space<hbm>> -> memref<1x8x1x8x128xf32, #tpu.memory_space<hbm>>
      %dma_start3A_224 = tpu.memref_squeeze %dma_start3A_223 : memref<1x8x1x8x128xf32, #tpu.memory_space<hbm>> -> memref<8x8x128xf32, #tpu.memory_space<hbm>>
      %dma_start3A_225 = arith.constant 0 : i32
      %dma_start3A_226 = arith.constant 0 : i32
      %dma_start3A_227 = arith.constant 0 : i32
      %dma_start3A_228 = tpu.memref_slice %arg3[%add3A_206, %dma_start3A_225, %select_n3A_201, %dma_start3A_226, %dma_start3A_227] : memref<2048x8x16x8x128xf32, #tpu.memory_space<hbm>> -> memref<1x8x1x8x128xf32, #tpu.memory_space<hbm>>
      %dma_start3A_229 = tpu.memref_squeeze %dma_start3A_228 : memref<1x8x1x8x128xf32, #tpu.memory_space<hbm>> -> memref<8x8x128xf32, #tpu.memory_space<hbm>>
      %dma_start3A_230 = arith.constant 0 : i32
      %dma_start3A_231 = arith.constant 0 : i32
      %dma_start3A_232 = tpu.memref_slice %arg6[%dma_start3A_230, %dma_start3A_231, %multiple_of3A] : memref<8x8x400xf32, #tpu.memory_space<vmem>> -> memref<8x8x128xf32, #tpu.memory_space<vmem>>
      tpu.enqueue_dma source(%dma_start3A_232 : memref<8x8x128xf32, #tpu.memory_space<vmem>>) target(%dma_start3A_229 : memref<8x8x128xf32, #tpu.memory_space<hbm>>) target_semaphore(%arg7 : memref<!tpu.dma_semaphore, #tpu.memory_space<semaphore_mem>>)
      %scan3A_233 = arith.constant 0 : i32
      scf.yield %scan3A_233 : i32
    }
    %scan3A_120 = arith.constant 128 : i32
    %scan3A_121 = arith.constant 0 : i32
    %scan3A_122 = arith.constant 0 : i32
    %scan3A_123 = arith.constant 576 : i32
    %scan3A_124 = arith.addi %scan3A_122, %scan3A_123 : i32
    %scan3A_125 = arith.constant 1 : i32
    %scan3A_126 = scf.for %scan3A_170 = %scan3A_122 to %scan3A_124 step %scan3A_125 iter_args(%scan3A_171 = %scan3A_121) -> (i32)  : i32 {
      %jit3A = arith.constant 9 : i32
      %div3A = arith.divsi %scan3A_170, %jit3A : i32
      %sign3A = arith.constant 0 : i32
      %sign3A_172 = arith.cmpi sgt, %scan3A_170, %sign3A : i32
      %sign3A_173 = arith.extui %sign3A_172 : i1 to i32
      %sign3A_174 = arith.constant 0 : i32
      %sign3A_175 = arith.cmpi slt, %scan3A_170, %sign3A_174 : i32
      %sign3A_176 = arith.extui %sign3A_175 : i1 to i32
      %sign3A_177 = arith.subi %sign3A_173, %sign3A_176 : i32
      %sign3A_178 = arith.constant 0 : i32
      %sign3A_179 = arith.cmpi sgt, %jit3A, %sign3A_178 : i32
      %sign3A_180 = arith.extui %sign3A_179 : i1 to i32
      %sign3A_181 = arith.constant 0 : i32
      %sign3A_182 = arith.cmpi slt, %jit3A, %sign3A_181 : i32
      %sign3A_183 = arith.extui %sign3A_182 : i1 to i32
      %sign3A_184 = arith.subi %sign3A_180, %sign3A_183 : i32
      %ne3A = arith.cmpi ne, %sign3A_177, %sign3A_184 : i32
      %rem3A = arith.remsi %scan3A_170, %jit3A : i32
      %ne3A_185 = arith.constant 0 : i32
      %ne3A_186 = arith.cmpi ne, %rem3A, %ne3A_185 : i32
      %and3A = arith.andi %ne3A, %ne3A_186 : i1
      %sub3A = arith.constant 1 : i32
      %sub3A_187 = arith.subi %div3A, %sub3A : i32
      %select_n3A = arith.select %and3A, %sub3A_187, %div3A : i32
      %jit3A_188 = arith.constant 9 : i32
      %eq3A = arith.constant 0 : i32
      %eq3A_189 = arith.cmpi eq, %jit3A_188, %eq3A : i32
      %jit3A_190 = arith.constant 1 : i32
      %select_n3A_191 = arith.select %eq3A_189, %jit3A_190, %jit3A_188 : i32
      %rem3A_192 = arith.remsi %scan3A_170, %select_n3A_191 : i32
      %ne3A_193 = arith.constant 0 : i32
      %ne3A_194 = arith.cmpi ne, %rem3A_192, %ne3A_193 : i32
      %lt3A = arith.constant 0 : i32
      %lt3A_195 = arith.cmpi slt, %rem3A_192, %lt3A : i32
      %lt3A_196 = arith.constant 0 : i32
      %lt3A_197 = arith.cmpi slt, %select_n3A_191, %lt3A_196 : i32
      %ne3A_198 = arith.xori %lt3A_195, %lt3A_197 : i1
      %and3A_199 = arith.andi %ne3A_198, %ne3A_194 : i1
      %add3A_200 = arith.addi %rem3A_192, %select_n3A_191 : i32
      %select_n3A_201 = arith.select %and3A_199, %add3A_200, %rem3A_192 : i32
      %mul3A_202 = arith.constant 16 : i32
      %mul3A_203 = arith.muli %select_n3A_201, %mul3A_202 : i32
      %add3A_204 = arith.constant 128 : i32
      %add3A_205 = arith.addi %add3A_204, %mul3A_203 : i32
      %add3A_206 = vector.broadcast %add3A_205 : i32 to vector<16xi32>
      %add3A_207 = arith.addi %add3A_206, %iota3A : vector<16xi32>
      %add3A_208 = arith.constant 2 : i32
      %add3A_209 = vector.broadcast %add3A_208 : i32 to vector<16xi32>
      %add3A_210 = arith.addi %add3A_207, %add3A_209 : vector<16xi32>
      %sub3A_211 = arith.constant 136 : i32
      %sub3A_212 = vector.broadcast %sub3A_211 : i32 to vector<16xi32>
      %sub3A_213 = arith.subi %add3A_210, %sub3A_212 : vector<16xi32>
      %jit3A_214 = arith.constant 0 : i32
      %jit3A_215 = arith.constant 128 : i32
      %max3A = vector.broadcast %jit3A_214 : i32 to vector<16xi32>
      %max3A_216 = arith.maxsi %max3A, %sub3A_213 : vector<16xi32>
      %min3A = vector.broadcast %jit3A_215 : i32 to vector<16xi32>
      %min3A_217 = arith.minsi %min3A, %max3A_216 : vector<16xi32>
      %mul3A_218 = arith.constant 64 : i32
      %mul3A_219 = vector.broadcast %mul3A_218 : i32 to vector<16xi32>
      %mul3A_220 = arith.muli %min3A_217, %mul3A_219 : vector<16xi32>
      %add3A_221 = vector.broadcast %select_n3A : i32 to vector<16xi32>
      %add3A_222 = arith.addi %mul3A_220, %add3A_221 : vector<16xi32>
      %gather3A = tpu.vector_load_idx %arg4[%add3A_222] : memref<8256xf32, #tpu.memory_space<vmem>>[vector<16xi32>], vector<16xf32>,
      %jit3A_223 = arith.constant 8 : i32
      %div3A_224 = arith.divsi %select_n3A, %jit3A_223 : i32
      %sign3A_225 = arith.constant 0 : i32
      %sign3A_226 = arith.cmpi sgt, %select_n3A, %sign3A_225 : i32
      %sign3A_227 = arith.extui %sign3A_226 : i1 to i32
      %sign3A_228 = arith.constant 0 : i32
      %sign3A_229 = arith.cmpi slt, %select_n3A, %sign3A_228 : i32
      %sign3A_230 = arith.extui %sign3A_229 : i1 to i32
      %sign3A_231 = arith.subi %sign3A_227, %sign3A_230 : i32
      %sign3A_232 = arith.constant 0 : i32
      %sign3A_233 = arith.cmpi sgt, %jit3A_223, %sign3A_232 : i32
      %sign3A_234 = arith.extui %sign3A_233 : i1 to i32
      %sign3A_235 = arith.constant 0 : i32
      %sign3A_236 = arith.cmpi slt, %jit3A_223, %sign3A_235 : i32
      %sign3A_237 = arith.extui %sign3A_236 : i1 to i32
      %sign3A_238 = arith.subi %sign3A_234, %sign3A_237 : i32
      %ne3A_239 = arith.cmpi ne, %sign3A_231, %sign3A_238 : i32
      %rem3A_240 = arith.remsi %select_n3A, %jit3A_223 : i32
      %ne3A_241 = arith.constant 0 : i32
      %ne3A_242 = arith.cmpi ne, %rem3A_240, %ne3A_241 : i32
      %and3A_243 = arith.andi %ne3A_239, %ne3A_242 : i1
      %sub3A_244 = arith.constant 1 : i32
      %sub3A_245 = arith.subi %div3A_224, %sub3A_244 : i32
      %select_n3A_246 = arith.select %and3A_243, %sub3A_245, %div3A_224 : i32
      %jit3A_247 = arith.constant 8 : i32
      %eq3A_248 = arith.constant 0 : i32
      %eq3A_249 = arith.cmpi eq, %jit3A_247, %eq3A_248 : i32
      %jit3A_250 = arith.constant 1 : i32
      %select_n3A_251 = arith.select %eq3A_249, %jit3A_250, %jit3A_247 : i32
      %rem3A_252 = arith.remsi %select_n3A, %select_n3A_251 : i32
      %ne3A_253 = arith.constant 0 : i32
      %ne3A_254 = arith.cmpi ne, %rem3A_252, %ne3A_253 : i32
      %lt3A_255 = arith.constant 0 : i32
      %lt3A_256 = arith.cmpi slt, %rem3A_252, %lt3A_255 : i32
      %lt3A_257 = arith.constant 0 : i32
      %lt3A_258 = arith.cmpi slt, %select_n3A_251, %lt3A_257 : i32
      %ne3A_259 = arith.xori %lt3A_256, %lt3A_258 : i1
      %and3A_260 = arith.andi %ne3A_259, %ne3A_254 : i1
      %add3A_261 = arith.addi %rem3A_252, %select_n3A_251 : i32
      %select_n3A_262 = arith.select %and3A_260, %add3A_261, %rem3A_252 : i32
      %mul3A_263 = arith.constant 16 : i32
      %mul3A_264 = arith.muli %select_n3A_201, %mul3A_263 : i32
      %add3A_265 = arith.constant 128 : i32
      %add3A_266 = arith.addi %add3A_265, %mul3A_264 : i32
      %swap3A = arith.index_cast %select_n3A_246 : i32 to index
      %swap3A_267 = arith.index_cast %select_n3A_262 : i32 to index
      %swap3A_268 = arith.index_cast %add3A_266 : i32 to index
      %swap3A_269 = tpu.vector_load %arg5[%swap3A, %swap3A_267, %swap3A_268] {strides = array<i32>} : memref<8x8x400xf32, #tpu.memory_space<vmem>>, vector<16xf32>,
      tpu.vector_store %arg5[%swap3A, %swap3A_267, %swap3A_268], %gather3A {strides = array<i32>} : memref<8x8x400xf32, #tpu.memory_space<vmem>>, vector<16xf32>,
      %scan3A_270 = arith.constant 0 : i32
      scf.yield %scan3A_270 : i32
    }
    %scan3A_127 = arith.constant 576 : i32
    %scan3A_128 = arith.constant 0 : i32
    %scan3A_129 = arith.constant 0 : i32
    %scan3A_130 = arith.constant 128 : i32
    %scan3A_131 = arith.addi %scan3A_129, %scan3A_130 : i32
    %scan3A_132 = arith.constant 1 : i32
    %scan3A_133 = scf.for %scan3A_170 = %scan3A_129 to %scan3A_131 step %scan3A_132 iter_args(%scan3A_171 = %scan3A_128) -> (i32)  : i32 {
      %dma_wait3A = arith.constant 0 : i32
      %dma_wait3A_172 = arith.constant 0 : i32
      %dma_wait3A_173 = arith.constant 0 : i32
      %dma_wait3A_174 = arith.constant 0 : i32
      %dma_wait3A_175 = tpu.memref_slice %arg5[%dma_wait3A_172, %dma_wait3A_173, %dma_wait3A_174] : memref<8x8x400xf32, #tpu.memory_space<vmem>> -> memref<8x8x128xf32, #tpu.memory_space<vmem>>
      %dma_wait3A_176 = arith.constant 0 : i32
      %dma_wait3A_177 = arith.constant 0 : i32
      %dma_wait3A_178 = arith.constant 0 : i32
      %dma_wait3A_179 = tpu.memref_slice %arg3[%mul3A_2, %dma_wait3A_176, %dma_wait3A, %dma_wait3A_177, %dma_wait3A_178] : memref<2048x8x16x8x128xf32, #tpu.memory_space<hbm>> -> memref<1x8x1x8x128xf32, #tpu.memory_space<hbm>>
      %dma_wait3A_180 = tpu.memref_squeeze %dma_wait3A_179 : memref<1x8x1x8x128xf32, #tpu.memory_space<hbm>> -> memref<8x8x128xf32, #tpu.memory_space<hbm>>
      %dma_wait3A_181 = arith.constant 0 : i32
      %dma_wait3A_182 = arith.constant 0 : i32
      %dma_wait3A_183 = arith.constant 0 : i32
      %dma_wait3A_184 = tpu.memref_slice %arg3[%mul3A_2, %dma_wait3A_181, %dma_wait3A, %dma_wait3A_182, %dma_wait3A_183] : memref<2048x8x16x8x128xf32, #tpu.memory_space<hbm>> -> memref<1x8x1x8x128xf32, #tpu.memory_space<hbm>>
      %dma_wait3A_185 = tpu.memref_squeeze %dma_wait3A_184 : memref<1x8x1x8x128xf32, #tpu.memory_space<hbm>> -> memref<8x8x128xf32, #tpu.memory_space<hbm>>
      %dma_wait3A_186 = arith.constant 0 : i32
      %dma_wait3A_187 = arith.constant 0 : i32
      %dma_wait3A_188 = arith.constant 0 : i32
      %dma_wait3A_189 = tpu.memref_slice %arg5[%dma_wait3A_186, %dma_wait3A_187, %dma_wait3A_188] : memref<8x8x400xf32, #tpu.memory_space<vmem>> -> memref<8x8x128xf32, #tpu.memory_space<vmem>>
      tpu.wait_dma2 semaphore(%arg7 : memref<!tpu.dma_semaphore, #tpu.memory_space<semaphore_mem>>) src(%dma_wait3A_189 : memref<8x8x128xf32, #tpu.memory_space<vmem>>) dst(%dma_wait3A_185 : memref<8x8x128xf32, #tpu.memory_space<hbm>>)
      %scan3A_190 = arith.constant 0 : i32
      scf.yield %scan3A_190 : i32
    }
    %scan3A_134 = arith.constant 128 : i32
    %scan3A_135 = arith.constant 0 : i32
    %scan3A_136 = arith.constant 0 : i32
    %scan3A_137 = arith.constant 128 : i32
    %scan3A_138 = arith.addi %scan3A_136, %scan3A_137 : i32
    %scan3A_139 = arith.constant 1 : i32
    %scan3A_140 = scf.for %scan3A_170 = %scan3A_136 to %scan3A_138 step %scan3A_139 iter_args(%scan3A_171 = %scan3A_135) -> (i32)  : i32 {
      %jit3A = arith.constant 16 : i32
      %div3A = arith.divsi %scan3A_170, %jit3A : i32
      %sign3A = arith.constant 0 : i32
      %sign3A_172 = arith.cmpi sgt, %scan3A_170, %sign3A : i32
      %sign3A_173 = arith.extui %sign3A_172 : i1 to i32
      %sign3A_174 = arith.constant 0 : i32
      %sign3A_175 = arith.cmpi slt, %scan3A_170, %sign3A_174 : i32
      %sign3A_176 = arith.extui %sign3A_175 : i1 to i32
      %sign3A_177 = arith.subi %sign3A_173, %sign3A_176 : i32
      %sign3A_178 = arith.constant 0 : i32
      %sign3A_179 = arith.cmpi sgt, %jit3A, %sign3A_178 : i32
      %sign3A_180 = arith.extui %sign3A_179 : i1 to i32
      %sign3A_181 = arith.constant 0 : i32
      %sign3A_182 = arith.cmpi slt, %jit3A, %sign3A_181 : i32
      %sign3A_183 = arith.extui %sign3A_182 : i1 to i32
      %sign3A_184 = arith.subi %sign3A_180, %sign3A_183 : i32
      %ne3A = arith.cmpi ne, %sign3A_177, %sign3A_184 : i32
      %rem3A = arith.remsi %scan3A_170, %jit3A : i32
      %ne3A_185 = arith.constant 0 : i32
      %ne3A_186 = arith.cmpi ne, %rem3A, %ne3A_185 : i32
      %and3A = arith.andi %ne3A, %ne3A_186 : i1
      %sub3A = arith.constant 1 : i32
      %sub3A_187 = arith.subi %div3A, %sub3A : i32
      %select_n3A = arith.select %and3A, %sub3A_187, %div3A : i32
      %jit3A_188 = arith.constant 16 : i32
      %eq3A = arith.constant 0 : i32
      %eq3A_189 = arith.cmpi eq, %jit3A_188, %eq3A : i32
      %jit3A_190 = arith.constant 1 : i32
      %select_n3A_191 = arith.select %eq3A_189, %jit3A_190, %jit3A_188 : i32
      %rem3A_192 = arith.remsi %scan3A_170, %select_n3A_191 : i32
      %ne3A_193 = arith.constant 0 : i32
      %ne3A_194 = arith.cmpi ne, %rem3A_192, %ne3A_193 : i32
      %lt3A = arith.constant 0 : i32
      %lt3A_195 = arith.cmpi slt, %rem3A_192, %lt3A : i32
      %lt3A_196 = arith.constant 0 : i32
      %lt3A_197 = arith.cmpi slt, %select_n3A_191, %lt3A_196 : i32
      %ne3A_198 = arith.xori %lt3A_195, %lt3A_197 : i1
      %and3A_199 = arith.andi %ne3A_198, %ne3A_194 : i1
      %add3A_200 = arith.addi %rem3A_192, %select_n3A_191 : i32
      %select_n3A_201 = arith.select %and3A_199, %add3A_200, %rem3A_192 : i32
      %mul3A_202 = arith.constant 8 : i32
      %mul3A_203 = arith.muli %select_n3A, %mul3A_202 : i32
      %add3A_204 = arith.addi %mul3A_2, %mul3A_203 : i32
      %add3A_205 = arith.constant 6 : i32
      %add3A_206 = arith.addi %add3A_204, %add3A_205 : i32
      %sub3A_207 = arith.constant 2048 : i32
      %sub3A_208 = arith.subi %sub3A_207, %add3A_206 : i32
      %mul3A_209 = arith.constant 128 : i32
      %mul3A_210 = arith.muli %select_n3A_201, %mul3A_209 : i32
      %add3A_211 = arith.addi %sub3A_208, %mul3A_210 : i32
      %sub3A_212 = arith.constant 1848 : i32
      %sub3A_213 = arith.subi %add3A_211, %sub3A_212 : i32
      %sub3A_214 = arith.constant 2 : i32
      %sub3A_215 = arith.subi %sub3A_213, %sub3A_214 : i32
      %jit3A_216 = arith.constant 0 : i32
      %jit3A_217 = arith.constant 272 : i32
      %max3A = arith.maxsi %jit3A_216, %sub3A_215 : i32
      %min3A = arith.minsi %jit3A_217, %max3A : i32
      %multiple_of3A = tpu.assume_multiple %min3A, 8 : i32
      %dma_start3A = arith.constant 0 : i32
      %dma_start3A_218 = arith.constant 0 : i32
      %dma_start3A_219 = tpu.memref_slice %arg5[%dma_start3A, %dma_start3A_218, %multiple_of3A] : memref<8x8x400xf32, #tpu.memory_space<vmem>> -> memref<8x8x128xf32, #tpu.memory_space<vmem>>
      %dma_start3A_220 = arith.constant 0 : i32
      %dma_start3A_221 = arith.constant 0 : i32
      %dma_start3A_222 = arith.constant 0 : i32
      %dma_start3A_223 = tpu.memref_slice %arg3[%add3A_206, %dma_start3A_220, %select_n3A_201, %dma_start3A_221, %dma_start3A_222] : memref<2048x8x16x8x128xf32, #tpu.memory_space<hbm>> -> memref<1x8x1x8x128xf32, #tpu.memory_space<hbm>>
      %dma_start3A_224 = tpu.memref_squeeze %dma_start3A_223 : memref<1x8x1x8x128xf32, #tpu.memory_space<hbm>> -> memref<8x8x128xf32, #tpu.memory_space<hbm>>
      %dma_start3A_225 = arith.constant 0 : i32
      %dma_start3A_226 = arith.constant 0 : i32
      %dma_start3A_227 = arith.constant 0 : i32
      %dma_start3A_228 = tpu.memref_slice %arg3[%add3A_206, %dma_start3A_225, %select_n3A_201, %dma_start3A_226, %dma_start3A_227] : memref<2048x8x16x8x128xf32, #tpu.memory_space<hbm>> -> memref<1x8x1x8x128xf32, #tpu.memory_space<hbm>>
      %dma_start3A_229 = tpu.memref_squeeze %dma_start3A_228 : memref<1x8x1x8x128xf32, #tpu.memory_space<hbm>> -> memref<8x8x128xf32, #tpu.memory_space<hbm>>
      %dma_start3A_230 = arith.constant 0 : i32
      %dma_start3A_231 = arith.constant 0 : i32
      %dma_start3A_232 = tpu.memref_slice %arg5[%dma_start3A_230, %dma_start3A_231, %multiple_of3A] : memref<8x8x400xf32, #tpu.memory_space<vmem>> -> memref<8x8x128xf32, #tpu.memory_space<vmem>>
      tpu.enqueue_dma source(%dma_start3A_232 : memref<8x8x128xf32, #tpu.memory_space<vmem>>) target(%dma_start3A_229 : memref<8x8x128xf32, #tpu.memory_space<hbm>>) target_semaphore(%arg7 : memref<!tpu.dma_semaphore, #tpu.memory_space<semaphore_mem>>)
      %scan3A_233 = arith.constant 0 : i32
      scf.yield %scan3A_233 : i32
    }
    %scan3A_141 = arith.constant 128 : i32
    %scan3A_142 = arith.constant 0 : i32
    %scan3A_143 = arith.constant 0 : i32
    %scan3A_144 = arith.constant 576 : i32
    %scan3A_145 = arith.addi %scan3A_143, %scan3A_144 : i32
    %scan3A_146 = arith.constant 1 : i32
    %scan3A_147 = scf.for %scan3A_170 = %scan3A_143 to %scan3A_145 step %scan3A_146 iter_args(%scan3A_171 = %scan3A_142) -> (i32)  : i32 {
      %jit3A = arith.constant 9 : i32
      %div3A = arith.divsi %scan3A_170, %jit3A : i32
      %sign3A = arith.constant 0 : i32
      %sign3A_172 = arith.cmpi sgt, %scan3A_170, %sign3A : i32
      %sign3A_173 = arith.extui %sign3A_172 : i1 to i32
      %sign3A_174 = arith.constant 0 : i32
      %sign3A_175 = arith.cmpi slt, %scan3A_170, %sign3A_174 : i32
      %sign3A_176 = arith.extui %sign3A_175 : i1 to i32
      %sign3A_177 = arith.subi %sign3A_173, %sign3A_176 : i32
      %sign3A_178 = arith.constant 0 : i32
      %sign3A_179 = arith.cmpi sgt, %jit3A, %sign3A_178 : i32
      %sign3A_180 = arith.extui %sign3A_179 : i1 to i32
      %sign3A_181 = arith.constant 0 : i32
      %sign3A_182 = arith.cmpi slt, %jit3A, %sign3A_181 : i32
      %sign3A_183 = arith.extui %sign3A_182 : i1 to i32
      %sign3A_184 = arith.subi %sign3A_180, %sign3A_183 : i32
      %ne3A = arith.cmpi ne, %sign3A_177, %sign3A_184 : i32
      %rem3A = arith.remsi %scan3A_170, %jit3A : i32
      %ne3A_185 = arith.constant 0 : i32
      %ne3A_186 = arith.cmpi ne, %rem3A, %ne3A_185 : i32
      %and3A = arith.andi %ne3A, %ne3A_186 : i1
      %sub3A = arith.constant 1 : i32
      %sub3A_187 = arith.subi %div3A, %sub3A : i32
      %select_n3A = arith.select %and3A, %sub3A_187, %div3A : i32
      %jit3A_188 = arith.constant 9 : i32
      %eq3A = arith.constant 0 : i32
      %eq3A_189 = arith.cmpi eq, %jit3A_188, %eq3A : i32
      %jit3A_190 = arith.constant 1 : i32
      %select_n3A_191 = arith.select %eq3A_189, %jit3A_190, %jit3A_188 : i32
      %rem3A_192 = arith.remsi %scan3A_170, %select_n3A_191 : i32
      %ne3A_193 = arith.constant 0 : i32
      %ne3A_194 = arith.cmpi ne, %rem3A_192, %ne3A_193 : i32
      %lt3A = arith.constant 0 : i32
      %lt3A_195 = arith.cmpi slt, %rem3A_192, %lt3A : i32
      %lt3A_196 = arith.constant 0 : i32
      %lt3A_197 = arith.cmpi slt, %select_n3A_191, %lt3A_196 : i32
      %ne3A_198 = arith.xori %lt3A_195, %lt3A_197 : i1
      %and3A_199 = arith.andi %ne3A_198, %ne3A_194 : i1
      %add3A_200 = arith.addi %rem3A_192, %select_n3A_191 : i32
      %select_n3A_201 = arith.select %and3A_199, %add3A_200, %rem3A_192 : i32
      %mul3A_202 = arith.constant 16 : i32
      %mul3A_203 = arith.muli %select_n3A_201, %mul3A_202 : i32
      %add3A_204 = arith.constant 128 : i32
      %add3A_205 = arith.addi %add3A_204, %mul3A_203 : i32
      %add3A_206 = vector.broadcast %add3A_205 : i32 to vector<16xi32>
      %add3A_207 = arith.addi %add3A_206, %iota3A : vector<16xi32>
      %add3A_208 = arith.constant 1 : i32
      %add3A_209 = vector.broadcast %add3A_208 : i32 to vector<16xi32>
      %add3A_210 = arith.addi %add3A_207, %add3A_209 : vector<16xi32>
      %sub3A_211 = arith.constant 136 : i32
      %sub3A_212 = vector.broadcast %sub3A_211 : i32 to vector<16xi32>
      %sub3A_213 = arith.subi %add3A_210, %sub3A_212 : vector<16xi32>
      %jit3A_214 = arith.constant 0 : i32
      %jit3A_215 = arith.constant 128 : i32
      %max3A = vector.broadcast %jit3A_214 : i32 to vector<16xi32>
      %max3A_216 = arith.maxsi %max3A, %sub3A_213 : vector<16xi32>
      %min3A = vector.broadcast %jit3A_215 : i32 to vector<16xi32>
      %min3A_217 = arith.minsi %min3A, %max3A_216 : vector<16xi32>
      %mul3A_218 = arith.constant 64 : i32
      %mul3A_219 = vector.broadcast %mul3A_218 : i32 to vector<16xi32>
      %mul3A_220 = arith.muli %min3A_217, %mul3A_219 : vector<16xi32>
      %add3A_221 = vector.broadcast %select_n3A : i32 to vector<16xi32>
      %add3A_222 = arith.addi %mul3A_220, %add3A_221 : vector<16xi32>
      %gather3A = tpu.vector_load_idx %arg4[%add3A_222] : memref<8256xf32, #tpu.memory_space<vmem>>[vector<16xi32>], vector<16xf32>,
      %jit3A_223 = arith.constant 8 : i32
      %div3A_224 = arith.divsi %select_n3A, %jit3A_223 : i32
      %sign3A_225 = arith.constant 0 : i32
      %sign3A_226 = arith.cmpi sgt, %select_n3A, %sign3A_225 : i32
      %sign3A_227 = arith.extui %sign3A_226 : i1 to i32
      %sign3A_228 = arith.constant 0 : i32
      %sign3A_229 = arith.cmpi slt, %select_n3A, %sign3A_228 : i32
      %sign3A_230 = arith.extui %sign3A_229 : i1 to i32
      %sign3A_231 = arith.subi %sign3A_227, %sign3A_230 : i32
      %sign3A_232 = arith.constant 0 : i32
      %sign3A_233 = arith.cmpi sgt, %jit3A_223, %sign3A_232 : i32
      %sign3A_234 = arith.extui %sign3A_233 : i1 to i32
      %sign3A_235 = arith.constant 0 : i32
      %sign3A_236 = arith.cmpi slt, %jit3A_223, %sign3A_235 : i32
      %sign3A_237 = arith.extui %sign3A_236 : i1 to i32
      %sign3A_238 = arith.subi %sign3A_234, %sign3A_237 : i32
      %ne3A_239 = arith.cmpi ne, %sign3A_231, %sign3A_238 : i32
      %rem3A_240 = arith.remsi %select_n3A, %jit3A_223 : i32
      %ne3A_241 = arith.constant 0 : i32
      %ne3A_242 = arith.cmpi ne, %rem3A_240, %ne3A_241 : i32
      %and3A_243 = arith.andi %ne3A_239, %ne3A_242 : i1
      %sub3A_244 = arith.constant 1 : i32
      %sub3A_245 = arith.subi %div3A_224, %sub3A_244 : i32
      %select_n3A_246 = arith.select %and3A_243, %sub3A_245, %div3A_224 : i32
      %jit3A_247 = arith.constant 8 : i32
      %eq3A_248 = arith.constant 0 : i32
      %eq3A_249 = arith.cmpi eq, %jit3A_247, %eq3A_248 : i32
      %jit3A_250 = arith.constant 1 : i32
      %select_n3A_251 = arith.select %eq3A_249, %jit3A_250, %jit3A_247 : i32
      %rem3A_252 = arith.remsi %select_n3A, %select_n3A_251 : i32
      %ne3A_253 = arith.constant 0 : i32
      %ne3A_254 = arith.cmpi ne, %rem3A_252, %ne3A_253 : i32
      %lt3A_255 = arith.constant 0 : i32
      %lt3A_256 = arith.cmpi slt, %rem3A_252, %lt3A_255 : i32
      %lt3A_257 = arith.constant 0 : i32
      %lt3A_258 = arith.cmpi slt, %select_n3A_251, %lt3A_257 : i32
      %ne3A_259 = arith.xori %lt3A_256, %lt3A_258 : i1
      %and3A_260 = arith.andi %ne3A_259, %ne3A_254 : i1
      %add3A_261 = arith.addi %rem3A_252, %select_n3A_251 : i32
      %select_n3A_262 = arith.select %and3A_260, %add3A_261, %rem3A_252 : i32
      %mul3A_263 = arith.constant 16 : i32
      %mul3A_264 = arith.muli %select_n3A_201, %mul3A_263 : i32
      %add3A_265 = arith.constant 128 : i32
      %add3A_266 = arith.addi %add3A_265, %mul3A_264 : i32
      %swap3A = arith.index_cast %select_n3A_246 : i32 to index
      %swap3A_267 = arith.index_cast %select_n3A_262 : i32 to index
      %swap3A_268 = arith.index_cast %add3A_266 : i32 to index
      %swap3A_269 = tpu.vector_load %arg6[%swap3A, %swap3A_267, %swap3A_268] {strides = array<i32>} : memref<8x8x400xf32, #tpu.memory_space<vmem>>, vector<16xf32>,
      tpu.vector_store %arg6[%swap3A, %swap3A_267, %swap3A_268], %gather3A {strides = array<i32>} : memref<8x8x400xf32, #tpu.memory_space<vmem>>, vector<16xf32>,
      %scan3A_270 = arith.constant 0 : i32
      scf.yield %scan3A_270 : i32
    }
    %scan3A_148 = arith.constant 576 : i32
    %scan3A_149 = arith.constant 0 : i32
    %scan3A_150 = arith.constant 0 : i32
    %scan3A_151 = arith.constant 128 : i32
    %scan3A_152 = arith.addi %scan3A_150, %scan3A_151 : i32
    %scan3A_153 = arith.constant 1 : i32
    %scan3A_154 = scf.for %scan3A_170 = %scan3A_150 to %scan3A_152 step %scan3A_153 iter_args(%scan3A_171 = %scan3A_149) -> (i32)  : i32 {
      %dma_wait3A = arith.constant 0 : i32
      %dma_wait3A_172 = arith.constant 0 : i32
      %dma_wait3A_173 = arith.constant 0 : i32
      %dma_wait3A_174 = arith.constant 0 : i32
      %dma_wait3A_175 = tpu.memref_slice %arg5[%dma_wait3A_172, %dma_wait3A_173, %dma_wait3A_174] : memref<8x8x400xf32, #tpu.memory_space<vmem>> -> memref<8x8x128xf32, #tpu.memory_space<vmem>>
      %dma_wait3A_176 = arith.constant 0 : i32
      %dma_wait3A_177 = arith.constant 0 : i32
      %dma_wait3A_178 = arith.constant 0 : i32
      %dma_wait3A_179 = tpu.memref_slice %arg3[%mul3A_2, %dma_wait3A_176, %dma_wait3A, %dma_wait3A_177, %dma_wait3A_178] : memref<2048x8x16x8x128xf32, #tpu.memory_space<hbm>> -> memref<1x8x1x8x128xf32, #tpu.memory_space<hbm>>
      %dma_wait3A_180 = tpu.memref_squeeze %dma_wait3A_179 : memref<1x8x1x8x128xf32, #tpu.memory_space<hbm>> -> memref<8x8x128xf32, #tpu.memory_space<hbm>>
      %dma_wait3A_181 = arith.constant 0 : i32
      %dma_wait3A_182 = arith.constant 0 : i32
      %dma_wait3A_183 = arith.constant 0 : i32
      %dma_wait3A_184 = tpu.memref_slice %arg3[%mul3A_2, %dma_wait3A_181, %dma_wait3A, %dma_wait3A_182, %dma_wait3A_183] : memref<2048x8x16x8x128xf32, #tpu.memory_space<hbm>> -> memref<1x8x1x8x128xf32, #tpu.memory_space<hbm>>
      %dma_wait3A_185 = tpu.memref_squeeze %dma_wait3A_184 : memref<1x8x1x8x128xf32, #tpu.memory_space<hbm>> -> memref<8x8x128xf32, #tpu.memory_space<hbm>>
      %dma_wait3A_186 = arith.constant 0 : i32
      %dma_wait3A_187 = arith.constant 0 : i32
      %dma_wait3A_188 = arith.constant 0 : i32
      %dma_wait3A_189 = tpu.memref_slice %arg5[%dma_wait3A_186, %dma_wait3A_187, %dma_wait3A_188] : memref<8x8x400xf32, #tpu.memory_space<vmem>> -> memref<8x8x128xf32, #tpu.memory_space<vmem>>
      tpu.wait_dma2 semaphore(%arg7 : memref<!tpu.dma_semaphore, #tpu.memory_space<semaphore_mem>>) src(%dma_wait3A_189 : memref<8x8x128xf32, #tpu.memory_space<vmem>>) dst(%dma_wait3A_185 : memref<8x8x128xf32, #tpu.memory_space<hbm>>)
      %scan3A_190 = arith.constant 0 : i32
      scf.yield %scan3A_190 : i32
    }
    %scan3A_155 = arith.constant 128 : i32
    %scan3A_156 = arith.constant 0 : i32
    %scan3A_157 = arith.constant 0 : i32
    %scan3A_158 = arith.constant 128 : i32
    %scan3A_159 = arith.addi %scan3A_157, %scan3A_158 : i32
    %scan3A_160 = arith.constant 1 : i32
    %scan3A_161 = scf.for %scan3A_170 = %scan3A_157 to %scan3A_159 step %scan3A_160 iter_args(%scan3A_171 = %scan3A_156) -> (i32)  : i32 {
      %jit3A = arith.constant 16 : i32
      %div3A = arith.divsi %scan3A_170, %jit3A : i32
      %sign3A = arith.constant 0 : i32
      %sign3A_172 = arith.cmpi sgt, %scan3A_170, %sign3A : i32
      %sign3A_173 = arith.extui %sign3A_172 : i1 to i32
      %sign3A_174 = arith.constant 0 : i32
      %sign3A_175 = arith.cmpi slt, %scan3A_170, %sign3A_174 : i32
      %sign3A_176 = arith.extui %sign3A_175 : i1 to i32
      %sign3A_177 = arith.subi %sign3A_173, %sign3A_176 : i32
      %sign3A_178 = arith.constant 0 : i32
      %sign3A_179 = arith.cmpi sgt, %jit3A, %sign3A_178 : i32
      %sign3A_180 = arith.extui %sign3A_179 : i1 to i32
      %sign3A_181 = arith.constant 0 : i32
      %sign3A_182 = arith.cmpi slt, %jit3A, %sign3A_181 : i32
      %sign3A_183 = arith.extui %sign3A_182 : i1 to i32
      %sign3A_184 = arith.subi %sign3A_180, %sign3A_183 : i32
      %ne3A = arith.cmpi ne, %sign3A_177, %sign3A_184 : i32
      %rem3A = arith.remsi %scan3A_170, %jit3A : i32
      %ne3A_185 = arith.constant 0 : i32
      %ne3A_186 = arith.cmpi ne, %rem3A, %ne3A_185 : i32
      %and3A = arith.andi %ne3A, %ne3A_186 : i1
      %sub3A = arith.constant 1 : i32
      %sub3A_187 = arith.subi %div3A, %sub3A : i32
      %select_n3A = arith.select %and3A, %sub3A_187, %div3A : i32
      %jit3A_188 = arith.constant 16 : i32
      %eq3A = arith.constant 0 : i32
      %eq3A_189 = arith.cmpi eq, %jit3A_188, %eq3A : i32
      %jit3A_190 = arith.constant 1 : i32
      %select_n3A_191 = arith.select %eq3A_189, %jit3A_190, %jit3A_188 : i32
      %rem3A_192 = arith.remsi %scan3A_170, %select_n3A_191 : i32
      %ne3A_193 = arith.constant 0 : i32
      %ne3A_194 = arith.cmpi ne, %rem3A_192, %ne3A_193 : i32
      %lt3A = arith.constant 0 : i32
      %lt3A_195 = arith.cmpi slt, %rem3A_192, %lt3A : i32
      %lt3A_196 = arith.constant 0 : i32
      %lt3A_197 = arith.cmpi slt, %select_n3A_191, %lt3A_196 : i32
      %ne3A_198 = arith.xori %lt3A_195, %lt3A_197 : i1
      %and3A_199 = arith.andi %ne3A_198, %ne3A_194 : i1
      %add3A_200 = arith.addi %rem3A_192, %select_n3A_191 : i32
      %select_n3A_201 = arith.select %and3A_199, %add3A_200, %rem3A_192 : i32
      %mul3A_202 = arith.constant 8 : i32
      %mul3A_203 = arith.muli %select_n3A, %mul3A_202 : i32
      %add3A_204 = arith.addi %mul3A_2, %mul3A_203 : i32
      %add3A_205 = arith.constant 7 : i32
      %add3A_206 = arith.addi %add3A_204, %add3A_205 : i32
      %sub3A_207 = arith.constant 2048 : i32
      %sub3A_208 = arith.subi %sub3A_207, %add3A_206 : i32
      %mul3A_209 = arith.constant 128 : i32
      %mul3A_210 = arith.muli %select_n3A_201, %mul3A_209 : i32
      %add3A_211 = arith.addi %sub3A_208, %mul3A_210 : i32
      %sub3A_212 = arith.constant 1848 : i32
      %sub3A_213 = arith.subi %add3A_211, %sub3A_212 : i32
      %sub3A_214 = arith.constant 1 : i32
      %sub3A_215 = arith.subi %sub3A_213, %sub3A_214 : i32
      %jit3A_216 = arith.constant 0 : i32
      %jit3A_217 = arith.constant 272 : i32
      %max3A = arith.maxsi %jit3A_216, %sub3A_215 : i32
      %min3A = arith.minsi %jit3A_217, %max3A : i32
      %multiple_of3A = tpu.assume_multiple %min3A, 8 : i32
      %dma_start3A = arith.constant 0 : i32
      %dma_start3A_218 = arith.constant 0 : i32
      %dma_start3A_219 = tpu.memref_slice %arg6[%dma_start3A, %dma_start3A_218, %multiple_of3A] : memref<8x8x400xf32, #tpu.memory_space<vmem>> -> memref<8x8x128xf32, #tpu.memory_space<vmem>>
      %dma_start3A_220 = arith.constant 0 : i32
      %dma_start3A_221 = arith.constant 0 : i32
      %dma_start3A_222 = arith.constant 0 : i32
      %dma_start3A_223 = tpu.memref_slice %arg3[%add3A_206, %dma_start3A_220, %select_n3A_201, %dma_start3A_221, %dma_start3A_222] : memref<2048x8x16x8x128xf32, #tpu.memory_space<hbm>> -> memref<1x8x1x8x128xf32, #tpu.memory_space<hbm>>
      %dma_start3A_224 = tpu.memref_squeeze %dma_start3A_223 : memref<1x8x1x8x128xf32, #tpu.memory_space<hbm>> -> memref<8x8x128xf32, #tpu.memory_space<hbm>>
      %dma_start3A_225 = arith.constant 0 : i32
      %dma_start3A_226 = arith.constant 0 : i32
      %dma_start3A_227 = arith.constant 0 : i32
      %dma_start3A_228 = tpu.memref_slice %arg3[%add3A_206, %dma_start3A_225, %select_n3A_201, %dma_start3A_226, %dma_start3A_227] : memref<2048x8x16x8x128xf32, #tpu.memory_space<hbm>> -> memref<1x8x1x8x128xf32, #tpu.memory_space<hbm>>
      %dma_start3A_229 = tpu.memref_squeeze %dma_start3A_228 : memref<1x8x1x8x128xf32, #tpu.memory_space<hbm>> -> memref<8x8x128xf32, #tpu.memory_space<hbm>>
      %dma_start3A_230 = arith.constant 0 : i32
      %dma_start3A_231 = arith.constant 0 : i32
      %dma_start3A_232 = tpu.memref_slice %arg6[%dma_start3A_230, %dma_start3A_231, %multiple_of3A] : memref<8x8x400xf32, #tpu.memory_space<vmem>> -> memref<8x8x128xf32, #tpu.memory_space<vmem>>
      tpu.enqueue_dma source(%dma_start3A_232 : memref<8x8x128xf32, #tpu.memory_space<vmem>>) target(%dma_start3A_229 : memref<8x8x128xf32, #tpu.memory_space<hbm>>) target_semaphore(%arg7 : memref<!tpu.dma_semaphore, #tpu.memory_space<semaphore_mem>>)
      %scan3A_233 = arith.constant 0 : i32
      scf.yield %scan3A_233 : i32
    }
    %scan3A_162 = arith.constant 128 : i32
    %scan3A_163 = arith.constant 0 : i32
    %scan3A_164 = arith.constant 0 : i32
    %scan3A_165 = arith.constant 128 : i32
    %scan3A_166 = arith.addi %scan3A_164, %scan3A_165 : i32
    %scan3A_167 = arith.constant 1 : i32
    %scan3A_168 = scf.for %scan3A_170 = %scan3A_164 to %scan3A_166 step %scan3A_167 iter_args(%scan3A_171 = %scan3A_163) -> (i32)  : i32 {
      %dma_wait3A = arith.constant 0 : i32
      %dma_wait3A_172 = arith.constant 0 : i32
      %dma_wait3A_173 = arith.constant 0 : i32
      %dma_wait3A_174 = arith.constant 0 : i32
      %dma_wait3A_175 = tpu.memref_slice %arg5[%dma_wait3A_172, %dma_wait3A_173, %dma_wait3A_174] : memref<8x8x400xf32, #tpu.memory_space<vmem>> -> memref<8x8x128xf32, #tpu.memory_space<vmem>>
      %dma_wait3A_176 = arith.constant 0 : i32
      %dma_wait3A_177 = arith.constant 0 : i32
      %dma_wait3A_178 = arith.constant 0 : i32
      %dma_wait3A_179 = tpu.memref_slice %arg3[%mul3A_2, %dma_wait3A_176, %dma_wait3A, %dma_wait3A_177, %dma_wait3A_178] : memref<2048x8x16x8x128xf32, #tpu.memory_space<hbm>> -> memref<1x8x1x8x128xf32, #tpu.memory_space<hbm>>
      %dma_wait3A_180 = tpu.memref_squeeze %dma_wait3A_179 : memref<1x8x1x8x128xf32, #tpu.memory_space<hbm>> -> memref<8x8x128xf32, #tpu.memory_space<hbm>>
      %dma_wait3A_181 = arith.constant 0 : i32
      %dma_wait3A_182 = arith.constant 0 : i32
      %dma_wait3A_183 = arith.constant 0 : i32
      %dma_wait3A_184 = tpu.memref_slice %arg3[%mul3A_2, %dma_wait3A_181, %dma_wait3A, %dma_wait3A_182, %dma_wait3A_183] : memref<2048x8x16x8x128xf32, #tpu.memory_space<hbm>> -> memref<1x8x1x8x128xf32, #tpu.memory_space<hbm>>
      %dma_wait3A_185 = tpu.memref_squeeze %dma_wait3A_184 : memref<1x8x1x8x128xf32, #tpu.memory_space<hbm>> -> memref<8x8x128xf32, #tpu.memory_space<hbm>>
      %dma_wait3A_186 = arith.constant 0 : i32
      %dma_wait3A_187 = arith.constant 0 : i32
      %dma_wait3A_188 = arith.constant 0 : i32
      %dma_wait3A_189 = tpu.memref_slice %arg5[%dma_wait3A_186, %dma_wait3A_187, %dma_wait3A_188] : memref<8x8x400xf32, #tpu.memory_space<vmem>> -> memref<8x8x128xf32, #tpu.memory_space<vmem>>
      tpu.wait_dma2 semaphore(%arg7 : memref<!tpu.dma_semaphore, #tpu.memory_space<semaphore_mem>>) src(%dma_wait3A_189 : memref<8x8x128xf32, #tpu.memory_space<vmem>>) dst(%dma_wait3A_185 : memref<8x8x128xf32, #tpu.memory_space<hbm>>)
      %scan3A_190 = arith.constant 0 : i32
      scf.yield %scan3A_190 : i32
    }
    %scan3A_169 = arith.constant 128 : i32
    return
  }
}

</mosaic_0001>

<sc_bundles>
// kernel: kernel.3.cloned.1.call-start
scs
__scs_entry_jumppad:
0x0: {  	(pc) =	sbr.rel $0x88, $3  }
0x1: {  	(tag) =	ssettag $0x0;
	lr =	simm.s32 $0x1  }
0x2: {  	[smem:$0x3FA0] =	sst lr;
	_ =	strace $0xD0000000  }
0x3: {  	_ = 	snop  }
0x4: {  	_ = 	snop  }
0x5: {  	_ = 	snop  }
0x6: {  	_ = 	snop  }
0x7: {  	_ = 	snop  }
__scs_overlays_trampoline_lowered:
0x8: {  	[smem:$0x3FAF] =	sst s0  }
0x9: {  	[smem:$0x3FB0] =	sst s1  }
0xa: {  	[smem:$0x3FB1] =	sst s2  }
0xb: {  	[smem:$0x3FB2] =	sst s3  }
0xc: {  	[smem:$0x3FB3] =	sst s4  }
0xd: {  	[smem:$0x3FB4] =	sst s5  }
0xe: {  	[smem:$0x3FB5] =	sst s6  }
0xf: {  	[smem:$0x3FB6] =	sst s7  }
0x10: {  	[smem:$0x3FB7] =	sst s8  }
0x11: {  	[smem:$0x3FB8] =	sst s9;
	s0 =	simm.s32 @!p0 $0x0  }
0x12: {  	s1 =	sld [smem:$0x3F9E];
	s0 =	simm.s32 @p0 $0x1  }
0x13: {  	[smem:$0x3FB9] =	sst s0;
	s0 =	simm.s32 @!p1 $0x0  }
0x14: {  	s2 =	sld [smem:$0x3F9D];
	s0 =	simm.s32 @p1 $0x1  }
0x15: {  	[smem:$0x3FBA] =	sst s0;
	s0 =	simm.s32 @!p2 $0x0  }
0x16: {  	s3 =	sld [smem:$0x3FDB];
	s0 =	simm.s32 @p2 $0x1  }
0x17: {  	s4 =	simm.s32 $0x1BF5;
	[smem:$0x3FBC] =	sst s0  }
0x18: {  	s0 =	sld [smem:$0x3F9F];
	_ =	swait.ge [sflag:s4], $0x0  }
0x19: {  	s7 =	sld [smem:$0x3FA0]  }
0x1a: {  	s8 =	sadd.s32 $0xFFFFE003, lr  }
0x1b: {  	s9 =	sadd.s32 $0xFFFFFEF7, lr;
	s5 =	simm.s32 $0xFFFFFFFF;
	p2 =	slt.u32 s8, $0xFFFFF086  }
0x1c: {  	p1 =	slt.u32 s9, $0xF7A;
	s5 =	simm.s32 @!p2 $0x0  }
0x1d: {  	s5 =	simm.s32 @p1 $0x1;
	p0 =	seq.s32 s7, s2  }
0x1e: {  	s7 =	smul.u32 @!p0 $0xF7A, s2;
	p2 =	seq.s32 @!p0 s5, $0x0  }
0x1f: {  	s9 =	smul.u32 $0xF7A, s1;
	s8 =	simm.s32 @!p0 $0x1BF5;
	p2 =	por !p2, p0  }
0x20: {  	[sflag:s8] =	ssyncset.s32 @!p0 $0xFFFFF086;
	s6 =	sadd.s32 @!p0 s3, s7;
	s7 =	simm.s32 @!p0 $0x108  }
0x21: {  	s3 =	sadd.s32 s3, s9;
	s6 =	sadd.s32 @!p0 $0x88, s6;
	s7 =	simm.s32 @p2 $0x1082  }
0x22: {  	[simem:s7], [sflag:s8] =	dma.local @!p0 [hbm:s6], $0xF7A  }
0x23: {  	s9 =	sor.u32 $0xD0000000, s2;
	s6 =	simm.s32 $0x108;
	_ =	swait.ge @!p0 [sflag:s8], $0x0  }
0x24: {  	s3 =	sadd.s32 $0x88, s3;
	s6 =	simm.s32 @!p1 $0x1082;
	[sflag:s4] =	ssyncset.s32 $0xFFFFF086  }
0x25: {  	[simem:s6], [sflag:s4] =	dma.local [hbm:s3], $0xF7A  }
0x26: {  	[smem:$0x3FA0] =	sst s1;
	(tag) =	ssettag s2;
	_ =	strace s9  }
0x27: {  	s1 =	sld [smem:$0x3FB0]  }
0x28: {  	s2 =	sld [smem:$0x3FB1]  }
0x29: {  	s4 =	sld [smem:$0x3FB3]  }
0x2a: {  	p0 =	seq.s32 s5, $0x0;
	s5 =	sld [smem:$0x3FB4]  }
0x2b: {  	s6 =	sld [smem:$0x3FB5]  }
0x2c: {  	s7 =	sld [smem:$0x3FB6]  }
0x2d: {  	s3 =	simm.s32 $0x108;
	s8 =	sld [smem:$0x3FB7]  }
0x2e: {  	s3 =	simm.s32 @!p0 $0x1082;
	s9 =	sld [smem:$0x3FB8]  }
0x2f: {  	lr =	sadd.s32 s0, s3;
	s0 =	sld [smem:$0x3FAF]  }
0x30: {  	s3 =	sld [smem:$0x3FB2]  }
0x31: {  	[smem:$0x3FBB] =	sst s10  }
0x32: {  	s10 =	sld [smem:$0x3FB9];
	_ =	sdelay $0x3  }
0x33: {  	p0 =	seq.s32 s10, $0x1;
	s10 =	sld [smem:$0x3FBB];
	_ =	sdelay $0x3  }
0x34: {  	[smem:$0x3FBB] =	sst s10  }
0x35: {  	s10 =	sld [smem:$0x3FBA];
	_ =	sdelay $0x3  }
0x36: {  	p1 =	seq.s32 s10, $0x1;
	s10 =	sld [smem:$0x3FBB];
	_ =	sdelay $0x3  }
0x37: {  	[smem:$0x3FBB] =	sst s10  }
0x38: {  	s10 =	sld [smem:$0x3FBC]  }
0x39: {  	_ = 	snop;
	(pc) =	sbr.ind lr, $3  }
0x3a: {  	_ = 	snop  }
0x3b: {  	_ = 	snop  }
0x3c: {  	p2 =	seq.s32 s10, $0x1;
	s10 =	sld [smem:$0x3FBB]  }
0x3d: {  	_ =	shalt  }
0x3e: {  	_ =	shalt  }
0x3f: {  	_ =	shalt  }
0x40: {  	_ =	shalt  }
0x41: {  	_ =	shalt  }
0x42: {  	_ =	shalt  }
0x43: {  	_ =	shalt  }
0x44: {  	_ =	shalt  }
0x45: {  	_ =	shalt  }
0x46: {  	_ =	shalt  }
0x47: {  	_ =	shalt  }
0x48: {  	_ =	shalt  }
0x49: {  	_ =	shalt  }
0x4a: {  	_ =	shalt  }
0x4b: {  	_ =	shalt  }
0x4c: {  	_ =	shalt  }
0x4d: {  	_ =	shalt  }
0x4e: {  	_ =	shalt  }
0x4f: {  	_ =	shalt  }
0x50: {  	_ =	shalt  }
0x51: {  	_ =	shalt  }
0x52: {  	_ =	shalt  }
0x53: {  	_ =	shalt  }
0x54: {  	_ =	shalt  }
0x55: {  	_ =	shalt  }
0x56: {  	_ =	shalt  }
0x57: {  	_ =	shalt  }
0x58: {  	_ =	shalt  }
0x59: {  	_ =	shalt  }
0x5a: {  	_ =	shalt  }
0x5b: {  	_ =	shalt  }
0x5c: {  	_ =	shalt  }
0x5d: {  	_ =	shalt  }
0x5e: {  	_ =	shalt  }
0x5f: {  	_ =	shalt  }
0x60: {  	_ =	shalt  }
0x61: {  	_ =	shalt  }
0x62: {  	_ =	shalt  }
0x63: {  	_ =	shalt  }
0x64: {  	_ =	shalt  }
0x65: {  	_ =	shalt  }
0x66: {  	_ =	shalt  }
0x67: {  	_ =	shalt  }
0x68: {  	_ =	shalt  }
0x69: {  	_ =	shalt  }
0x6a: {  	_ =	shalt  }
0x6b: {  	_ =	shalt  }
0x6c: {  	_ =	shalt  }
0x6d: {  	_ =	shalt  }
0x6e: {  	_ =	shalt  }
0x6f: {  	_ =	shalt  }
0x70: {  	_ =	shalt  }
0x71: {  	_ =	shalt  }
0x72: {  	_ =	shalt  }
0x73: {  	_ =	shalt  }
0x74: {  	_ =	shalt  }
0x75: {  	_ =	shalt  }
0x76: {  	_ =	shalt  }
0x77: {  	_ =	shalt  }
0x78: {  	_ =	shalt  }
0x79: {  	_ =	shalt  }
0x7a: {  	_ =	shalt  }
0x7b: {  	_ =	shalt  }
0x7c: {  	_ =	shalt  }
0x7d: {  	_ =	shalt  }
0x7e: {  	_ =	shalt  }
0x7f: {  	_ =	shalt  }
0x80: {  	_ =	shalt  }
0x81: {  	_ =	shalt  }
0x82: {  	_ =	shalt  }
0x83: {  	_ =	shalt  }
0x84: {  	_ =	shalt  }
0x85: {  	_ =	shalt  }
0x86: {  	_ =	shalt  }
0x87: {  	_ =	shalt  }
.Lfunc_end0:
.L_simem_size_0:
called_computation_lowered:
.L_overlay_start_0:
0x88: {  	s2 =	sld [smem:$0x3FD9]  }
0x89: {  	s3 =	sld [smem:$0x3FFE];
	_ =	sdelay $0x1  }
0x8a: {  	s1 =	srdreg.scid  }
0x8b: {  	s0 =	sand.u32 $0x1, s1  }
0x8c: {  	s17 =	sshll.u32 s0, $0xA;
	s2 =	sadd.s32 s3, s2  }
0x8d: {  	s2 =	sadd.s32 s2, s17  }
0x8e: {  	[smem:$0x3FC7] =	sst s2  }
0x8f: {  	_ = 	snop  }
0x90: {  	s2 =	sld [smem:$0x3FD0];
	(tm) =	ssettm $0x1  }
0x91: {  	s18 =	sld [smem:$0x3FFB];
	_ =	sdelay $0x3  }
0x92: {  	_ =	strace s18  }
0x93: {  	s3 =	sld [smem:$0x3FFC];
	_ =	sdelay $0x3  }
0x94: {  	_ =	strace s3  }
0x95: {  	s3 =	sld [smem:$0x3FFD];
	_ =	sdelay $0x3  }
0x96: {  	_ =	strace s3  }
0x97: {  	_ =	strace $0x8FFFFFFF  }
0x98: {  	s19 =	sld [smem:$0x3FDB];
	_ =	sdelay $0x1  }
0x99: {  	s4 =	simm.s32 $_scs_section_size  }
0x9a: {  	s5 =	simm.s32 $_size__tile_overlayer_lowered;
	s6 =	simm.s32 $_tile_overlayer_lowered  }
0x9b: {  	s22 =	simm.s32 $0x1BFF;
	s21 =	sshll.u32 s6, $0x1;
	s3 =	sadd.s32 s4, s19  }
0x9c: {  	s7 =	simm.s32 $0x0;
	s20 =	sshll.u32 s5, $0x1;
	s5 =	sadd.s32 s21, s3  }
0x9d: {  	[timem:s7], [sflag:s22] =	dma.local [hbm:s5], s20  }
0x9e: {  	_ =	swait.ge [sflag:s22], s20  }
0x9f: {  	s4 =	ssub.s32 $0x0, s20;
	[sflag:s22] =	ssyncset.done $0x0  }
0xa0: {  	[sflag:s22] =	ssyncadd.s32 s4;
	_ =	sdelay $0x1  }
0xa1: {  	s23 =	simm.s32 $0x1B8B  }
0xa2: {  	_ =	swait.ge [sflag:s23], $0x1  }
0xa3: {  	[sflag:s23] =	ssyncset.done $0x0  }
0xa4: {  	s25 =	simm.s32 $0x1B8E;
	s24 =	sld [smem:$0x3FFE];
	[sflag:s23] =	ssyncadd.s32 $0xFFFFFFFF  }
0xa5: {  	s26 =	simm.s32 $execute0_lowered;
	[smem:$0x3FD2] =	sst s25  }
0xa6: {  	s5 =	sshll.u32 s26, $0x1;
	_ =	strace $0x80000046;
	[dreg:$0x1] =	wrdreg $0xFFFFFFFF  }
0xa7: {  	s28 =	simm.s32 $_size_execute0_lowered;
	s3 =	sadd.s32 s3, s5;
	[dreg:$0x0] =	wrdreg $0x0  }
0xa8: {  	s5 =	sshll.u32 s28, $0x1;
	[dreg:$0x2] =	wrdreg s3  }
0xa9: {  	[dreg:$0x3] =	wrdreg s5  }
0xaa: {  	[dreg:$0x4] =	wrdreg $0xC0  }
0xab: {  	_ =	task [dreg:s7], $0x5FFFF  }
0xac: {  	[dreg:$0x1] =	wrdreg $0xFFFFFFFF  }
0xad: {  	[dreg:$0x0] =	wrdreg $0x60  }
0xae: {  	[dreg:$0x2] =	wrdreg s24  }
0xaf: {  	[dreg:$0x3] =	wrdreg s2  }
0xb0: {  	[dreg:$0x4] =	wrdreg $0x9  }
0xb1: {  	_ =	task.clear_ibuf [dreg:s7], $0x5FFFF;
	_ =	strace $0x90000046  }
0xb2: {  	s29 =	simm.s32 $0x9;
	_ =	strace $0x80000048  }
0xb3: {  	_ =	swait.ge [sflag:s29], $0x1  }
0xb4: {  	[sflag:s29] =	ssyncadd.s32 $0xFFFFFFFF  }
0xb5: {  	_ =	strace $0x90000048  }
0xb6: {  	_ =	sfence  }
0xb7: {  	s30 =	sld [smem:$0x0];
	_ =	sdelay $0x2  }
0xb8: {  	s31 =	sshll.u32 s1, $0xD;
	s1 =	sshrl.u32 s1, $0x2  }
0xb9: {  	s3 =	sand.u32 $0x4000, s31;
	s1 =	sadd.s32 s1, s30  }
0xba: {  	s0 =	sor.u32 s3, s0;
	s1 =	sshll.u32 s1, $0x11  }
0xbb: {  	s0 =	sor.u32 s1, s0  }
0xbc: {  	s0 =	sadd.s32 $0x8F2B, s0  }
0xbd: {  	[sflag:s0] =	ssyncadd.remote.s32 $0x1  }
0xbe: {  	_ =	sfence.sel $0xFFFF  }
0xbf: {  	[dreg:$0x0] =	wrdreg $0xFFFFFFFF;
	(pc) =	sbr.abs _section_cstart, $3  }
0xc0: {  	[dreg:$0x1] =	wrdreg $0xFFFFFFFF  }
0xc1: {  	_ =	task.clear_ibuf [dreg:s7], $0x2FFFF;
	_ =	strace $0x9FFFFFFF  }
0xc2: {  	(tm) =	ssettm $0x7FFFFFFF  }
0xc3: {  	_ =	shalt  }
tec
execute0_lowered:
.L_overlay_start_1:
0x0: {  	(tag) =	ssettag $0x1  }
0x1: {  	s3 =	rddreg [dreg:$0x0]  }
0x2: {  	s1 =	rddreg [dreg:$0x1]  }
0x3: {  	s0 =	rddreg [dreg:$0x2]  }
0x4: {  	s2 =	simm.s32 $0x0;
	s4 =	srdreg.scid;
	s14 =	simm.s32 $0x2  }
0x5: {  	s15 =	simm.s32 $0x1;
	s16 =	simm.s32 $0x0;
	[smem:$0x7FF] =	sst s2  }
0x6: {  	s5 =	sand.u32 $0x1, s4;
	s4 =	sadd.s32 $0x400, s3;
	s3 =	stileid.u32  }
0x7: {  	s8 =	sadd.s32 $0xC000, s1;
	s9 =	sadd.s32 $0x10000, s1;
	s10 =	sadd.s32 $0x14000, s1  }
0x8: {  	v7 =	vlaneseq.u32;
	s11 =	sadd.s32 $0x18000, s1;
	s12 =	sadd.s32 $0x1C000, s1;
	s6 =	ssub.s32 $0x2, s5  }
0x9: {  	v0 =	vadd.s32 $0xFFFFFF78, v7;
	v1 =	vadd.s32 $0xFFFFFF7F, v7;
	s31 =	sshll.u32 s3, $0x7;
	s5 =	sshll.u32 s5, $0x6;
	s7 =	sshrl.u32 s6, $0x1  }
0xa: {  	v2 =	vadd.s32 $0xFFFFFF7E, v7;
	v3 =	vadd.s32 $0xFFFFFF7D, v7;
	v4 =	vadd.s32 $0xFFFFFF7C, v7;
	_ =	strace $0x80000047;
	s5 =	sor.u32 s5, s31;
	s13 =	ssub.s32 s6, s7  }
0xb: {  	v5 =	vadd.s32 $0xFFFFFF7B, v7;
	v6 =	vadd.s32 $0xFFFFFF7A, v7;
	v7 =	vadd.s32 $0xFFFFFF79, v7;
	s6 =	sadd.s32 $0x4000, s1;
	s7 =	sadd.s32 $0x8000, s1;
	s13 =	smax.u32 s13, $0x1  }
.LBB2_1:
0xc: {  	s17 =	smul.u32 $0x47AF, s2  }
0xd: {  	[tilespmem:s2], [sflag:$0x2] =	stream.linear.gather [hbm4b:s4+s2], $0x2040, $0x38;
	[tilespmem:$0xE840] =	vst v63  }
0xe: {  	s17 =	sshrl.u32 s17, $0x10  }
0xf: {  	s18 =	ssub.s32 $0x0, s17  }
0x10: {  	s18 =	sand.u32 $0xFFFE, s18  }
0x11: {  	s18 =	sshrl.u32 s18, $0x1  }
0x12: {  	s17 =	sadd.s32 s17, s18  }
0x13: {  	s19 =	simm.s32 $0x1;
	s17 =	sand.u32 $0xFFF0, s17  }
0x14: {  	s29 =	smul.u32 $0x47AF, s19;
	s21 =	sshrl.u32 s17, $0x4  }
0x15: {  	s17 =	smul.u32 $0x19, s21  }
0x16: {  	s20 =	sshrl.u32 s29, $0x10  }
0x17: {  	s18 =	ssub.s32 $0x1, s20;
	s22 =	ssub.s32 $0x0, s17  }
0x18: {  	s18 =	sand.u32 $0xFFFE, s18;
	s22 =	sshll.u32 s22, $0x4  }
0x19: {  	s30 =	sand.u32 $0xFFF8, s2;
	s23 =	sshrl.u32 s18, $0x1;
	s18 =	sand.u32 $0xFFF0, s22  }
0x1a: {  	p0 =	por $0x1, $0x1;
	_ =	swait.ge [sflag:s14], $0x2040;
	s20 =	sadd.s32 s20, s23;
	v8 =	vadd.s32 s18, v0  }
0x1b: {  	[sflag:s14] =	ssyncset.done $0x0;
	s20 =	sand.u32 $0xFFF0, s20;
	s17 =	simm.s32 $0x2;
	vm0 =	vgt.s32 v8, $0x0  }
0x1c: {  	s24 =	sand.u32 $0x7, s21;
	s20 =	sshrl.u32 s20, $0x4;
	s31 =	smul.u32 $0x47AF, s17;
	v8 =	vnsel vm0, $0x0, v8  }
0x1d: {  	p1 =	sne.s32 s24, $0x0;
	s26 =	smul.u32 $0x19, s20;
	s22 =	sshrl.u32 s30, $0x3;
	v8 =	vmin.u32 v8, $0x80  }
0x1e: {  	[sflag:s14] =	ssyncadd.s32 $0xFFFFDFC0;
	p0 =	por !p0, !p1;
	s22 =	smul.u32 $0x147B, s22;
	v8 =	vshll.u32 v8, $0x6  }
0x1f: {  	p1 =	por !p0, !p0;
	s23 =	sshrl.u32 s31, $0x10;
	s26 =	ssub.s32 $0x1, s26;
	v8 =	vadd.s32 s21, v8  }
0x20: {  	s25 =	sshrl.u32 s22, $0x11;
	s22 =	simm.s32 $0x3;
	s21 =	simm.s32 $0x0  }
.LBB2_2:
0x21: {  	p0 =	sne.s32 s22, $0x63F;
	s26 =	sshll.u32 s26, $0x4  }
0x22: {  	s28 =	simm.s32 $0x1;
	s29 =	smov.u32 s18;
	s30 =	smov.u32 s19  }
0x23: {  	s19 =	smov.u32 s17;
	s24 =	smul.u32 $0x640, s24;
	s28 =	simm.s32 @!p1 $0x0  }
0x24: {  	s18 =	sand.u32 $0xFFF0, s26;
	v9 =	vld.idx.msk [tilespmem:v8+s21+$0x0], $0xffff;
	s17 =	ssub.s32 s25, s28;
	s21 =	ssub.s32 s19, s23  }
0x25: {  	v8 =	vadd.s32 s18, v0;
	s25 =	smul.u32 $0x3200, s17;
	s17 =	smov.u32 s22;
	s26 =	sand.u32 $0xFFFE, s21  }
0x26: {  	s28 =	sand.u32 $0xFFF8, s30;
	vm0 =	vgt.s32 v8, $0x0;
	s21 =	simm.s32 $0x0;
	s26 =	sshrl.u32 s26, $0x1  }
0x27: {  	s24 =	sshrl.u32 s24, $0x2;
	v8 =	vnsel vm0, $0x0, v8;
	s25 =	sshra.s32 s25, $0x2;
	s23 =	sadd.s32 s23, s26  }
0x28: {  	s31 =	smul.u32 $0x47AF, s22;
	v8 =	vmin.u32 v8, $0x80;
	s24 =	sadd.s32 s24, s25;
	s23 =	sand.u32 $0xFFF0, s23  }
.Ltmp0:
0x29: {  	v8 =	vshll.u32 v8, $0x6;
	s25 =	sshrl.u32 s28, $0x3;
	s26 =	sadd.s32 s29, s24;
	(pc) =	sbr.rel @p0 .LBB2_2-.Ltmp0, $4  }
0x2a: {  	v8 =	vadd.s32 s20, v8;
	s25 =	smul.u32 $0x147B, s25;
	s24 =	sand.u32 $0x7, s20;
	s20 =	sshrl.u32 s23, $0x4;
	[tilespmem:s26+$0x2040] =	vst v9  }
0x2b: {  	p1 =	slt.u32 s30, $0x19;
	s26 =	smul.u32 $0x19, s20;
	p2 =	sne.s32 s24, $0x0  }
0x2c: {  	s23 =	sshrl.u32 s31, $0x10;
	s25 =	sshrl.u32 s25, $0x11;
	p1 =	por !p1, !p2  }
0x2d: {  	s22 =	sadd.s32 $0x1, s22;
	s26 =	ssub.s32 s19, s26;
	p1 =	por !p1, !p1  }
0x2e: {  	s22 =	ssub.s32 s17, s23  }
0x2f: {  	s22 =	sand.u32 $0xFFFE, s22  }
0x30: {  	s22 =	sshrl.u32 s22, $0x1  }
0x31: {  	s26 =	sshll.u32 s26, $0x4;
	s22 =	sadd.s32 s23, s22  }
0x32: {  	s26 =	sand.u32 $0xFFF0, s26;
	s22 =	sand.u32 $0xFFF0, s22  }
0x33: {  	s24 =	smul.u32 $0x640, s24;
	v9 =	vadd.s32 s26, v0;
	s22 =	sshrl.u32 s22, $0x4  }
0x34: {  	s28 =	simm.s32 $0x1;
	s30 =	sand.u32 $0xFFF8, s19;
	vm0 =	vgt.s32 v9, $0x0;
	s31 =	smul.u32 $0x19, s22  }
0x35: {  	p0 =	slt.u32 s19, $0x19;
	p5 =	slt.u32 s17, $0x19;
	s28 =	simm.s32 @!p1 $0x0;
	v9 =	vnsel vm0, $0x0, v9  }
0x36: {  	s29 =	ssub.s32 s25, s28;
	s25 =	sshrl.u32 s30, $0x3;
	v9 =	vmin.u32 v9, $0x80;
	s28 =	ssub.s32 s17, s31  }
0x37: {  	v8 =	vld.idx.msk [tilespmem:v8+s21+$0x0], $0xffff;
	s23 =	smul.u32 $0x3200, s29;
	s29 =	sand.u32 $0x7, s20;
	v9 =	vshll.u32 v9, $0x6;
	s31 =	sshll.u32 s28, $0x4  }
0x38: {  	s30 =	smul.u32 $0x147B, s25;
	p4 =	sne.s32 s29, $0x0;
	v9 =	vadd.s32 s20, v9;
	s25 =	sand.u32 $0xFFF0, s31  }
0x39: {  	s24 =	sshrl.u32 s24, $0x2;
	s23 =	sshra.s32 s23, $0x2;
	p0 =	por !p0, !p4;
	v10 =	vadd.s32 s25, v0  }
0x3a: {  	p0 =	por !p0, !p0;
	s23 =	sadd.s32 s24, s23;
	s20 =	simm.s32 $0x1;
	vm15 =	vgt.s32 v10, $0x0  }
0x3b: {  	s21 =	sshrl.u32 s30, $0x11;
	s18 =	sadd.s32 s18, s23;
	s20 =	simm.s32 @!p0 $0x0;
	v10 =	vnsel vm15, $0x0, v10  }
0x3c: {  	s19 =	smul.u32 $0x640, s29;
	s23 =	simm.s32 $0x0;
	[tilespmem:s18+$0x2040] =	vst v8;
	s20 =	ssub.s32 s21, s20;
	v8 =	vmin.u32 v10, $0x80  }
0x3d: {  	s24 =	sand.u32 $0xFFF8, s17;
	s28 =	sand.u32 $0x7, s22;
	s20 =	smul.u32 $0x3200, s20;
	v9 =	vld.idx.msk [tilespmem:v9+s23+$0x0], $0xffff;
	v8 =	vshll.u32 v8, $0x6  }
0x3e: {  	s29 =	sshrl.u32 s19, $0x2;
	s18 =	sshrl.u32 s24, $0x3;
	p6 =	sne.s32 s28, $0x0;
	v8 =	vadd.s32 s22, v8  }
0x3f: {  	s18 =	smul.u32 $0x147B, s18;
	p0 =	por !p5, !p6;
	s20 =	sshra.s32 s20, $0x2  }
0x40: {  	s19 =	simm.s32 $0x1;
	p0 =	por !p0, !p0;
	s17 =	sadd.s32 s29, s20  }
0x41: {  	s18 =	sshrl.u32 s18, $0x11;
	s19 =	simm.s32 @!p0 $0x0;
	s20 =	sadd.s32 s26, s17  }
0x42: {  	s30 =	smul.u32 $0x640, s28;
	s17 =	simm.s32 $0x0;
	s18 =	ssub.s32 s18, s19;
	[tilespmem:s20+$0x2040] =	vst v9  }
0x43: {  	p2 =	por $0x1, $0x1;
	s18 =	smul.u32 $0x3200, s18;
	v8 =	vld.idx.msk [tilespmem:v8+s17+$0x0], $0xffff  }
.Ltmp1:
0x44: {  	_ = 	snop;
	(pc) =	sbr.rel @!p2 .LBB2_4-.Ltmp1, $4  }
0x45: {  	s19 =	sshrl.u32 s30, $0x2;
	s18 =	sshra.s32 s18, $0x2  }
0x46: {  	s31 =	smul.u32 $0x47AF, s17;
	s18 =	sadd.s32 s19, s18  }
0x47: {  	p1 =	por $0x0, $0x0;
	s18 =	sadd.s32 s25, s18  }
0x48: {  	p0 =	por $0x0, $0x0;
	s20 =	sshrl.u32 s31, $0x10;
	[tilespmem:s18+$0x2040] =	vst v8;
	s18 =	simm.s32 $0x1  }
0x49: {  	s19 =	ssub.s32 $0x0, s20  }
0x4a: {  	s19 =	sand.u32 $0xFFFE, s19  }
0x4b: {  	s19 =	sshrl.u32 s19, $0x1  }
0x4c: {  	p2 =	por $0x1, $0x1;
	s19 =	sadd.s32 s20, s19  }
.Ltmp2:
0x4d: {  	s19 =	sand.u32 $0xFFF0, s19;
	(pc) =	sbr.rel @!p2 .LBB2_6-.Ltmp2, $4  }
0x4e: {  	s31 =	smul.u32 $0x47AF, s18;
	s22 =	sshrl.u32 s19, $0x4  }
0x4f: {  	s19 =	smul.u32 $0x19, s22  }
0x50: {  	s21 =	simm.s32 $0x2  }
0x51: {  	p0 =	por $0x1, $0x1;
	s20 =	sshrl.u32 s31, $0x10;
	s28 =	ssub.s32 $0x0, s19  }
0x52: {  	s19 =	ssub.s32 $0x1, s20  }
0x53: {  	s23 =	sshll.u32 s28, $0x4;
	s19 =	sand.u32 $0xFFFE, s19  }
0x54: {  	s29 =	sand.u32 $0xFFF8, s17;
	s24 =	sshrl.u32 s19, $0x1;
	s19 =	sand.u32 $0xFFF0, s23  }
0x55: {  	s25 =	smul.u32 $0x47AF, s21;
	s31 =	sshrl.u32 s29, $0x3;
	v8 =	vadd.s32 s19, v1  }
0x56: {  	p2 =	por $0x1, $0x1;
	s26 =	smul.u32 $0x147B, s31;
	s30 =	sadd.s32 s20, s24;
	vm0 =	vgt.s32 v8, $0x0  }
.Ltmp3:
0x57: {  	s20 =	sand.u32 $0xFFF0, s30;
	v8 =	vnsel vm0, $0x0, v8;
	(pc) =	sbr.rel @!p2 .LBB2_8-.Ltmp3, $4  }
0x58: {  	p1 =	por $0x1, $0x1;
	s24 =	sand.u32 $0x7, s22;
	s23 =	sshrl.u32 s20, $0x4;
	v8 =	vmin.u32 v8, $0x80  }
0x59: {  	p3 =	sne.s32 s24, $0x0;
	s26 =	sshrl.u32 s26, $0x11;
	s28 =	smul.u32 $0x19, s23;
	v8 =	vshll.u32 v8, $0x6  }
0x5a: {  	s20 =	sshrl.u32 s25, $0x10;
	p1 =	por !p1, !p3;
	s25 =	simm.s32 $0x3;
	v8 =	vadd.s32 s22, v8  }
0x5b: {  	p3 =	por !p1, !p1;
	p1 =	por $0x1, $0x1;
	s28 =	ssub.s32 $0x1, s28  }
.LBB2_9:
0x5c: {  	p2 =	sne.s32 s25, $0x63F  }
0x5d: {  	s22 =	sshll.u32 s28, $0x4;
	s28 =	simm.s32 $0x1;
	s29 =	smov.u32 s19  }
0x5e: {  	s30 =	smov.u32 s18;
	s18 =	smov.u32 s21;
	s28 =	simm.s32 @!p3 $0x0  }
0x5f: {  	s19 =	sand.u32 $0xFFF0, s22;
	s22 =	smul.u32 $0x640, s24;
	v9 =	vld.idx.msk [tilespmem:v8+s17+$0x0], $0xffff;
	s21 =	ssub.s32 s26, s28  }
0x60: {  	s24 =	ssub.s32 s18, s20;
	v8 =	vadd.s32 s19, v1;
	s26 =	smul.u32 $0x3200, s21;
	s21 =	smov.u32 s25  }
0x61: {  	s31 =	smul.u32 $0x47AF, s25;
	s24 =	sand.u32 $0xFFFE, s24;
	s28 =	sand.u32 $0xFFF8, s30;
	vm0 =	vgt.s32 v8, $0x0  }
0x62: {  	s24 =	sshrl.u32 s24, $0x1;
	s22 =	sshrl.u32 s22, $0x2;
	v8 =	vnsel vm0, $0x0, v8;
	s26 =	sshra.s32 s26, $0x2  }
0x63: {  	s20 =	sadd.s32 s20, s24;
	s24 =	sshrl.u32 s28, $0x3;
	v8 =	vmin.u32 v8, $0x80;
	s22 =	sadd.s32 s22, s26  }
.Ltmp4:
0x64: {  	s20 =	sand.u32 $0xFFF0, s20;
	v8 =	vshll.u32 v8, $0x6;
	s22 =	sadd.s32 s29, s22;
	(pc) =	sbr.rel @p2 .LBB2_9-.Ltmp4, $4  }
0x65: {  	s26 =	smul.u32 $0x147B, s24;
	s24 =	sand.u32 $0x7, s23;
	v8 =	vadd.s32 s23, v8;
	s23 =	sshrl.u32 s20, $0x4;
	[tilespmem:s22+$0x8440] =	vst v9  }
0x66: {  	p3 =	slt.u32 s30, $0x19;
	p4 =	sne.s32 s24, $0x0;
	s22 =	smul.u32 $0x19, s23  }
0x67: {  	s20 =	sshrl.u32 s31, $0x10;
	s26 =	sshrl.u32 s26, $0x11;
	p3 =	por !p3, !p4  }
0x68: {  	s25 =	sadd.s32 $0x1, s25;
	p3 =	por !p3, !p3;
	s28 =	ssub.s32 s18, s22  }
0x69: {  	s25 =	smov.u32 s18;
	s18 =	smov.u32 s21;
	s22 =	smov.u32 s23  }
.LBB2_11:
0x6a: {  	s23 =	ssub.s32 s18, s20  }
0x6b: {  	p2 =	por !p3, !p1;
	s23 =	sand.u32 $0xFFFE, s23  }
0x6c: {  	s21 =	simm.s32 $0x1;
	s28 =	sshll.u32 @p0 s28, $0x4;
	s23 =	sshrl.u32 s23, $0x1  }
0x6d: {  	s24 =	smul.u32 @p1 $0x640, s24;
	s28 =	sand.u32 @p0 $0xFFF0, s28;
	s29 =	sadd.s32 s20, s23  }
0x6e: {  	p5 =	slt.u32 s18, $0x19;
	s21 =	simm.s32 @p2 $0x0;
	v9 =	vadd.s32 @p0 s28, v1;
	s20 =	sand.u32 $0xFFF0, s29  }
0x6f: {  	p2 =	slt.u32 @p0 s25, $0x19;
	s21 =	ssub.s32 @p1 s26, s21;
	vm0 =	vgt.s32 @p0 v9, $0x0;
	s20 =	sshrl.u32 s20, $0x4  }
0x70: {  	s26 =	sand.u32 @p0 $0x7, s22;
	s23 =	sand.u32 @p0 $0xFFF8, s25;
	v9 =	vnsel @p0 vm0, $0x0, v9;
	s30 =	smul.u32 $0x19, s20  }
0x71: {  	s24 =	sshrl.u32 @p1 s24, $0x2;
	s21 =	smul.u32 @p1 $0x3200, s21;
	s23 =	sshrl.u32 @p0 s23, $0x3;
	v9 =	vmin.u32 @p0 v9, $0x80  }
0x72: {  	p3 =	sne.s32 @p0 s26, $0x0;
	s23 =	smul.u32 @p0 $0x147B, s23;
	v9 =	vshll.u32 @p0 v9, $0x6;
	s25 =	ssub.s32 s18, s30  }
0x73: {  	v8 =	vld.idx.msk @p1 [tilespmem:v8+s17+$0x0], $0xffff;
	p2 =	por @p0 !p2, !p3;
	s21 =	sshra.s32 @p1 s21, $0x2;
	v9 =	vadd.s32 @p0 s22, v9;
	s31 =	sshll.u32 s25, $0x4  }
0x74: {  	p2 =	por @p0 !p2, !p2;
	s22 =	sshrl.u32 @p0 s23, $0x11;
	v9 =	vpsel p0, v9, v0;
	s23 =	sand.u32 $0xFFF0, s31  }
0x75: {  	p2 =	por @!p0 p0, p0;
	s21 =	sadd.s32 @p1 s24, s21;
	s24 =	smov.u32 @p0 s28;
	v10 =	vadd.s32 s23, v1  }
0x76: {  	p2 =	por !p2, !p0;
	s19 =	sadd.s32 @p1 s19, s21;
	s25 =	simm.s32 $0x1;
	vm15 =	vgt.s32 v10, $0x0  }
0x77: {  	s21 =	smov.u32 @p0 s26;
	s22 =	smov.u32 @p0 s22;
	s25 =	simm.s32 @p2 $0x0;
	v10 =	vnsel vm15, $0x0, v10  }
0x78: {  	s26 =	sand.u32 $0x7, s20;
	[tilespmem:s19+$0x8440] =	vst @p1 v8;
	s21 =	smul.u32 @p0 $0x640, s21;
	s22 =	ssub.s32 @p0 s22, s25;
	v8 =	vmin.u32 v10, $0x80  }
0x79: {  	p6 =	sne.s32 s26, $0x0;
	s25 =	sand.u32 $0xFFF8, s18;
	s22 =	smul.u32 @p0 $0x3200, s22;
	v9 =	vld.idx.msk @p0 [tilespmem:v9+s17+$0x0], $0xffff;
	v8 =	vshll.u32 v8, $0x6  }
0x7a: {  	s19 =	smov.u32 @p0 s24;
	p1 =	por !p5, !p6;
	s24 =	sshrl.u32 s25, $0x3;
	v8 =	vadd.s32 s20, v8  }
0x7b: {  	s18 =	sshrl.u32 @p0 s21, $0x2;
	s28 =	smul.u32 $0x147B, s24;
	s22 =	sshra.s32 @p0 s22, $0x2  }
0x7c: {  	p1 =	por !p1, !p1;
	s21 =	simm.s32 $0x1;
	s18 =	sadd.s32 @p0 s18, s22  }
0x7d: {  	s21 =	simm.s32 @!p1 $0x0;
	s29 =	sshrl.u32 s28, $0x11;
	s18 =	sadd.s32 @p0 s19, s18  }
0x7e: {  	s31 =	smul.u32 $0x640, s26;
	s30 =	ssub.s32 s29, s21;
	[tilespmem:s18+$0x8440] =	vst @p0 v9  }
0x7f: {  	s18 =	smul.u32 $0x3200, s30;
	v8 =	vld.idx.msk [tilespmem:v8+s17+$0x0], $0xffff;
	_ =	sdelay $0x1  }
0x80: {  	s19 =	sshrl.u32 s31, $0x2;
	s18 =	sshra.s32 s18, $0x2  }
0x81: {  	s18 =	sadd.s32 s19, s18  }
0x82: {  	s18 =	sadd.s32 s23, s18  }
0x83: {  	[tilespmem:s18+$0x8440] =	vst v8;
	s18 =	simm.s32 $0x0  }
.LBB2_12:
0x84: {  	s19 =	sshrl.u32 s18, $0x1  }
0x85: {  	s20 =	sand.u32 $0xF, s17;
	s21 =	sand.u32 $0x7FFFFFF8, s19  }
0x86: {  	s20 =	sshll.u32 s20, $0x7;
	s21 =	sadd.s32 s21, s5  }
0x87: {  	s20 =	ssub.s32 s20, s21  }
0x88: {  	p0 =	sgt.s32 s20, $0xFFFFFF38  }
0x89: {  	s20 =	simm.s32 @!p0 $0xFFFFFF38  }
0x8a: {  	p0 =	slt.s32 s20, $0x48  }
0x8b: {  	s20 =	simm.s32 @!p0 $0x48  }
0x8c: {  	s25 =	sshll.u32 s18, $0x7;
	s19 =	sand.u32 $0x38, s19;
	s20 =	sadd.s32 $0xC8, s20  }
0x8d: {  	s22 =	sor.u32 s5, s19;
	s21 =	sand.u32 $0x780, s25;
	s20 =	sand.u32 $0x1F8, s20  }
0x8e: {  	s26 =	sshll.u32 s22, $0xE;
	s21 =	sadd.s32 s1, s21;
	s19 =	sadd.s32 $0x2040, s20  }
0x8f: {  	s20 =	sadd.s32 s26, s21;
	s23 =	sadd.s32 $0x0, s19  }
0x90: {  	[hbm4b:s20+s2] =	stream.linear.scatter [tilespmem:s23], [sflag:$0x1], $0x80, $0x38;
	[tilespmem:$0xE840] =	vst v63  }
0x91: {  	s29 =	sadd.s32 $0x10, s20;
	s28 =	sadd.s32 $0x190, s23  }
0x92: {  	[hbm4b:s29+s2] =	stream.linear.scatter [tilespmem:s28], [sflag:$0x1], $0x80, $0x38;
	[tilespmem:$0xE840] =	vst v63  }
0x93: {  	s21 =	simm.s32 $0xC80;
	s31 =	sadd.s32 $0x20, s20;
	s30 =	sadd.s32 $0x320, s23  }
0x94: {  	[hbm4b:s31+s2] =	stream.linear.scatter [tilespmem:s30], [sflag:$0x1], $0x80, $0x38;
	[tilespmem:$0xE840] =	vst v63  }
0x95: {  	s24 =	sadd.s32 $0x30, s20;
	s26 =	sadd.s32 $0x40, s20;
	s22 =	sadd.s32 $0x4B0, s23  }
0x96: {  	[hbm4b:s24+s2] =	stream.linear.scatter [tilespmem:s22], [sflag:$0x1], $0x80, $0x38;
	[tilespmem:$0xE840] =	vst v63  }
0x97: {  	s25 =	sadd.s32 $0x640, s23;
	s28 =	sadd.s32 $0x7D0, s23;
	s29 =	sadd.s32 $0x50, s20  }
0x98: {  	[hbm4b:s26+s2] =	stream.linear.scatter [tilespmem:s25], [sflag:$0x1], $0x80, $0x38;
	[tilespmem:$0xE840] =	vst v63  }
0x99: {  	s30 =	sadd.s32 $0x960, s23;
	s31 =	sadd.s32 $0x60, s20;
	s23 =	sadd.s32 $0xAF0, s23  }
0x9a: {  	[hbm4b:s29+s2] =	stream.linear.scatter [tilespmem:s28], [sflag:$0x1], $0x80, $0x38;
	[tilespmem:$0xE840] =	vst v63  }
0x9b: {  	s22 =	simm.s32 $0x6400;
	s24 =	sadd.s32 $0x70, s20;
	s20 =	sadd.s32 $0x800, s20  }
0x9c: {  	[hbm4b:s31+s2] =	stream.linear.scatter [tilespmem:s30], [sflag:$0x1], $0x80, $0x38;
	[tilespmem:$0xE840] =	vst v63  }
.LBB2_13:
0x9d: {  	[hbm4b:s24+s2] =	stream.linear.scatter [tilespmem:s23], [sflag:$0x1], $0x80, $0x38;
	[tilespmem:$0xE840] =	vst v63  }
0x9e: {  	s23 =	smov.u32 s22  }
0x9f: {  	s25 =	sadd.s32 $0x3200, s22;
	s24 =	sadd.s32 s21, s19;
	s21 =	sshra.s32 s23, $0x2  }
0xa0: {  	[hbm4b:s20+s2] =	stream.linear.scatter [tilespmem:s24], [sflag:$0x1], $0x80, $0x38;
	[tilespmem:$0xE840] =	vst v63  }
0xa1: {  	p0 =	sne.s32 s22, $0x15E00;
	s22 =	sadd.s32 $0x190, s24;
	s23 =	sadd.s32 $0x10, s20  }
0xa2: {  	[hbm4b:s23+s2] =	stream.linear.scatter [tilespmem:s22], [sflag:$0x1], $0x80, $0x38;
	[tilespmem:$0xE840] =	vst v63  }
0xa3: {  	s22 =	sadd.s32 $0x320, s24;
	s23 =	sadd.s32 $0x20, s20  }
0xa4: {  	[hbm4b:s23+s2] =	stream.linear.scatter [tilespmem:s22], [sflag:$0x1], $0x80, $0x38;
	[tilespmem:$0xE840] =	vst v63  }
0xa5: {  	s22 =	sadd.s32 $0x4B0, s24;
	s23 =	sadd.s32 $0x30, s20  }
0xa6: {  	[hbm4b:s23+s2] =	stream.linear.scatter [tilespmem:s22], [sflag:$0x1], $0x80, $0x38;
	[tilespmem:$0xE840] =	vst v63  }
0xa7: {  	s22 =	sadd.s32 $0x640, s24;
	s23 =	sadd.s32 $0x40, s20  }
0xa8: {  	[hbm4b:s23+s2] =	stream.linear.scatter [tilespmem:s22], [sflag:$0x1], $0x80, $0x38;
	[tilespmem:$0xE840] =	vst v63  }
0xa9: {  	s22 =	sadd.s32 $0x7D0, s24;
	s23 =	sadd.s32 $0x50, s20  }
0xaa: {  	[hbm4b:s23+s2] =	stream.linear.scatter [tilespmem:s22], [sflag:$0x1], $0x80, $0x38;
	[tilespmem:$0xE840] =	vst v63  }
.Ltmp5:
0xab: {  	_ = 	snop;
	(pc) =	sbr.rel @p0 .LBB2_13-.Ltmp5, $4  }
0xac: {  	s22 =	sadd.s32 $0x960, s24;
	s23 =	sadd.s32 $0x60, s20  }
0xad: {  	[hbm4b:s23+s2] =	stream.linear.scatter [tilespmem:s22], [sflag:$0x1], $0x80, $0x38;
	[tilespmem:$0xE840] =	vst v63  }
0xae: {  	s23 =	sadd.s32 $0xAF0, s24  }
0xaf: {  	s24 =	sadd.s32 $0x70, s20;
	s20 =	sadd.s32 $0x800, s20;
	s22 =	smov.u32 s25  }
0xb0: {  	[hbm4b:s24+s2] =	stream.linear.scatter [tilespmem:s23], [sflag:$0x1], $0x80, $0x38;
	[tilespmem:$0xE840] =	vst v63  }
0xb1: {  	s19 =	sadd.s32 s21, s19  }
0xb2: {  	[hbm4b:s20+s2] =	stream.linear.scatter [tilespmem:s19], [sflag:$0x1], $0x80, $0x38;
	[tilespmem:$0xE840] =	vst v63  }
0xb3: {  	s22 =	sadd.s32 $0x10, s20;
	s21 =	sadd.s32 $0x190, s19  }
0xb4: {  	[hbm4b:s22+s2] =	stream.linear.scatter [tilespmem:s21], [sflag:$0x1], $0x80, $0x38;
	[tilespmem:$0xE840] =	vst v63  }
0xb5: {  	s31 =	sadd.s32 $0x20, s20;
	s30 =	sadd.s32 $0x320, s19  }
0xb6: {  	[hbm4b:s31+s2] =	stream.linear.scatter [tilespmem:s30], [sflag:$0x1], $0x80, $0x38;
	[tilespmem:$0xE840] =	vst v63  }
0xb7: {  	s23 =	sadd.s32 $0x30, s20;
	s22 =	sadd.s32 $0x4B0, s19  }
0xb8: {  	[hbm4b:s23+s2] =	stream.linear.scatter [tilespmem:s22], [sflag:$0x1], $0x80, $0x38;
	[tilespmem:$0xE840] =	vst v63  }
0xb9: {  	s25 =	sadd.s32 $0x40, s20;
	s18 =	sadd.s32 $0x1, s18;
	s24 =	sadd.s32 $0x640, s19  }
0xba: {  	[hbm4b:s25+s2] =	stream.linear.scatter [tilespmem:s24], [sflag:$0x1], $0x80, $0x38;
	[tilespmem:$0xE840] =	vst v63  }
0xbb: {  	s28 =	sadd.s32 $0x50, s20;
	s26 =	sadd.s32 $0x7D0, s19;
	p0 =	sne.s32 s18, $0x80  }
0xbc: {  	[hbm4b:s28+s2] =	stream.linear.scatter [tilespmem:s26], [sflag:$0x1], $0x80, $0x38;
	[tilespmem:$0xE840] =	vst v63  }
.Ltmp6:
0xbd: {  	_ = 	snop;
	(pc) =	sbr.rel @p0 .LBB2_12-.Ltmp6, $4  }
0xbe: {  	s29 =	sadd.s32 $0x960, s19;
	s30 =	sadd.s32 $0x60, s20  }
0xbf: {  	[hbm4b:s30+s2] =	stream.linear.scatter [tilespmem:s29], [sflag:$0x1], $0x80, $0x38;
	[tilespmem:$0xE840] =	vst v63  }
0xc0: {  	s17 =	sadd.s32 $0x1, s17;
	s19 =	sadd.s32 $0xAF0, s19;
	s31 =	sadd.s32 $0x70, s20  }
0xc1: {  	[hbm4b:s31+s2] =	stream.linear.scatter [tilespmem:s19], [sflag:$0x1], $0x80, $0x38;
	[tilespmem:$0xE840] =	vst v63  }
0xc2: {  	_ =	swait.ge [sflag:s15], $0x2000  }
0xc3: {  	s18 =	simm.s32 $0x7F;
	[sflag:s15] =	ssyncset.done $0x0  }
.LBB2_16:
0xc4: {  	p0 =	sne.s32 s18, $0x1;
	s18 =	sadd.s32 $0xFFFFFFFF, s18;
	[sflag:s15] =	ssyncadd.s32 $0xFFFFE000  }
.Ltmp7:
0xc5: {  	(pc) =	sbr.rel @p0 .LBB2_16-.Ltmp7, $3  }
0xc6: {  	_ =	sdelay $0x1  }
0xc7: {  	_ =	swait.ge [sflag:s15], $0x2000  }
0xc8: {  	s17 =	simm.s32 $0x0;
	[sflag:s15] =	ssyncset.done $0x0  }
0xc9: {  	[sflag:s15] =	ssyncadd.s32 $0xFFFFE000;
	s18 =	simm.s32 $0x0  }
.LBB2_18:
0xca: {  	s19 =	sshrl.u32 s18, $0x1  }
0xcb: {  	s20 =	sand.u32 $0xF, s17;
	s21 =	sand.u32 $0x7FFFFFF8, s19  }
0xcc: {  	s20 =	sshll.u32 s20, $0x7;
	s21 =	sadd.s32 s21, s5  }
0xcd: {  	s20 =	ssub.s32 s20, s21  }
0xce: {  	p0 =	sgt.s32 s20, $0xFFFFFF40  }
0xcf: {  	s20 =	simm.s32 @!p0 $0xFFFFFF40  }
0xd0: {  	p0 =	slt.s32 s20, $0x50  }
0xd1: {  	s20 =	simm.s32 @!p0 $0x50  }
0xd2: {  	s25 =	sshll.u32 s18, $0x7;
	s19 =	sand.u32 $0x38, s19;
	s20 =	sadd.s32 $0xC0, s20  }
0xd3: {  	s22 =	sor.u32 s5, s19;
	s21 =	sand.u32 $0x780, s25;
	s20 =	sand.u32 $0x1F8, s20  }
0xd4: {  	s26 =	sshll.u32 s22, $0xE;
	s21 =	sadd.s32 s21, s6;
	s19 =	sadd.s32 $0x8440, s20  }
0xd5: {  	s20 =	sadd.s32 s26, s21;
	s23 =	sadd.s32 $0x0, s19  }
0xd6: {  	[hbm4b:s20+s2] =	stream.linear.scatter [tilespmem:s23], [sflag:$0x1], $0x80, $0x38;
	[tilespmem:$0xE840] =	vst v63  }
0xd7: {  	s29 =	sadd.s32 $0x10, s20;
	s28 =	sadd.s32 $0x190, s23  }
0xd8: {  	[hbm4b:s29+s2] =	stream.linear.scatter [tilespmem:s28], [sflag:$0x1], $0x80, $0x38;
	[tilespmem:$0xE840] =	vst v63  }
0xd9: {  	s21 =	simm.s32 $0xC80;
	s31 =	sadd.s32 $0x20, s20;
	s30 =	sadd.s32 $0x320, s23  }
0xda: {  	[hbm4b:s31+s2] =	stream.linear.scatter [tilespmem:s30], [sflag:$0x1], $0x80, $0x38;
	[tilespmem:$0xE840] =	vst v63  }
0xdb: {  	s24 =	sadd.s32 $0x30, s20;
	s26 =	sadd.s32 $0x40, s20;
	s22 =	sadd.s32 $0x4B0, s23  }
0xdc: {  	[hbm4b:s24+s2] =	stream.linear.scatter [tilespmem:s22], [sflag:$0x1], $0x80, $0x38;
	[tilespmem:$0xE840] =	vst v63  }
0xdd: {  	s25 =	sadd.s32 $0x640, s23;
	s28 =	sadd.s32 $0x7D0, s23;
	s29 =	sadd.s32 $0x50, s20  }
0xde: {  	[hbm4b:s26+s2] =	stream.linear.scatter [tilespmem:s25], [sflag:$0x1], $0x80, $0x38;
	[tilespmem:$0xE840] =	vst v63  }
0xdf: {  	s30 =	sadd.s32 $0x960, s23;
	s31 =	sadd.s32 $0x60, s20;
	s23 =	sadd.s32 $0xAF0, s23  }
0xe0: {  	[hbm4b:s29+s2] =	stream.linear.scatter [tilespmem:s28], [sflag:$0x1], $0x80, $0x38;
	[tilespmem:$0xE840] =	vst v63  }
0xe1: {  	s22 =	simm.s32 $0x6400;
	s24 =	sadd.s32 $0x70, s20;
	s20 =	sadd.s32 $0x800, s20  }
0xe2: {  	[hbm4b:s31+s2] =	stream.linear.scatter [tilespmem:s30], [sflag:$0x1], $0x80, $0x38;
	[tilespmem:$0xE840] =	vst v63  }
.LBB2_19:
0xe3: {  	[hbm4b:s24+s2] =	stream.linear.scatter [tilespmem:s23], [sflag:$0x1], $0x80, $0x38;
	[tilespmem:$0xE840] =	vst v63  }
0xe4: {  	s23 =	smov.u32 s22  }
0xe5: {  	s25 =	sadd.s32 $0x3200, s22;
	s24 =	sadd.s32 s21, s19;
	s21 =	sshra.s32 s23, $0x2  }
0xe6: {  	[hbm4b:s20+s2] =	stream.linear.scatter [tilespmem:s24], [sflag:$0x1], $0x80, $0x38;
	[tilespmem:$0xE840] =	vst v63  }
0xe7: {  	p0 =	sne.s32 s22, $0x15E00;
	s22 =	sadd.s32 $0x190, s24;
	s23 =	sadd.s32 $0x10, s20  }
0xe8: {  	[hbm4b:s23+s2] =	stream.linear.scatter [tilespmem:s22], [sflag:$0x1], $0x80, $0x38;
	[tilespmem:$0xE840] =	vst v63  }
0xe9: {  	s22 =	sadd.s32 $0x320, s24;
	s23 =	sadd.s32 $0x20, s20  }
0xea: {  	[hbm4b:s23+s2] =	stream.linear.scatter [tilespmem:s22], [sflag:$0x1], $0x80, $0x38;
	[tilespmem:$0xE840] =	vst v63  }
0xeb: {  	s22 =	sadd.s32 $0x4B0, s24;
	s23 =	sadd.s32 $0x30, s20  }
0xec: {  	[hbm4b:s23+s2] =	stream.linear.scatter [tilespmem:s22], [sflag:$0x1], $0x80, $0x38;
	[tilespmem:$0xE840] =	vst v63  }
0xed: {  	s22 =	sadd.s32 $0x640, s24;
	s23 =	sadd.s32 $0x40, s20  }
0xee: {  	[hbm4b:s23+s2] =	stream.linear.scatter [tilespmem:s22], [sflag:$0x1], $0x80, $0x38;
	[tilespmem:$0xE840] =	vst v63  }
0xef: {  	s22 =	sadd.s32 $0x7D0, s24;
	s23 =	sadd.s32 $0x50, s20  }
0xf0: {  	[hbm4b:s23+s2] =	stream.linear.scatter [tilespmem:s22], [sflag:$0x1], $0x80, $0x38;
	[tilespmem:$0xE840] =	vst v63  }
.Ltmp8:
0xf1: {  	_ = 	snop;
	(pc) =	sbr.rel @p0 .LBB2_19-.Ltmp8, $4  }
0xf2: {  	s22 =	sadd.s32 $0x960, s24;
	s23 =	sadd.s32 $0x60, s20  }
0xf3: {  	[hbm4b:s23+s2] =	stream.linear.scatter [tilespmem:s22], [sflag:$0x1], $0x80, $0x38;
	[tilespmem:$0xE840] =	vst v63  }
0xf4: {  	s23 =	sadd.s32 $0xAF0, s24  }
0xf5: {  	s24 =	sadd.s32 $0x70, s20;
	s20 =	sadd.s32 $0x800, s20;
	s22 =	smov.u32 s25  }
0xf6: {  	[hbm4b:s24+s2] =	stream.linear.scatter [tilespmem:s23], [sflag:$0x1], $0x80, $0x38;
	[tilespmem:$0xE840] =	vst v63  }
0xf7: {  	s19 =	sadd.s32 s21, s19  }
0xf8: {  	[hbm4b:s20+s2] =	stream.linear.scatter [tilespmem:s19], [sflag:$0x1], $0x80, $0x38;
	[tilespmem:$0xE840] =	vst v63  }
0xf9: {  	s22 =	sadd.s32 $0x10, s20;
	s21 =	sadd.s32 $0x190, s19  }
0xfa: {  	[hbm4b:s22+s2] =	stream.linear.scatter [tilespmem:s21], [sflag:$0x1], $0x80, $0x38;
	[tilespmem:$0xE840] =	vst v63  }
0xfb: {  	s31 =	sadd.s32 $0x20, s20;
	s30 =	sadd.s32 $0x320, s19  }
0xfc: {  	[hbm4b:s31+s2] =	stream.linear.scatter [tilespmem:s30], [sflag:$0x1], $0x80, $0x38;
	[tilespmem:$0xE840] =	vst v63  }
0xfd: {  	s23 =	sadd.s32 $0x30, s20;
	s22 =	sadd.s32 $0x4B0, s19  }
0xfe: {  	[hbm4b:s23+s2] =	stream.linear.scatter [tilespmem:s22], [sflag:$0x1], $0x80, $0x38;
	[tilespmem:$0xE840] =	vst v63  }
0xff: {  	s25 =	sadd.s32 $0x40, s20;
	s18 =	sadd.s32 $0x1, s18;
	s24 =	sadd.s32 $0x640, s19  }
0x100: {  	[hbm4b:s25+s2] =	stream.linear.scatter [tilespmem:s24], [sflag:$0x1], $0x80, $0x38;
	[tilespmem:$0xE840] =	vst v63  }
0x101: {  	s28 =	sadd.s32 $0x50, s20;
	s26 =	sadd.s32 $0x7D0, s19;
	p0 =	sne.s32 s18, $0x80  }
0x102: {  	[hbm4b:s28+s2] =	stream.linear.scatter [tilespmem:s26], [sflag:$0x1], $0x80, $0x38;
	[tilespmem:$0xE840] =	vst v63  }
.Ltmp9:
0x103: {  	_ = 	snop;
	(pc) =	sbr.rel @p0 .LBB2_18-.Ltmp9, $4  }
0x104: {  	s29 =	sadd.s32 $0x960, s19;
	s30 =	sadd.s32 $0x60, s20  }
0x105: {  	[hbm4b:s30+s2] =	stream.linear.scatter [tilespmem:s29], [sflag:$0x1], $0x80, $0x38;
	[tilespmem:$0xE840] =	vst v63  }
0x106: {  	s17 =	sadd.s32 $0x1, s17;
	s19 =	sadd.s32 $0xAF0, s19;
	s31 =	sadd.s32 $0x70, s20  }
0x107: {  	[hbm4b:s31+s2] =	stream.linear.scatter [tilespmem:s19], [sflag:$0x1], $0x80, $0x38;
	[tilespmem:$0xE840] =	vst v63  }
0x108: {  	s17 =	simm.s32 $0x0  }
0x109: {  	s24 =	smul.u32 $0xE38F, s17;
	_ =	sdelay $0x1  }
0x10a: {  	s19 =	sshrl.u32 s24, $0x13  }
0x10b: {  	s30 =	smul.u32 $0x9, s19;
	_ =	sdelay $0x1  }
0x10c: {  	s17 =	ssub.s32 $0x0, s30  }
0x10d: {  	s17 =	sshll.u32 s17, $0x4  }
0x10e: {  	s17 =	sadd.s32 $0x80, s17  }
0x10f: {  	s21 =	simm.s32 $0x1;
	s18 =	sand.u32 $0xFFF0, s17  }
0x110: {  	s20 =	smul.u32 $0xE38F, s21;
	v8 =	vadd.s32 s18, v2  }
0x111: {  	vm0 =	vgt.s32 v8, $0x0  }
0x112: {  	s22 =	sshrl.u32 s20, $0x13;
	v8 =	vnsel vm0, $0x0, v8  }
0x113: {  	s23 =	smul.u32 $0x9, s22;
	s25 =	sand.u32 $0x7, s19;
	v8 =	vmin.u32 v8, $0x80  }
0x114: {  	p0 =	por $0x1, $0x1;
	p1 =	sne.s32 s25, $0x0;
	v8 =	vshll.u32 v8, $0x6  }
0x115: {  	s31 =	ssub.s32 $0x1, s23;
	p0 =	por !p0, !p1;
	v8 =	vadd.s32 s19, v8  }
0x116: {  	s26 =	simm.s32 $0x1;
	s23 =	sshll.u32 s31, $0x4;
	p0 =	por !p0, !p0  }
0x117: {  	s24 =	sshrl.u32 s24, $0x16;
	s23 =	sadd.s32 $0x80, s23;
	s26 =	simm.s32 @!p0 $0x0  }
0x118: {  	s25 =	smul.u32 $0x640, s25;
	s23 =	sand.u32 $0xFFF0, s23;
	s26 =	ssub.s32 s24, s26  }
0x119: {  	s17 =	simm.s32 $0x2;
	v9 =	vadd.s32 s23, v2;
	s26 =	smul.u32 $0x3200, s26  }
0x11a: {  	s24 =	simm.s32 $0x3;
	vm0 =	vgt.s32 v9, $0x0;
	s19 =	smul.u32 $0xE38F, s17;
	v8 =	vld.idx.msk [tilespmem:v8+s2+$0x0], $0xffff  }
.LBB2_22:
0x11b: {  	p0 =	sne.s32 s24, $0x23F  }
0x11c: {  	s28 =	smov.u32 s18;
	s18 =	smov.u32 s23;
	s23 =	smov.u32 s21  }
0x11d: {  	v9 =	vnsel vm0, $0x0, v9;
	s21 =	smov.u32 s17;
	s17 =	smov.u32 s24;
	s29 =	sshrl.u32 s19, $0x13  }
0x11e: {  	s25 =	sshrl.u32 s25, $0x2;
	v9 =	vmin.u32 v9, $0x80;
	s26 =	sshra.s32 s26, $0x2;
	s30 =	smul.u32 $0x9, s29  }
0x11f: {  	p1 =	slt.u32 s23, $0x9;
	v9 =	vshll.u32 v9, $0x6;
	s25 =	sadd.s32 s25, s26;
	s26 =	sand.u32 $0x7, s22  }
0x120: {  	v10 =	vadd.s32 s22, v9;
	s25 =	sadd.s32 s28, s25;
	s22 =	smov.u32 s29;
	s28 =	ssub.s32 s21, s30  }
0x121: {  	p2 =	sne.s32 s26, $0x0;
	[tilespmem:s25+$0x2040] =	vst v8;
	s23 =	sshll.u32 s28, $0x4;
	s28 =	smul.u32 $0xE38F, s24  }
.Ltmp10:
0x122: {  	p1 =	por !p1, !p2;
	(pc) =	sbr.rel @p0 .LBB2_22-.Ltmp10, $4  }
0x123: {  	s25 =	simm.s32 $0x1;
	s23 =	sadd.s32 $0x80, s23;
	p1 =	por !p1, !p1  }
0x124: {  	s20 =	sshrl.u32 s20, $0x16;
	s23 =	sand.u32 $0xFFF0, s23;
	s25 =	simm.s32 @!p1 $0x0  }
0x125: {  	v9 =	vadd.s32 s23, v2;
	s29 =	ssub.s32 s20, s25;
	s25 =	smul.u32 $0x640, s26;
	s20 =	smov.u32 s19;
	v8 =	vld.idx.msk [tilespmem:v10+s2+$0x0], $0xffff  }
0x126: {  	s24 =	sadd.s32 $0x1, s24;
	s19 =	smov.u32 s28;
	vm0 =	vgt.s32 v9, $0x0;
	s26 =	smul.u32 $0x3200, s29  }
0x127: {  	s24 =	sshrl.u32 s19, $0x13  }
0x128: {  	s28 =	smul.u32 $0x9, s24;
	_ =	sdelay $0x1  }
0x129: {  	v9 =	vnsel vm0, $0x0, v9;
	s28 =	ssub.s32 s17, s28  }
0x12a: {  	v9 =	vmin.u32 v9, $0x80;
	s28 =	sshll.u32 s28, $0x4  }
0x12b: {  	s29 =	sand.u32 $0x7, s22;
	v9 =	vshll.u32 v9, $0x6;
	s28 =	sadd.s32 $0x80, s28  }
0x12c: {  	p0 =	slt.u32 s21, $0x9;
	p1 =	sne.s32 s29, $0x0;
	v9 =	vadd.s32 s22, v9;
	s21 =	sand.u32 $0xFFF0, s28  }
0x12d: {  	s25 =	sshrl.u32 s25, $0x2;
	s31 =	sshra.s32 s26, $0x2;
	p0 =	por !p0, !p1;
	v10 =	vadd.s32 s21, v2  }
0x12e: {  	s22 =	sadd.s32 s25, s31;
	p0 =	por !p0, !p0;
	s25 =	simm.s32 $0x1;
	vm15 =	vgt.s32 v10, $0x0  }
0x12f: {  	s20 =	sshrl.u32 s20, $0x16;
	s18 =	sadd.s32 s18, s22;
	s25 =	simm.s32 @!p0 $0x0;
	v10 =	vnsel vm15, $0x0, v10  }
0x130: {  	s22 =	smul.u32 $0x640, s29;
	[tilespmem:s18+$0x2040] =	vst v8;
	s20 =	ssub.s32 s20, s25;
	v8 =	vmin.u32 v10, $0x80  }
0x131: {  	s25 =	sand.u32 $0x7, s24;
	s18 =	smul.u32 $0x3200, s20;
	v9 =	vld.idx.msk [tilespmem:v9+s2+$0x0], $0xffff;
	v8 =	vshll.u32 v8, $0x6  }
0x132: {  	p5 =	slt.u32 s17, $0x9;
	p6 =	sne.s32 s25, $0x0;
	v8 =	vadd.s32 s24, v8  }
0x133: {  	s28 =	sshrl.u32 s22, $0x2;
	p0 =	por !p5, !p6;
	s26 =	sshra.s32 s18, $0x2  }
0x134: {  	p0 =	por !p0, !p0;
	s18 =	simm.s32 $0x1;
	s17 =	sadd.s32 s28, s26  }
0x135: {  	s29 =	sshrl.u32 s19, $0x16;
	s18 =	simm.s32 @!p0 $0x0;
	s17 =	sadd.s32 s23, s17  }
0x136: {  	s31 =	smul.u32 $0x640, s25;
	s30 =	ssub.s32 s29, s18;
	[tilespmem:s17+$0x2040] =	vst v9  }
0x137: {  	s17 =	smul.u32 $0x3200, s30;
	v8 =	vld.idx.msk [tilespmem:v8+s2+$0x0], $0xffff;
	_ =	sdelay $0x1  }
0x138: {  	s18 =	sshrl.u32 s31, $0x2;
	s17 =	sshra.s32 s17, $0x2  }
0x139: {  	s17 =	sadd.s32 s18, s17  }
0x13a: {  	s17 =	sadd.s32 s21, s17  }
0x13b: {  	[tilespmem:s17+$0x2040] =	vst v8  }
0x13c: {  	_ =	swait.ge [sflag:s15], $0x2000  }
0x13d: {  	s18 =	simm.s32 $0x7F;
	[sflag:s15] =	ssyncset.done $0x0  }
.LBB2_24:
0x13e: {  	p0 =	sne.s32 s18, $0x1;
	s18 =	sadd.s32 $0xFFFFFFFF, s18;
	[sflag:s15] =	ssyncadd.s32 $0xFFFFE000  }
.Ltmp11:
0x13f: {  	(pc) =	sbr.rel @p0 .LBB2_24-.Ltmp11, $3  }
0x140: {  	_ =	sdelay $0x1  }
0x141: {  	_ =	swait.ge [sflag:s15], $0x2000  }
0x142: {  	s17 =	simm.s32 $0x0;
	[sflag:s15] =	ssyncset.done $0x0  }
0x143: {  	[sflag:s15] =	ssyncadd.s32 $0xFFFFE000;
	s18 =	simm.s32 $0x0  }
.LBB2_26:
0x144: {  	s19 =	sshrl.u32 s18, $0x1  }
0x145: {  	s20 =	sand.u32 $0xF, s17;
	s21 =	sand.u32 $0x7FFFFFF8, s19  }
0x146: {  	s20 =	sshll.u32 s20, $0x7;
	s21 =	sadd.s32 s21, s5  }
0x147: {  	s20 =	ssub.s32 s20, s21  }
0x148: {  	p0 =	sgt.s32 s20, $0xFFFFFF40  }
0x149: {  	s20 =	simm.s32 @!p0 $0xFFFFFF40  }
0x14a: {  	p0 =	slt.s32 s20, $0x50  }
0x14b: {  	s20 =	simm.s32 @!p0 $0x50  }
0x14c: {  	s25 =	sshll.u32 s18, $0x7;
	s19 =	sand.u32 $0x38, s19;
	s20 =	sadd.s32 $0xC0, s20  }
0x14d: {  	s22 =	sor.u32 s5, s19;
	s21 =	sand.u32 $0x780, s25;
	s20 =	sand.u32 $0x1F8, s20  }
0x14e: {  	s26 =	sshll.u32 s22, $0xE;
	s21 =	sadd.s32 s21, s7;
	s19 =	sadd.s32 $0x2040, s20  }
0x14f: {  	s20 =	sadd.s32 s26, s21;
	s23 =	sadd.s32 $0x0, s19  }
0x150: {  	[hbm4b:s20+s2] =	stream.linear.scatter [tilespmem:s23], [sflag:$0x1], $0x80, $0x38;
	[tilespmem:$0xE840] =	vst v63  }
0x151: {  	s29 =	sadd.s32 $0x10, s20;
	s28 =	sadd.s32 $0x190, s23  }
0x152: {  	[hbm4b:s29+s2] =	stream.linear.scatter [tilespmem:s28], [sflag:$0x1], $0x80, $0x38;
	[tilespmem:$0xE840] =	vst v63  }
0x153: {  	s21 =	simm.s32 $0xC80;
	s31 =	sadd.s32 $0x20, s20;
	s30 =	sadd.s32 $0x320, s23  }
0x154: {  	[hbm4b:s31+s2] =	stream.linear.scatter [tilespmem:s30], [sflag:$0x1], $0x80, $0x38;
	[tilespmem:$0xE840] =	vst v63  }
0x155: {  	s24 =	sadd.s32 $0x30, s20;
	s26 =	sadd.s32 $0x40, s20;
	s22 =	sadd.s32 $0x4B0, s23  }
0x156: {  	[hbm4b:s24+s2] =	stream.linear.scatter [tilespmem:s22], [sflag:$0x1], $0x80, $0x38;
	[tilespmem:$0xE840] =	vst v63  }
0x157: {  	s25 =	sadd.s32 $0x640, s23;
	s28 =	sadd.s32 $0x7D0, s23;
	s29 =	sadd.s32 $0x50, s20  }
0x158: {  	[hbm4b:s26+s2] =	stream.linear.scatter [tilespmem:s25], [sflag:$0x1], $0x80, $0x38;
	[tilespmem:$0xE840] =	vst v63  }
0x159: {  	s30 =	sadd.s32 $0x960, s23;
	s31 =	sadd.s32 $0x60, s20;
	s23 =	sadd.s32 $0xAF0, s23  }
0x15a: {  	[hbm4b:s29+s2] =	stream.linear.scatter [tilespmem:s28], [sflag:$0x1], $0x80, $0x38;
	[tilespmem:$0xE840] =	vst v63  }
0x15b: {  	s22 =	simm.s32 $0x6400;
	s24 =	sadd.s32 $0x70, s20;
	s20 =	sadd.s32 $0x800, s20  }
0x15c: {  	[hbm4b:s31+s2] =	stream.linear.scatter [tilespmem:s30], [sflag:$0x1], $0x80, $0x38;
	[tilespmem:$0xE840] =	vst v63  }
.LBB2_27:
0x15d: {  	[hbm4b:s24+s2] =	stream.linear.scatter [tilespmem:s23], [sflag:$0x1], $0x80, $0x38;
	[tilespmem:$0xE840] =	vst v63  }
0x15e: {  	s23 =	smov.u32 s22  }
0x15f: {  	s25 =	sadd.s32 $0x3200, s22;
	s24 =	sadd.s32 s21, s19;
	s21 =	sshra.s32 s23, $0x2  }
0x160: {  	[hbm4b:s20+s2] =	stream.linear.scatter [tilespmem:s24], [sflag:$0x1], $0x80, $0x38;
	[tilespmem:$0xE840] =	vst v63  }
0x161: {  	p0 =	sne.s32 s22, $0x15E00;
	s22 =	sadd.s32 $0x190, s24;
	s23 =	sadd.s32 $0x10, s20  }
0x162: {  	[hbm4b:s23+s2] =	stream.linear.scatter [tilespmem:s22], [sflag:$0x1], $0x80, $0x38;
	[tilespmem:$0xE840] =	vst v63  }
0x163: {  	s22 =	sadd.s32 $0x320, s24;
	s23 =	sadd.s32 $0x20, s20  }
0x164: {  	[hbm4b:s23+s2] =	stream.linear.scatter [tilespmem:s22], [sflag:$0x1], $0x80, $0x38;
	[tilespmem:$0xE840] =	vst v63  }
0x165: {  	s22 =	sadd.s32 $0x4B0, s24;
	s23 =	sadd.s32 $0x30, s20  }
0x166: {  	[hbm4b:s23+s2] =	stream.linear.scatter [tilespmem:s22], [sflag:$0x1], $0x80, $0x38;
	[tilespmem:$0xE840] =	vst v63  }
0x167: {  	s22 =	sadd.s32 $0x640, s24;
	s23 =	sadd.s32 $0x40, s20  }
0x168: {  	[hbm4b:s23+s2] =	stream.linear.scatter [tilespmem:s22], [sflag:$0x1], $0x80, $0x38;
	[tilespmem:$0xE840] =	vst v63  }
0x169: {  	s22 =	sadd.s32 $0x7D0, s24;
	s23 =	sadd.s32 $0x50, s20  }
0x16a: {  	[hbm4b:s23+s2] =	stream.linear.scatter [tilespmem:s22], [sflag:$0x1], $0x80, $0x38;
	[tilespmem:$0xE840] =	vst v63  }
.Ltmp12:
0x16b: {  	_ = 	snop;
	(pc) =	sbr.rel @p0 .LBB2_27-.Ltmp12, $4  }
0x16c: {  	s22 =	sadd.s32 $0x960, s24;
	s23 =	sadd.s32 $0x60, s20  }
0x16d: {  	[hbm4b:s23+s2] =	stream.linear.scatter [tilespmem:s22], [sflag:$0x1], $0x80, $0x38;
	[tilespmem:$0xE840] =	vst v63  }
0x16e: {  	s23 =	sadd.s32 $0xAF0, s24  }
0x16f: {  	s24 =	sadd.s32 $0x70, s20;
	s20 =	sadd.s32 $0x800, s20;
	s22 =	smov.u32 s25  }
0x170: {  	[hbm4b:s24+s2] =	stream.linear.scatter [tilespmem:s23], [sflag:$0x1], $0x80, $0x38;
	[tilespmem:$0xE840] =	vst v63  }
0x171: {  	s19 =	sadd.s32 s21, s19  }
0x172: {  	[hbm4b:s20+s2] =	stream.linear.scatter [tilespmem:s19], [sflag:$0x1], $0x80, $0x38;
	[tilespmem:$0xE840] =	vst v63  }
0x173: {  	s22 =	sadd.s32 $0x10, s20;
	s21 =	sadd.s32 $0x190, s19  }
0x174: {  	[hbm4b:s22+s2] =	stream.linear.scatter [tilespmem:s21], [sflag:$0x1], $0x80, $0x38;
	[tilespmem:$0xE840] =	vst v63  }
0x175: {  	s31 =	sadd.s32 $0x20, s20;
	s30 =	sadd.s32 $0x320, s19  }
0x176: {  	[hbm4b:s31+s2] =	stream.linear.scatter [tilespmem:s30], [sflag:$0x1], $0x80, $0x38;
	[tilespmem:$0xE840] =	vst v63  }
0x177: {  	s23 =	sadd.s32 $0x30, s20;
	s22 =	sadd.s32 $0x4B0, s19  }
0x178: {  	[hbm4b:s23+s2] =	stream.linear.scatter [tilespmem:s22], [sflag:$0x1], $0x80, $0x38;
	[tilespmem:$0xE840] =	vst v63  }
0x179: {  	s25 =	sadd.s32 $0x40, s20;
	s18 =	sadd.s32 $0x1, s18;
	s24 =	sadd.s32 $0x640, s19  }
0x17a: {  	[hbm4b:s25+s2] =	stream.linear.scatter [tilespmem:s24], [sflag:$0x1], $0x80, $0x38;
	[tilespmem:$0xE840] =	vst v63  }
0x17b: {  	s28 =	sadd.s32 $0x50, s20;
	s26 =	sadd.s32 $0x7D0, s19;
	p0 =	sne.s32 s18, $0x80  }
0x17c: {  	[hbm4b:s28+s2] =	stream.linear.scatter [tilespmem:s26], [sflag:$0x1], $0x80, $0x38;
	[tilespmem:$0xE840] =	vst v63  }
.Ltmp13:
0x17d: {  	_ = 	snop;
	(pc) =	sbr.rel @p0 .LBB2_26-.Ltmp13, $4  }
0x17e: {  	s29 =	sadd.s32 $0x960, s19;
	s30 =	sadd.s32 $0x60, s20  }
0x17f: {  	[hbm4b:s30+s2] =	stream.linear.scatter [tilespmem:s29], [sflag:$0x1], $0x80, $0x38;
	[tilespmem:$0xE840] =	vst v63  }
0x180: {  	s17 =	sadd.s32 $0x1, s17;
	s19 =	sadd.s32 $0xAF0, s19;
	s31 =	sadd.s32 $0x70, s20  }
0x181: {  	[hbm4b:s31+s2] =	stream.linear.scatter [tilespmem:s19], [sflag:$0x1], $0x80, $0x38;
	[tilespmem:$0xE840] =	vst v63  }
0x182: {  	s17 =	simm.s32 $0x0  }
0x183: {  	s24 =	smul.u32 $0xE38F, s17;
	_ =	sdelay $0x1  }
0x184: {  	s19 =	sshrl.u32 s24, $0x13  }
0x185: {  	s30 =	smul.u32 $0x9, s19;
	_ =	sdelay $0x1  }
0x186: {  	s17 =	ssub.s32 $0x0, s30  }
0x187: {  	s17 =	sshll.u32 s17, $0x4  }
0x188: {  	s17 =	sadd.s32 $0x80, s17  }
0x189: {  	s21 =	simm.s32 $0x1;
	s18 =	sand.u32 $0xFFF0, s17  }
0x18a: {  	s20 =	smul.u32 $0xE38F, s21;
	v8 =	vadd.s32 s18, v3  }
0x18b: {  	vm0 =	vgt.s32 v8, $0x0  }
0x18c: {  	s22 =	sshrl.u32 s20, $0x13;
	v8 =	vnsel vm0, $0x0, v8  }
0x18d: {  	s23 =	smul.u32 $0x9, s22;
	s25 =	sand.u32 $0x7, s19;
	v8 =	vmin.u32 v8, $0x80  }
0x18e: {  	p0 =	por $0x1, $0x1;
	p1 =	sne.s32 s25, $0x0;
	v8 =	vshll.u32 v8, $0x6  }
0x18f: {  	s31 =	ssub.s32 $0x1, s23;
	p0 =	por !p0, !p1;
	v8 =	vadd.s32 s19, v8  }
0x190: {  	s26 =	simm.s32 $0x1;
	s23 =	sshll.u32 s31, $0x4;
	p0 =	por !p0, !p0  }
0x191: {  	s24 =	sshrl.u32 s24, $0x16;
	s23 =	sadd.s32 $0x80, s23;
	s26 =	simm.s32 @!p0 $0x0  }
0x192: {  	s25 =	smul.u32 $0x640, s25;
	s23 =	sand.u32 $0xFFF0, s23;
	s26 =	ssub.s32 s24, s26  }
0x193: {  	s17 =	simm.s32 $0x2;
	v9 =	vadd.s32 s23, v3;
	s26 =	smul.u32 $0x3200, s26  }
0x194: {  	s24 =	simm.s32 $0x3;
	vm0 =	vgt.s32 v9, $0x0;
	s19 =	smul.u32 $0xE38F, s17;
	v8 =	vld.idx.msk [tilespmem:v8+s2+$0x0], $0xffff  }
.LBB2_30:
0x195: {  	p0 =	sne.s32 s24, $0x23F  }
0x196: {  	s28 =	smov.u32 s18;
	s18 =	smov.u32 s23;
	s23 =	smov.u32 s21  }
0x197: {  	v9 =	vnsel vm0, $0x0, v9;
	s21 =	smov.u32 s17;
	s17 =	smov.u32 s24;
	s29 =	sshrl.u32 s19, $0x13  }
0x198: {  	s25 =	sshrl.u32 s25, $0x2;
	v9 =	vmin.u32 v9, $0x80;
	s26 =	sshra.s32 s26, $0x2;
	s30 =	smul.u32 $0x9, s29  }
0x199: {  	p1 =	slt.u32 s23, $0x9;
	v9 =	vshll.u32 v9, $0x6;
	s25 =	sadd.s32 s25, s26;
	s26 =	sand.u32 $0x7, s22  }
0x19a: {  	v10 =	vadd.s32 s22, v9;
	s25 =	sadd.s32 s28, s25;
	s22 =	smov.u32 s29;
	s28 =	ssub.s32 s21, s30  }
0x19b: {  	p2 =	sne.s32 s26, $0x0;
	[tilespmem:s25+$0x8440] =	vst v8;
	s23 =	sshll.u32 s28, $0x4;
	s28 =	smul.u32 $0xE38F, s24  }
.Ltmp14:
0x19c: {  	p1 =	por !p1, !p2;
	(pc) =	sbr.rel @p0 .LBB2_30-.Ltmp14, $4  }
0x19d: {  	s25 =	simm.s32 $0x1;
	s23 =	sadd.s32 $0x80, s23;
	p1 =	por !p1, !p1  }
0x19e: {  	s20 =	sshrl.u32 s20, $0x16;
	s23 =	sand.u32 $0xFFF0, s23;
	s25 =	simm.s32 @!p1 $0x0  }
0x19f: {  	v9 =	vadd.s32 s23, v3;
	s29 =	ssub.s32 s20, s25;
	s25 =	smul.u32 $0x640, s26;
	s20 =	smov.u32 s19;
	v8 =	vld.idx.msk [tilespmem:v10+s2+$0x0], $0xffff  }
0x1a0: {  	s24 =	sadd.s32 $0x1, s24;
	s19 =	smov.u32 s28;
	vm0 =	vgt.s32 v9, $0x0;
	s26 =	smul.u32 $0x3200, s29  }
0x1a1: {  	s24 =	sshrl.u32 s19, $0x13  }
0x1a2: {  	s28 =	smul.u32 $0x9, s24;
	_ =	sdelay $0x1  }
0x1a3: {  	v9 =	vnsel vm0, $0x0, v9;
	s28 =	ssub.s32 s17, s28  }
0x1a4: {  	v9 =	vmin.u32 v9, $0x80;
	s28 =	sshll.u32 s28, $0x4  }
0x1a5: {  	s29 =	sand.u32 $0x7, s22;
	v9 =	vshll.u32 v9, $0x6;
	s28 =	sadd.s32 $0x80, s28  }
0x1a6: {  	p0 =	slt.u32 s21, $0x9;
	p1 =	sne.s32 s29, $0x0;
	v9 =	vadd.s32 s22, v9;
	s21 =	sand.u32 $0xFFF0, s28  }
0x1a7: {  	s25 =	sshrl.u32 s25, $0x2;
	s31 =	sshra.s32 s26, $0x2;
	p0 =	por !p0, !p1;
	v10 =	vadd.s32 s21, v3  }
0x1a8: {  	s22 =	sadd.s32 s25, s31;
	p0 =	por !p0, !p0;
	s25 =	simm.s32 $0x1;
	vm15 =	vgt.s32 v10, $0x0  }
0x1a9: {  	s20 =	sshrl.u32 s20, $0x16;
	s18 =	sadd.s32 s18, s22;
	s25 =	simm.s32 @!p0 $0x0;
	v10 =	vnsel vm15, $0x0, v10  }
0x1aa: {  	s22 =	smul.u32 $0x640, s29;
	[tilespmem:s18+$0x8440] =	vst v8;
	s20 =	ssub.s32 s20, s25;
	v8 =	vmin.u32 v10, $0x80  }
0x1ab: {  	s25 =	sand.u32 $0x7, s24;
	s18 =	smul.u32 $0x3200, s20;
	v9 =	vld.idx.msk [tilespmem:v9+s2+$0x0], $0xffff;
	v8 =	vshll.u32 v8, $0x6  }
0x1ac: {  	p5 =	slt.u32 s17, $0x9;
	p6 =	sne.s32 s25, $0x0;
	v8 =	vadd.s32 s24, v8  }
0x1ad: {  	s28 =	sshrl.u32 s22, $0x2;
	p0 =	por !p5, !p6;
	s26 =	sshra.s32 s18, $0x2  }
0x1ae: {  	p0 =	por !p0, !p0;
	s18 =	simm.s32 $0x1;
	s17 =	sadd.s32 s28, s26  }
0x1af: {  	s29 =	sshrl.u32 s19, $0x16;
	s18 =	simm.s32 @!p0 $0x0;
	s17 =	sadd.s32 s23, s17  }
0x1b0: {  	s31 =	smul.u32 $0x640, s25;
	s30 =	ssub.s32 s29, s18;
	[tilespmem:s17+$0x8440] =	vst v9  }
0x1b1: {  	s17 =	smul.u32 $0x3200, s30;
	v8 =	vld.idx.msk [tilespmem:v8+s2+$0x0], $0xffff;
	_ =	sdelay $0x1  }
0x1b2: {  	s18 =	sshrl.u32 s31, $0x2;
	s17 =	sshra.s32 s17, $0x2  }
0x1b3: {  	s17 =	sadd.s32 s18, s17  }
0x1b4: {  	s17 =	sadd.s32 s21, s17  }
0x1b5: {  	[tilespmem:s17+$0x8440] =	vst v8  }
0x1b6: {  	_ =	swait.ge [sflag:s15], $0x2000  }
0x1b7: {  	s18 =	simm.s32 $0x7F;
	[sflag:s15] =	ssyncset.done $0x0  }
.LBB2_32:
0x1b8: {  	p0 =	sne.s32 s18, $0x1;
	s18 =	sadd.s32 $0xFFFFFFFF, s18;
	[sflag:s15] =	ssyncadd.s32 $0xFFFFE000  }
.Ltmp15:
0x1b9: {  	(pc) =	sbr.rel @p0 .LBB2_32-.Ltmp15, $3  }
0x1ba: {  	_ =	sdelay $0x1  }
0x1bb: {  	_ =	swait.ge [sflag:s15], $0x2000  }
0x1bc: {  	s17 =	simm.s32 $0x0;
	[sflag:s15] =	ssyncset.done $0x0  }
0x1bd: {  	[sflag:s15] =	ssyncadd.s32 $0xFFFFE000;
	s18 =	simm.s32 $0x0  }
.LBB2_34:
0x1be: {  	s19 =	sshrl.u32 s18, $0x1  }
0x1bf: {  	s20 =	sand.u32 $0xF, s17;
	s21 =	sand.u32 $0x7FFFFFF8, s19  }
0x1c0: {  	s20 =	sshll.u32 s20, $0x7;
	s21 =	sadd.s32 s21, s5  }
0x1c1: {  	s20 =	ssub.s32 s20, s21  }
0x1c2: {  	p0 =	sgt.s32 s20, $0xFFFFFF40  }
0x1c3: {  	s20 =	simm.s32 @!p0 $0xFFFFFF40  }
0x1c4: {  	p0 =	slt.s32 s20, $0x50  }
0x1c5: {  	s20 =	simm.s32 @!p0 $0x50  }
0x1c6: {  	s25 =	sshll.u32 s18, $0x7;
	s19 =	sand.u32 $0x38, s19;
	s20 =	sadd.s32 $0xC0, s20  }
0x1c7: {  	s22 =	sor.u32 s5, s19;
	s21 =	sand.u32 $0x780, s25;
	s20 =	sand.u32 $0x1F8, s20  }
0x1c8: {  	s26 =	sshll.u32 s22, $0xE;
	s21 =	sadd.s32 s21, s8;
	s19 =	sadd.s32 $0x8440, s20  }
0x1c9: {  	s20 =	sadd.s32 s26, s21;
	s23 =	sadd.s32 $0x0, s19  }
0x1ca: {  	[hbm4b:s20+s2] =	stream.linear.scatter [tilespmem:s23], [sflag:$0x1], $0x80, $0x38;
	[tilespmem:$0xE840] =	vst v63  }
0x1cb: {  	s29 =	sadd.s32 $0x10, s20;
	s28 =	sadd.s32 $0x190, s23  }
0x1cc: {  	[hbm4b:s29+s2] =	stream.linear.scatter [tilespmem:s28], [sflag:$0x1], $0x80, $0x38;
	[tilespmem:$0xE840] =	vst v63  }
0x1cd: {  	s21 =	simm.s32 $0xC80;
	s31 =	sadd.s32 $0x20, s20;
	s30 =	sadd.s32 $0x320, s23  }
0x1ce: {  	[hbm4b:s31+s2] =	stream.linear.scatter [tilespmem:s30], [sflag:$0x1], $0x80, $0x38;
	[tilespmem:$0xE840] =	vst v63  }
0x1cf: {  	s24 =	sadd.s32 $0x30, s20;
	s26 =	sadd.s32 $0x40, s20;
	s22 =	sadd.s32 $0x4B0, s23  }
0x1d0: {  	[hbm4b:s24+s2] =	stream.linear.scatter [tilespmem:s22], [sflag:$0x1], $0x80, $0x38;
	[tilespmem:$0xE840] =	vst v63  }
0x1d1: {  	s25 =	sadd.s32 $0x640, s23;
	s28 =	sadd.s32 $0x7D0, s23;
	s29 =	sadd.s32 $0x50, s20  }
0x1d2: {  	[hbm4b:s26+s2] =	stream.linear.scatter [tilespmem:s25], [sflag:$0x1], $0x80, $0x38;
	[tilespmem:$0xE840] =	vst v63  }
0x1d3: {  	s30 =	sadd.s32 $0x960, s23;
	s31 =	sadd.s32 $0x60, s20;
	s23 =	sadd.s32 $0xAF0, s23  }
0x1d4: {  	[hbm4b:s29+s2] =	stream.linear.scatter [tilespmem:s28], [sflag:$0x1], $0x80, $0x38;
	[tilespmem:$0xE840] =	vst v63  }
0x1d5: {  	s22 =	simm.s32 $0x6400;
	s24 =	sadd.s32 $0x70, s20;
	s20 =	sadd.s32 $0x800, s20  }
0x1d6: {  	[hbm4b:s31+s2] =	stream.linear.scatter [tilespmem:s30], [sflag:$0x1], $0x80, $0x38;
	[tilespmem:$0xE840] =	vst v63  }
.LBB2_35:
0x1d7: {  	[hbm4b:s24+s2] =	stream.linear.scatter [tilespmem:s23], [sflag:$0x1], $0x80, $0x38;
	[tilespmem:$0xE840] =	vst v63  }
0x1d8: {  	s23 =	smov.u32 s22  }
0x1d9: {  	s25 =	sadd.s32 $0x3200, s22;
	s24 =	sadd.s32 s21, s19;
	s21 =	sshra.s32 s23, $0x2  }
0x1da: {  	[hbm4b:s20+s2] =	stream.linear.scatter [tilespmem:s24], [sflag:$0x1], $0x80, $0x38;
	[tilespmem:$0xE840] =	vst v63  }
0x1db: {  	p0 =	sne.s32 s22, $0x15E00;
	s22 =	sadd.s32 $0x190, s24;
	s23 =	sadd.s32 $0x10, s20  }
0x1dc: {  	[hbm4b:s23+s2] =	stream.linear.scatter [tilespmem:s22], [sflag:$0x1], $0x80, $0x38;
	[tilespmem:$0xE840] =	vst v63  }
0x1dd: {  	s22 =	sadd.s32 $0x320, s24;
	s23 =	sadd.s32 $0x20, s20  }
0x1de: {  	[hbm4b:s23+s2] =	stream.linear.scatter [tilespmem:s22], [sflag:$0x1], $0x80, $0x38;
	[tilespmem:$0xE840] =	vst v63  }
0x1df: {  	s22 =	sadd.s32 $0x4B0, s24;
	s23 =	sadd.s32 $0x30, s20  }
0x1e0: {  	[hbm4b:s23+s2] =	stream.linear.scatter [tilespmem:s22], [sflag:$0x1], $0x80, $0x38;
	[tilespmem:$0xE840] =	vst v63  }
0x1e1: {  	s22 =	sadd.s32 $0x640, s24;
	s23 =	sadd.s32 $0x40, s20  }
0x1e2: {  	[hbm4b:s23+s2] =	stream.linear.scatter [tilespmem:s22], [sflag:$0x1], $0x80, $0x38;
	[tilespmem:$0xE840] =	vst v63  }
0x1e3: {  	s22 =	sadd.s32 $0x7D0, s24;
	s23 =	sadd.s32 $0x50, s20  }
0x1e4: {  	[hbm4b:s23+s2] =	stream.linear.scatter [tilespmem:s22], [sflag:$0x1], $0x80, $0x38;
	[tilespmem:$0xE840] =	vst v63  }
.Ltmp16:
0x1e5: {  	_ = 	snop;
	(pc) =	sbr.rel @p0 .LBB2_35-.Ltmp16, $4  }
0x1e6: {  	s22 =	sadd.s32 $0x960, s24;
	s23 =	sadd.s32 $0x60, s20  }
0x1e7: {  	[hbm4b:s23+s2] =	stream.linear.scatter [tilespmem:s22], [sflag:$0x1], $0x80, $0x38;
	[tilespmem:$0xE840] =	vst v63  }
0x1e8: {  	s23 =	sadd.s32 $0xAF0, s24  }
0x1e9: {  	s24 =	sadd.s32 $0x70, s20;
	s20 =	sadd.s32 $0x800, s20;
	s22 =	smov.u32 s25  }
0x1ea: {  	[hbm4b:s24+s2] =	stream.linear.scatter [tilespmem:s23], [sflag:$0x1], $0x80, $0x38;
	[tilespmem:$0xE840] =	vst v63  }
0x1eb: {  	s19 =	sadd.s32 s21, s19  }
0x1ec: {  	[hbm4b:s20+s2] =	stream.linear.scatter [tilespmem:s19], [sflag:$0x1], $0x80, $0x38;
	[tilespmem:$0xE840] =	vst v63  }
0x1ed: {  	s22 =	sadd.s32 $0x10, s20;
	s21 =	sadd.s32 $0x190, s19  }
0x1ee: {  	[hbm4b:s22+s2] =	stream.linear.scatter [tilespmem:s21], [sflag:$0x1], $0x80, $0x38;
	[tilespmem:$0xE840] =	vst v63  }
0x1ef: {  	s31 =	sadd.s32 $0x20, s20;
	s30 =	sadd.s32 $0x320, s19  }
0x1f0: {  	[hbm4b:s31+s2] =	stream.linear.scatter [tilespmem:s30], [sflag:$0x1], $0x80, $0x38;
	[tilespmem:$0xE840] =	vst v63  }
0x1f1: {  	s23 =	sadd.s32 $0x30, s20;
	s22 =	sadd.s32 $0x4B0, s19  }
0x1f2: {  	[hbm4b:s23+s2] =	stream.linear.scatter [tilespmem:s22], [sflag:$0x1], $0x80, $0x38;
	[tilespmem:$0xE840] =	vst v63  }
0x1f3: {  	s25 =	sadd.s32 $0x40, s20;
	s18 =	sadd.s32 $0x1, s18;
	s24 =	sadd.s32 $0x640, s19  }
0x1f4: {  	[hbm4b:s25+s2] =	stream.linear.scatter [tilespmem:s24], [sflag:$0x1], $0x80, $0x38;
	[tilespmem:$0xE840] =	vst v63  }
0x1f5: {  	s28 =	sadd.s32 $0x50, s20;
	s26 =	sadd.s32 $0x7D0, s19;
	p0 =	sne.s32 s18, $0x80  }
0x1f6: {  	[hbm4b:s28+s2] =	stream.linear.scatter [tilespmem:s26], [sflag:$0x1], $0x80, $0x38;
	[tilespmem:$0xE840] =	vst v63  }
.Ltmp17:
0x1f7: {  	_ = 	snop;
	(pc) =	sbr.rel @p0 .LBB2_34-.Ltmp17, $4  }
0x1f8: {  	s29 =	sadd.s32 $0x960, s19;
	s30 =	sadd.s32 $0x60, s20  }
0x1f9: {  	[hbm4b:s30+s2] =	stream.linear.scatter [tilespmem:s29], [sflag:$0x1], $0x80, $0x38;
	[tilespmem:$0xE840] =	vst v63  }
0x1fa: {  	s17 =	sadd.s32 $0x1, s17;
	s19 =	sadd.s32 $0xAF0, s19;
	s31 =	sadd.s32 $0x70, s20  }
0x1fb: {  	[hbm4b:s31+s2] =	stream.linear.scatter [tilespmem:s19], [sflag:$0x1], $0x80, $0x38;
	[tilespmem:$0xE840] =	vst v63  }
0x1fc: {  	s17 =	simm.s32 $0x0  }
0x1fd: {  	s24 =	smul.u32 $0xE38F, s17;
	_ =	sdelay $0x1  }
0x1fe: {  	s19 =	sshrl.u32 s24, $0x13  }
0x1ff: {  	s30 =	smul.u32 $0x9, s19;
	_ =	sdelay $0x1  }
0x200: {  	s17 =	ssub.s32 $0x0, s30  }
0x201: {  	s17 =	sshll.u32 s17, $0x4  }
0x202: {  	s17 =	sadd.s32 $0x80, s17  }
0x203: {  	s21 =	simm.s32 $0x1;
	s18 =	sand.u32 $0xFFF0, s17  }
0x204: {  	s20 =	smul.u32 $0xE38F, s21;
	v8 =	vadd.s32 s18, v4  }
0x205: {  	vm0 =	vgt.s32 v8, $0x0  }
0x206: {  	s22 =	sshrl.u32 s20, $0x13;
	v8 =	vnsel vm0, $0x0, v8  }
0x207: {  	s23 =	smul.u32 $0x9, s22;
	s25 =	sand.u32 $0x7, s19;
	v8 =	vmin.u32 v8, $0x80  }
0x208: {  	p0 =	por $0x1, $0x1;
	p1 =	sne.s32 s25, $0x0;
	v8 =	vshll.u32 v8, $0x6  }
0x209: {  	s31 =	ssub.s32 $0x1, s23;
	p0 =	por !p0, !p1;
	v8 =	vadd.s32 s19, v8  }
0x20a: {  	s26 =	simm.s32 $0x1;
	s23 =	sshll.u32 s31, $0x4;
	p0 =	por !p0, !p0  }
0x20b: {  	s24 =	sshrl.u32 s24, $0x16;
	s23 =	sadd.s32 $0x80, s23;
	s26 =	simm.s32 @!p0 $0x0  }
0x20c: {  	s25 =	smul.u32 $0x640, s25;
	s23 =	sand.u32 $0xFFF0, s23;
	s26 =	ssub.s32 s24, s26  }
0x20d: {  	s17 =	simm.s32 $0x2;
	v9 =	vadd.s32 s23, v4;
	s26 =	smul.u32 $0x3200, s26  }
0x20e: {  	s24 =	simm.s32 $0x3;
	vm0 =	vgt.s32 v9, $0x0;
	s19 =	smul.u32 $0xE38F, s17;
	v8 =	vld.idx.msk [tilespmem:v8+s2+$0x0], $0xffff  }
.LBB2_38:
0x20f: {  	p0 =	sne.s32 s24, $0x23F  }
0x210: {  	s28 =	smov.u32 s18;
	s18 =	smov.u32 s23;
	s23 =	smov.u32 s21  }
0x211: {  	v9 =	vnsel vm0, $0x0, v9;
	s21 =	smov.u32 s17;
	s17 =	smov.u32 s24;
	s29 =	sshrl.u32 s19, $0x13  }
0x212: {  	s25 =	sshrl.u32 s25, $0x2;
	v9 =	vmin.u32 v9, $0x80;
	s26 =	sshra.s32 s26, $0x2;
	s30 =	smul.u32 $0x9, s29  }
0x213: {  	p1 =	slt.u32 s23, $0x9;
	v9 =	vshll.u32 v9, $0x6;
	s25 =	sadd.s32 s25, s26;
	s26 =	sand.u32 $0x7, s22  }
0x214: {  	v10 =	vadd.s32 s22, v9;
	s25 =	sadd.s32 s28, s25;
	s22 =	smov.u32 s29;
	s28 =	ssub.s32 s21, s30  }
0x215: {  	p2 =	sne.s32 s26, $0x0;
	[tilespmem:s25+$0x2040] =	vst v8;
	s23 =	sshll.u32 s28, $0x4;
	s28 =	smul.u32 $0xE38F, s24  }
.Ltmp18:
0x216: {  	p1 =	por !p1, !p2;
	(pc) =	sbr.rel @p0 .LBB2_38-.Ltmp18, $4  }
0x217: {  	s25 =	simm.s32 $0x1;
	s23 =	sadd.s32 $0x80, s23;
	p1 =	por !p1, !p1  }
0x218: {  	s20 =	sshrl.u32 s20, $0x16;
	s23 =	sand.u32 $0xFFF0, s23;
	s25 =	simm.s32 @!p1 $0x0  }
0x219: {  	v9 =	vadd.s32 s23, v4;
	s29 =	ssub.s32 s20, s25;
	s25 =	smul.u32 $0x640, s26;
	s20 =	smov.u32 s19;
	v8 =	vld.idx.msk [tilespmem:v10+s2+$0x0], $0xffff  }
0x21a: {  	s24 =	sadd.s32 $0x1, s24;
	s19 =	smov.u32 s28;
	vm0 =	vgt.s32 v9, $0x0;
	s26 =	smul.u32 $0x3200, s29  }
0x21b: {  	s24 =	sshrl.u32 s19, $0x13  }
0x21c: {  	s28 =	smul.u32 $0x9, s24;
	_ =	sdelay $0x1  }
0x21d: {  	v9 =	vnsel vm0, $0x0, v9;
	s28 =	ssub.s32 s17, s28  }
0x21e: {  	v9 =	vmin.u32 v9, $0x80;
	s28 =	sshll.u32 s28, $0x4  }
0x21f: {  	s29 =	sand.u32 $0x7, s22;
	v9 =	vshll.u32 v9, $0x6;
	s28 =	sadd.s32 $0x80, s28  }
0x220: {  	p0 =	slt.u32 s21, $0x9;
	p1 =	sne.s32 s29, $0x0;
	v9 =	vadd.s32 s22, v9;
	s21 =	sand.u32 $0xFFF0, s28  }
0x221: {  	s25 =	sshrl.u32 s25, $0x2;
	s31 =	sshra.s32 s26, $0x2;
	p0 =	por !p0, !p1;
	v10 =	vadd.s32 s21, v4  }
0x222: {  	s22 =	sadd.s32 s25, s31;
	p0 =	por !p0, !p0;
	s25 =	simm.s32 $0x1;
	vm15 =	vgt.s32 v10, $0x0  }
0x223: {  	s20 =	sshrl.u32 s20, $0x16;
	s18 =	sadd.s32 s18, s22;
	s25 =	simm.s32 @!p0 $0x0;
	v10 =	vnsel vm15, $0x0, v10  }
0x224: {  	s22 =	smul.u32 $0x640, s29;
	[tilespmem:s18+$0x2040] =	vst v8;
	s20 =	ssub.s32 s20, s25;
	v8 =	vmin.u32 v10, $0x80  }
0x225: {  	s25 =	sand.u32 $0x7, s24;
	s18 =	smul.u32 $0x3200, s20;
	v9 =	vld.idx.msk [tilespmem:v9+s2+$0x0], $0xffff;
	v8 =	vshll.u32 v8, $0x6  }
0x226: {  	p5 =	slt.u32 s17, $0x9;
	p6 =	sne.s32 s25, $0x0;
	v8 =	vadd.s32 s24, v8  }
0x227: {  	s28 =	sshrl.u32 s22, $0x2;
	p0 =	por !p5, !p6;
	s26 =	sshra.s32 s18, $0x2  }
0x228: {  	p0 =	por !p0, !p0;
	s18 =	simm.s32 $0x1;
	s17 =	sadd.s32 s28, s26  }
0x229: {  	s29 =	sshrl.u32 s19, $0x16;
	s18 =	simm.s32 @!p0 $0x0;
	s17 =	sadd.s32 s23, s17  }
0x22a: {  	s31 =	smul.u32 $0x640, s25;
	s30 =	ssub.s32 s29, s18;
	[tilespmem:s17+$0x2040] =	vst v9  }
0x22b: {  	s17 =	smul.u32 $0x3200, s30;
	v8 =	vld.idx.msk [tilespmem:v8+s2+$0x0], $0xffff;
	_ =	sdelay $0x1  }
0x22c: {  	s18 =	sshrl.u32 s31, $0x2;
	s17 =	sshra.s32 s17, $0x2  }
0x22d: {  	s17 =	sadd.s32 s18, s17  }
0x22e: {  	s17 =	sadd.s32 s21, s17  }
0x22f: {  	[tilespmem:s17+$0x2040] =	vst v8  }
0x230: {  	_ =	swait.ge [sflag:s15], $0x2000  }
0x231: {  	s18 =	simm.s32 $0x7F;
	[sflag:s15] =	ssyncset.done $0x0  }
.LBB2_40:
0x232: {  	p0 =	sne.s32 s18, $0x1;
	s18 =	sadd.s32 $0xFFFFFFFF, s18;
	[sflag:s15] =	ssyncadd.s32 $0xFFFFE000  }
.Ltmp19:
0x233: {  	(pc) =	sbr.rel @p0 .LBB2_40-.Ltmp19, $3  }
0x234: {  	_ =	sdelay $0x1  }
0x235: {  	_ =	swait.ge [sflag:s15], $0x2000  }
0x236: {  	s17 =	simm.s32 $0x0;
	[sflag:s15] =	ssyncset.done $0x0  }
0x237: {  	[sflag:s15] =	ssyncadd.s32 $0xFFFFE000;
	s18 =	simm.s32 $0x0  }
.LBB2_42:
0x238: {  	s19 =	sshrl.u32 s18, $0x1  }
0x239: {  	s20 =	sand.u32 $0xF, s17;
	s21 =	sand.u32 $0x7FFFFFF8, s19  }
0x23a: {  	s20 =	sshll.u32 s20, $0x7;
	s21 =	sadd.s32 s21, s5  }
0x23b: {  	s20 =	ssub.s32 s20, s21  }
0x23c: {  	p0 =	sgt.s32 s20, $0xFFFFFF40  }
0x23d: {  	s20 =	simm.s32 @!p0 $0xFFFFFF40  }
0x23e: {  	p0 =	slt.s32 s20, $0x50  }
0x23f: {  	s20 =	simm.s32 @!p0 $0x50  }
0x240: {  	s25 =	sshll.u32 s18, $0x7;
	s19 =	sand.u32 $0x38, s19;
	s20 =	sadd.s32 $0xC0, s20  }
0x241: {  	s22 =	sor.u32 s5, s19;
	s21 =	sand.u32 $0x780, s25;
	s20 =	sand.u32 $0x1F8, s20  }
0x242: {  	s26 =	sshll.u32 s22, $0xE;
	s21 =	sadd.s32 s21, s9;
	s19 =	sadd.s32 $0x2040, s20  }
0x243: {  	s20 =	sadd.s32 s26, s21;
	s23 =	sadd.s32 $0x0, s19  }
0x244: {  	[hbm4b:s20+s2] =	stream.linear.scatter [tilespmem:s23], [sflag:$0x1], $0x80, $0x38;
	[tilespmem:$0xE840] =	vst v63  }
0x245: {  	s29 =	sadd.s32 $0x10, s20;
	s28 =	sadd.s32 $0x190, s23  }
0x246: {  	[hbm4b:s29+s2] =	stream.linear.scatter [tilespmem:s28], [sflag:$0x1], $0x80, $0x38;
	[tilespmem:$0xE840] =	vst v63  }
0x247: {  	s21 =	simm.s32 $0xC80;
	s31 =	sadd.s32 $0x20, s20;
	s30 =	sadd.s32 $0x320, s23  }
0x248: {  	[hbm4b:s31+s2] =	stream.linear.scatter [tilespmem:s30], [sflag:$0x1], $0x80, $0x38;
	[tilespmem:$0xE840] =	vst v63  }
0x249: {  	s24 =	sadd.s32 $0x30, s20;
	s26 =	sadd.s32 $0x40, s20;
	s22 =	sadd.s32 $0x4B0, s23  }
0x24a: {  	[hbm4b:s24+s2] =	stream.linear.scatter [tilespmem:s22], [sflag:$0x1], $0x80, $0x38;
	[tilespmem:$0xE840] =	vst v63  }
0x24b: {  	s25 =	sadd.s32 $0x640, s23;
	s28 =	sadd.s32 $0x7D0, s23;
	s29 =	sadd.s32 $0x50, s20  }
0x24c: {  	[hbm4b:s26+s2] =	stream.linear.scatter [tilespmem:s25], [sflag:$0x1], $0x80, $0x38;
	[tilespmem:$0xE840] =	vst v63  }
0x24d: {  	s30 =	sadd.s32 $0x960, s23;
	s31 =	sadd.s32 $0x60, s20;
	s23 =	sadd.s32 $0xAF0, s23  }
0x24e: {  	[hbm4b:s29+s2] =	stream.linear.scatter [tilespmem:s28], [sflag:$0x1], $0x80, $0x38;
	[tilespmem:$0xE840] =	vst v63  }
0x24f: {  	s22 =	simm.s32 $0x6400;
	s24 =	sadd.s32 $0x70, s20;
	s20 =	sadd.s32 $0x800, s20  }
0x250: {  	[hbm4b:s31+s2] =	stream.linear.scatter [tilespmem:s30], [sflag:$0x1], $0x80, $0x38;
	[tilespmem:$0xE840] =	vst v63  }
.LBB2_43:
0x251: {  	[hbm4b:s24+s2] =	stream.linear.scatter [tilespmem:s23], [sflag:$0x1], $0x80, $0x38;
	[tilespmem:$0xE840] =	vst v63  }
0x252: {  	s23 =	smov.u32 s22  }
0x253: {  	s25 =	sadd.s32 $0x3200, s22;
	s24 =	sadd.s32 s21, s19;
	s21 =	sshra.s32 s23, $0x2  }
0x254: {  	[hbm4b:s20+s2] =	stream.linear.scatter [tilespmem:s24], [sflag:$0x1], $0x80, $0x38;
	[tilespmem:$0xE840] =	vst v63  }
0x255: {  	p0 =	sne.s32 s22, $0x15E00;
	s22 =	sadd.s32 $0x190, s24;
	s23 =	sadd.s32 $0x10, s20  }
0x256: {  	[hbm4b:s23+s2] =	stream.linear.scatter [tilespmem:s22], [sflag:$0x1], $0x80, $0x38;
	[tilespmem:$0xE840] =	vst v63  }
0x257: {  	s22 =	sadd.s32 $0x320, s24;
	s23 =	sadd.s32 $0x20, s20  }
0x258: {  	[hbm4b:s23+s2] =	stream.linear.scatter [tilespmem:s22], [sflag:$0x1], $0x80, $0x38;
	[tilespmem:$0xE840] =	vst v63  }
0x259: {  	s22 =	sadd.s32 $0x4B0, s24;
	s23 =	sadd.s32 $0x30, s20  }
0x25a: {  	[hbm4b:s23+s2] =	stream.linear.scatter [tilespmem:s22], [sflag:$0x1], $0x80, $0x38;
	[tilespmem:$0xE840] =	vst v63  }
0x25b: {  	s22 =	sadd.s32 $0x640, s24;
	s23 =	sadd.s32 $0x40, s20  }
0x25c: {  	[hbm4b:s23+s2] =	stream.linear.scatter [tilespmem:s22], [sflag:$0x1], $0x80, $0x38;
	[tilespmem:$0xE840] =	vst v63  }
0x25d: {  	s22 =	sadd.s32 $0x7D0, s24;
	s23 =	sadd.s32 $0x50, s20  }
0x25e: {  	[hbm4b:s23+s2] =	stream.linear.scatter [tilespmem:s22], [sflag:$0x1], $0x80, $0x38;
	[tilespmem:$0xE840] =	vst v63  }
.Ltmp20:
0x25f: {  	_ = 	snop;
	(pc) =	sbr.rel @p0 .LBB2_43-.Ltmp20, $4  }
0x260: {  	s22 =	sadd.s32 $0x960, s24;
	s23 =	sadd.s32 $0x60, s20  }
0x261: {  	[hbm4b:s23+s2] =	stream.linear.scatter [tilespmem:s22], [sflag:$0x1], $0x80, $0x38;
	[tilespmem:$0xE840] =	vst v63  }
0x262: {  	s23 =	sadd.s32 $0xAF0, s24  }
0x263: {  	s24 =	sadd.s32 $0x70, s20;
	s20 =	sadd.s32 $0x800, s20;
	s22 =	smov.u32 s25  }
0x264: {  	[hbm4b:s24+s2] =	stream.linear.scatter [tilespmem:s23], [sflag:$0x1], $0x80, $0x38;
	[tilespmem:$0xE840] =	vst v63  }
0x265: {  	s19 =	sadd.s32 s21, s19  }
0x266: {  	[hbm4b:s20+s2] =	stream.linear.scatter [tilespmem:s19], [sflag:$0x1], $0x80, $0x38;
	[tilespmem:$0xE840] =	vst v63  }
0x267: {  	s22 =	sadd.s32 $0x10, s20;
	s21 =	sadd.s32 $0x190, s19  }
0x268: {  	[hbm4b:s22+s2] =	stream.linear.scatter [tilespmem:s21], [sflag:$0x1], $0x80, $0x38;
	[tilespmem:$0xE840] =	vst v63  }
0x269: {  	s31 =	sadd.s32 $0x20, s20;
	s30 =	sadd.s32 $0x320, s19  }
0x26a: {  	[hbm4b:s31+s2] =	stream.linear.scatter [tilespmem:s30], [sflag:$0x1], $0x80, $0x38;
	[tilespmem:$0xE840] =	vst v63  }
0x26b: {  	s23 =	sadd.s32 $0x30, s20;
	s22 =	sadd.s32 $0x4B0, s19  }
0x26c: {  	[hbm4b:s23+s2] =	stream.linear.scatter [tilespmem:s22], [sflag:$0x1], $0x80, $0x38;
	[tilespmem:$0xE840] =	vst v63  }
0x26d: {  	s25 =	sadd.s32 $0x40, s20;
	s18 =	sadd.s32 $0x1, s18;
	s24 =	sadd.s32 $0x640, s19  }
0x26e: {  	[hbm4b:s25+s2] =	stream.linear.scatter [tilespmem:s24], [sflag:$0x1], $0x80, $0x38;
	[tilespmem:$0xE840] =	vst v63  }
0x26f: {  	s28 =	sadd.s32 $0x50, s20;
	s26 =	sadd.s32 $0x7D0, s19;
	p0 =	sne.s32 s18, $0x80  }
0x270: {  	[hbm4b:s28+s2] =	stream.linear.scatter [tilespmem:s26], [sflag:$0x1], $0x80, $0x38;
	[tilespmem:$0xE840] =	vst v63  }
.Ltmp21:
0x271: {  	_ = 	snop;
	(pc) =	sbr.rel @p0 .LBB2_42-.Ltmp21, $4  }
0x272: {  	s29 =	sadd.s32 $0x960, s19;
	s30 =	sadd.s32 $0x60, s20  }
0x273: {  	[hbm4b:s30+s2] =	stream.linear.scatter [tilespmem:s29], [sflag:$0x1], $0x80, $0x38;
	[tilespmem:$0xE840] =	vst v63  }
0x274: {  	s17 =	sadd.s32 $0x1, s17;
	s19 =	sadd.s32 $0xAF0, s19;
	s31 =	sadd.s32 $0x70, s20  }
0x275: {  	[hbm4b:s31+s2] =	stream.linear.scatter [tilespmem:s19], [sflag:$0x1], $0x80, $0x38;
	[tilespmem:$0xE840] =	vst v63  }
0x276: {  	s17 =	simm.s32 $0x0  }
0x277: {  	s24 =	smul.u32 $0xE38F, s17;
	_ =	sdelay $0x1  }
0x278: {  	s19 =	sshrl.u32 s24, $0x13  }
0x279: {  	s30 =	smul.u32 $0x9, s19;
	_ =	sdelay $0x1  }
0x27a: {  	s17 =	ssub.s32 $0x0, s30  }
0x27b: {  	s17 =	sshll.u32 s17, $0x4  }
0x27c: {  	s17 =	sadd.s32 $0x80, s17  }
0x27d: {  	s21 =	simm.s32 $0x1;
	s18 =	sand.u32 $0xFFF0, s17  }
0x27e: {  	s20 =	smul.u32 $0xE38F, s21;
	v8 =	vadd.s32 s18, v5  }
0x27f: {  	vm0 =	vgt.s32 v8, $0x0  }
0x280: {  	s22 =	sshrl.u32 s20, $0x13;
	v8 =	vnsel vm0, $0x0, v8  }
0x281: {  	s23 =	smul.u32 $0x9, s22;
	s25 =	sand.u32 $0x7, s19;
	v8 =	vmin.u32 v8, $0x80  }
0x282: {  	p0 =	por $0x1, $0x1;
	p1 =	sne.s32 s25, $0x0;
	v8 =	vshll.u32 v8, $0x6  }
0x283: {  	s31 =	ssub.s32 $0x1, s23;
	p0 =	por !p0, !p1;
	v8 =	vadd.s32 s19, v8  }
0x284: {  	s26 =	simm.s32 $0x1;
	s23 =	sshll.u32 s31, $0x4;
	p0 =	por !p0, !p0  }
0x285: {  	s24 =	sshrl.u32 s24, $0x16;
	s23 =	sadd.s32 $0x80, s23;
	s26 =	simm.s32 @!p0 $0x0  }
0x286: {  	s25 =	smul.u32 $0x640, s25;
	s23 =	sand.u32 $0xFFF0, s23;
	s26 =	ssub.s32 s24, s26  }
0x287: {  	s17 =	simm.s32 $0x2;
	v9 =	vadd.s32 s23, v5;
	s26 =	smul.u32 $0x3200, s26  }
0x288: {  	s24 =	simm.s32 $0x3;
	vm0 =	vgt.s32 v9, $0x0;
	s19 =	smul.u32 $0xE38F, s17;
	v8 =	vld.idx.msk [tilespmem:v8+s2+$0x0], $0xffff  }
.LBB2_46:
0x289: {  	p0 =	sne.s32 s24, $0x23F  }
0x28a: {  	s28 =	smov.u32 s18;
	s18 =	smov.u32 s23;
	s23 =	smov.u32 s21  }
0x28b: {  	v9 =	vnsel vm0, $0x0, v9;
	s21 =	smov.u32 s17;
	s17 =	smov.u32 s24;
	s29 =	sshrl.u32 s19, $0x13  }
0x28c: {  	s25 =	sshrl.u32 s25, $0x2;
	v9 =	vmin.u32 v9, $0x80;
	s26 =	sshra.s32 s26, $0x2;
	s30 =	smul.u32 $0x9, s29  }
0x28d: {  	p1 =	slt.u32 s23, $0x9;
	v9 =	vshll.u32 v9, $0x6;
	s25 =	sadd.s32 s25, s26;
	s26 =	sand.u32 $0x7, s22  }
0x28e: {  	v10 =	vadd.s32 s22, v9;
	s25 =	sadd.s32 s28, s25;
	s22 =	smov.u32 s29;
	s28 =	ssub.s32 s21, s30  }
0x28f: {  	p2 =	sne.s32 s26, $0x0;
	[tilespmem:s25+$0x8440] =	vst v8;
	s23 =	sshll.u32 s28, $0x4;
	s28 =	smul.u32 $0xE38F, s24  }
.Ltmp22:
0x290: {  	p1 =	por !p1, !p2;
	(pc) =	sbr.rel @p0 .LBB2_46-.Ltmp22, $4  }
0x291: {  	s25 =	simm.s32 $0x1;
	s23 =	sadd.s32 $0x80, s23;
	p1 =	por !p1, !p1  }
0x292: {  	s20 =	sshrl.u32 s20, $0x16;
	s23 =	sand.u32 $0xFFF0, s23;
	s25 =	simm.s32 @!p1 $0x0  }
0x293: {  	v9 =	vadd.s32 s23, v5;
	s29 =	ssub.s32 s20, s25;
	s25 =	smul.u32 $0x640, s26;
	s20 =	smov.u32 s19;
	v8 =	vld.idx.msk [tilespmem:v10+s2+$0x0], $0xffff  }
0x294: {  	s24 =	sadd.s32 $0x1, s24;
	s19 =	smov.u32 s28;
	vm0 =	vgt.s32 v9, $0x0;
	s26 =	smul.u32 $0x3200, s29  }
0x295: {  	s24 =	sshrl.u32 s19, $0x13  }
0x296: {  	s28 =	smul.u32 $0x9, s24;
	_ =	sdelay $0x1  }
0x297: {  	v9 =	vnsel vm0, $0x0, v9;
	s28 =	ssub.s32 s17, s28  }
0x298: {  	v9 =	vmin.u32 v9, $0x80;
	s28 =	sshll.u32 s28, $0x4  }
0x299: {  	s29 =	sand.u32 $0x7, s22;
	v9 =	vshll.u32 v9, $0x6;
	s28 =	sadd.s32 $0x80, s28  }
0x29a: {  	p0 =	slt.u32 s21, $0x9;
	p1 =	sne.s32 s29, $0x0;
	v9 =	vadd.s32 s22, v9;
	s21 =	sand.u32 $0xFFF0, s28  }
0x29b: {  	s25 =	sshrl.u32 s25, $0x2;
	s31 =	sshra.s32 s26, $0x2;
	p0 =	por !p0, !p1;
	v10 =	vadd.s32 s21, v5  }
0x29c: {  	s22 =	sadd.s32 s25, s31;
	p0 =	por !p0, !p0;
	s25 =	simm.s32 $0x1;
	vm15 =	vgt.s32 v10, $0x0  }
0x29d: {  	s20 =	sshrl.u32 s20, $0x16;
	s18 =	sadd.s32 s18, s22;
	s25 =	simm.s32 @!p0 $0x0;
	v10 =	vnsel vm15, $0x0, v10  }
0x29e: {  	s22 =	smul.u32 $0x640, s29;
	[tilespmem:s18+$0x8440] =	vst v8;
	s20 =	ssub.s32 s20, s25;
	v8 =	vmin.u32 v10, $0x80  }
0x29f: {  	s25 =	sand.u32 $0x7, s24;
	s18 =	smul.u32 $0x3200, s20;
	v9 =	vld.idx.msk [tilespmem:v9+s2+$0x0], $0xffff;
	v8 =	vshll.u32 v8, $0x6  }
0x2a0: {  	p5 =	slt.u32 s17, $0x9;
	p6 =	sne.s32 s25, $0x0;
	v8 =	vadd.s32 s24, v8  }
0x2a1: {  	s28 =	sshrl.u32 s22, $0x2;
	p0 =	por !p5, !p6;
	s26 =	sshra.s32 s18, $0x2  }
0x2a2: {  	p0 =	por !p0, !p0;
	s18 =	simm.s32 $0x1;
	s17 =	sadd.s32 s28, s26  }
0x2a3: {  	s29 =	sshrl.u32 s19, $0x16;
	s18 =	simm.s32 @!p0 $0x0;
	s17 =	sadd.s32 s23, s17  }
0x2a4: {  	s31 =	smul.u32 $0x640, s25;
	s30 =	ssub.s32 s29, s18;
	[tilespmem:s17+$0x8440] =	vst v9  }
0x2a5: {  	s17 =	smul.u32 $0x3200, s30;
	v8 =	vld.idx.msk [tilespmem:v8+s2+$0x0], $0xffff;
	_ =	sdelay $0x1  }
0x2a6: {  	s18 =	sshrl.u32 s31, $0x2;
	s17 =	sshra.s32 s17, $0x2  }
0x2a7: {  	s17 =	sadd.s32 s18, s17  }
0x2a8: {  	s17 =	sadd.s32 s21, s17  }
0x2a9: {  	[tilespmem:s17+$0x8440] =	vst v8  }
0x2aa: {  	_ =	swait.ge [sflag:s15], $0x2000  }
0x2ab: {  	s18 =	simm.s32 $0x7F;
	[sflag:s15] =	ssyncset.done $0x0  }
.LBB2_48:
0x2ac: {  	p0 =	sne.s32 s18, $0x1;
	s18 =	sadd.s32 $0xFFFFFFFF, s18;
	[sflag:s15] =	ssyncadd.s32 $0xFFFFE000  }
.Ltmp23:
0x2ad: {  	(pc) =	sbr.rel @p0 .LBB2_48-.Ltmp23, $3  }
0x2ae: {  	_ =	sdelay $0x1  }
0x2af: {  	_ =	swait.ge [sflag:s15], $0x2000  }
0x2b0: {  	s17 =	simm.s32 $0x0;
	[sflag:s15] =	ssyncset.done $0x0  }
0x2b1: {  	[sflag:s15] =	ssyncadd.s32 $0xFFFFE000;
	s18 =	simm.s32 $0x0  }
.LBB2_50:
0x2b2: {  	s19 =	sshrl.u32 s18, $0x1  }
0x2b3: {  	s20 =	sand.u32 $0xF, s17;
	s21 =	sand.u32 $0x7FFFFFF8, s19  }
0x2b4: {  	s20 =	sshll.u32 s20, $0x7;
	s21 =	sadd.s32 s21, s5  }
0x2b5: {  	s20 =	ssub.s32 s20, s21  }
0x2b6: {  	p0 =	sgt.s32 s20, $0xFFFFFF40  }
0x2b7: {  	s20 =	simm.s32 @!p0 $0xFFFFFF40  }
0x2b8: {  	p0 =	slt.s32 s20, $0x50  }
0x2b9: {  	s20 =	simm.s32 @!p0 $0x50  }
0x2ba: {  	s25 =	sshll.u32 s18, $0x7;
	s19 =	sand.u32 $0x38, s19;
	s20 =	sadd.s32 $0xC0, s20  }
0x2bb: {  	s22 =	sor.u32 s5, s19;
	s21 =	sand.u32 $0x780, s25;
	s20 =	sand.u32 $0x1F8, s20  }
0x2bc: {  	s26 =	sshll.u32 s22, $0xE;
	s21 =	sadd.s32 s21, s10;
	s19 =	sadd.s32 $0x8440, s20  }
0x2bd: {  	s20 =	sadd.s32 s26, s21;
	s23 =	sadd.s32 $0x0, s19  }
0x2be: {  	[hbm4b:s20+s2] =	stream.linear.scatter [tilespmem:s23], [sflag:$0x1], $0x80, $0x38;
	[tilespmem:$0xE840] =	vst v63  }
0x2bf: {  	s29 =	sadd.s32 $0x10, s20;
	s28 =	sadd.s32 $0x190, s23  }
0x2c0: {  	[hbm4b:s29+s2] =	stream.linear.scatter [tilespmem:s28], [sflag:$0x1], $0x80, $0x38;
	[tilespmem:$0xE840] =	vst v63  }
0x2c1: {  	s21 =	simm.s32 $0xC80;
	s31 =	sadd.s32 $0x20, s20;
	s30 =	sadd.s32 $0x320, s23  }
0x2c2: {  	[hbm4b:s31+s2] =	stream.linear.scatter [tilespmem:s30], [sflag:$0x1], $0x80, $0x38;
	[tilespmem:$0xE840] =	vst v63  }
0x2c3: {  	s24 =	sadd.s32 $0x30, s20;
	s26 =	sadd.s32 $0x40, s20;
	s22 =	sadd.s32 $0x4B0, s23  }
0x2c4: {  	[hbm4b:s24+s2] =	stream.linear.scatter [tilespmem:s22], [sflag:$0x1], $0x80, $0x38;
	[tilespmem:$0xE840] =	vst v63  }
0x2c5: {  	s25 =	sadd.s32 $0x640, s23;
	s28 =	sadd.s32 $0x7D0, s23;
	s29 =	sadd.s32 $0x50, s20  }
0x2c6: {  	[hbm4b:s26+s2] =	stream.linear.scatter [tilespmem:s25], [sflag:$0x1], $0x80, $0x38;
	[tilespmem:$0xE840] =	vst v63  }
0x2c7: {  	s30 =	sadd.s32 $0x960, s23;
	s31 =	sadd.s32 $0x60, s20;
	s23 =	sadd.s32 $0xAF0, s23  }
0x2c8: {  	[hbm4b:s29+s2] =	stream.linear.scatter [tilespmem:s28], [sflag:$0x1], $0x80, $0x38;
	[tilespmem:$0xE840] =	vst v63  }
0x2c9: {  	s22 =	simm.s32 $0x6400;
	s24 =	sadd.s32 $0x70, s20;
	s20 =	sadd.s32 $0x800, s20  }
0x2ca: {  	[hbm4b:s31+s2] =	stream.linear.scatter [tilespmem:s30], [sflag:$0x1], $0x80, $0x38;
	[tilespmem:$0xE840] =	vst v63  }
.LBB2_51:
0x2cb: {  	[hbm4b:s24+s2] =	stream.linear.scatter [tilespmem:s23], [sflag:$0x1], $0x80, $0x38;
	[tilespmem:$0xE840] =	vst v63  }
0x2cc: {  	s23 =	smov.u32 s22  }
0x2cd: {  	s25 =	sadd.s32 $0x3200, s22;
	s24 =	sadd.s32 s21, s19;
	s21 =	sshra.s32 s23, $0x2  }
0x2ce: {  	[hbm4b:s20+s2] =	stream.linear.scatter [tilespmem:s24], [sflag:$0x1], $0x80, $0x38;
	[tilespmem:$0xE840] =	vst v63  }
0x2cf: {  	p0 =	sne.s32 s22, $0x15E00;
	s22 =	sadd.s32 $0x190, s24;
	s23 =	sadd.s32 $0x10, s20  }
0x2d0: {  	[hbm4b:s23+s2] =	stream.linear.scatter [tilespmem:s22], [sflag:$0x1], $0x80, $0x38;
	[tilespmem:$0xE840] =	vst v63  }
0x2d1: {  	s22 =	sadd.s32 $0x320, s24;
	s23 =	sadd.s32 $0x20, s20  }
0x2d2: {  	[hbm4b:s23+s2] =	stream.linear.scatter [tilespmem:s22], [sflag:$0x1], $0x80, $0x38;
	[tilespmem:$0xE840] =	vst v63  }
0x2d3: {  	s22 =	sadd.s32 $0x4B0, s24;
	s23 =	sadd.s32 $0x30, s20  }
0x2d4: {  	[hbm4b:s23+s2] =	stream.linear.scatter [tilespmem:s22], [sflag:$0x1], $0x80, $0x38;
	[tilespmem:$0xE840] =	vst v63  }
0x2d5: {  	s22 =	sadd.s32 $0x640, s24;
	s23 =	sadd.s32 $0x40, s20  }
0x2d6: {  	[hbm4b:s23+s2] =	stream.linear.scatter [tilespmem:s22], [sflag:$0x1], $0x80, $0x38;
	[tilespmem:$0xE840] =	vst v63  }
0x2d7: {  	s22 =	sadd.s32 $0x7D0, s24;
	s23 =	sadd.s32 $0x50, s20  }
0x2d8: {  	[hbm4b:s23+s2] =	stream.linear.scatter [tilespmem:s22], [sflag:$0x1], $0x80, $0x38;
	[tilespmem:$0xE840] =	vst v63  }
.Ltmp24:
0x2d9: {  	_ = 	snop;
	(pc) =	sbr.rel @p0 .LBB2_51-.Ltmp24, $4  }
0x2da: {  	s22 =	sadd.s32 $0x960, s24;
	s23 =	sadd.s32 $0x60, s20  }
0x2db: {  	[hbm4b:s23+s2] =	stream.linear.scatter [tilespmem:s22], [sflag:$0x1], $0x80, $0x38;
	[tilespmem:$0xE840] =	vst v63  }
0x2dc: {  	s23 =	sadd.s32 $0xAF0, s24  }
0x2dd: {  	s24 =	sadd.s32 $0x70, s20;
	s20 =	sadd.s32 $0x800, s20;
	s22 =	smov.u32 s25  }
0x2de: {  	[hbm4b:s24+s2] =	stream.linear.scatter [tilespmem:s23], [sflag:$0x1], $0x80, $0x38;
	[tilespmem:$0xE840] =	vst v63  }
0x2df: {  	s19 =	sadd.s32 s21, s19  }
0x2e0: {  	[hbm4b:s20+s2] =	stream.linear.scatter [tilespmem:s19], [sflag:$0x1], $0x80, $0x38;
	[tilespmem:$0xE840] =	vst v63  }
0x2e1: {  	s22 =	sadd.s32 $0x10, s20;
	s21 =	sadd.s32 $0x190, s19  }
0x2e2: {  	[hbm4b:s22+s2] =	stream.linear.scatter [tilespmem:s21], [sflag:$0x1], $0x80, $0x38;
	[tilespmem:$0xE840] =	vst v63  }
0x2e3: {  	s31 =	sadd.s32 $0x20, s20;
	s30 =	sadd.s32 $0x320, s19  }
0x2e4: {  	[hbm4b:s31+s2] =	stream.linear.scatter [tilespmem:s30], [sflag:$0x1], $0x80, $0x38;
	[tilespmem:$0xE840] =	vst v63  }
0x2e5: {  	s23 =	sadd.s32 $0x30, s20;
	s22 =	sadd.s32 $0x4B0, s19  }
0x2e6: {  	[hbm4b:s23+s2] =	stream.linear.scatter [tilespmem:s22], [sflag:$0x1], $0x80, $0x38;
	[tilespmem:$0xE840] =	vst v63  }
0x2e7: {  	s25 =	sadd.s32 $0x40, s20;
	s18 =	sadd.s32 $0x1, s18;
	s24 =	sadd.s32 $0x640, s19  }
0x2e8: {  	[hbm4b:s25+s2] =	stream.linear.scatter [tilespmem:s24], [sflag:$0x1], $0x80, $0x38;
	[tilespmem:$0xE840] =	vst v63  }
0x2e9: {  	s28 =	sadd.s32 $0x50, s20;
	s26 =	sadd.s32 $0x7D0, s19;
	p0 =	sne.s32 s18, $0x80  }
0x2ea: {  	[hbm4b:s28+s2] =	stream.linear.scatter [tilespmem:s26], [sflag:$0x1], $0x80, $0x38;
	[tilespmem:$0xE840] =	vst v63  }
.Ltmp25:
0x2eb: {  	_ = 	snop;
	(pc) =	sbr.rel @p0 .LBB2_50-.Ltmp25, $4  }
0x2ec: {  	s29 =	sadd.s32 $0x960, s19;
	s30 =	sadd.s32 $0x60, s20  }
0x2ed: {  	[hbm4b:s30+s2] =	stream.linear.scatter [tilespmem:s29], [sflag:$0x1], $0x80, $0x38;
	[tilespmem:$0xE840] =	vst v63  }
0x2ee: {  	s17 =	sadd.s32 $0x1, s17;
	s19 =	sadd.s32 $0xAF0, s19;
	s31 =	sadd.s32 $0x70, s20  }
0x2ef: {  	[hbm4b:s31+s2] =	stream.linear.scatter [tilespmem:s19], [sflag:$0x1], $0x80, $0x38;
	[tilespmem:$0xE840] =	vst v63  }
0x2f0: {  	s17 =	simm.s32 $0x0  }
0x2f1: {  	s24 =	smul.u32 $0xE38F, s17;
	_ =	sdelay $0x1  }
0x2f2: {  	s19 =	sshrl.u32 s24, $0x13  }
0x2f3: {  	s30 =	smul.u32 $0x9, s19;
	_ =	sdelay $0x1  }
0x2f4: {  	s17 =	ssub.s32 $0x0, s30  }
0x2f5: {  	s17 =	sshll.u32 s17, $0x4  }
0x2f6: {  	s17 =	sadd.s32 $0x80, s17  }
0x2f7: {  	s21 =	simm.s32 $0x1;
	s18 =	sand.u32 $0xFFF0, s17  }
0x2f8: {  	s20 =	smul.u32 $0xE38F, s21;
	v8 =	vadd.s32 s18, v6  }
0x2f9: {  	vm0 =	vgt.s32 v8, $0x0  }
0x2fa: {  	s22 =	sshrl.u32 s20, $0x13;
	v8 =	vnsel vm0, $0x0, v8  }
0x2fb: {  	s23 =	smul.u32 $0x9, s22;
	s25 =	sand.u32 $0x7, s19;
	v8 =	vmin.u32 v8, $0x80  }
0x2fc: {  	p0 =	por $0x1, $0x1;
	p1 =	sne.s32 s25, $0x0;
	v8 =	vshll.u32 v8, $0x6  }
0x2fd: {  	s31 =	ssub.s32 $0x1, s23;
	p0 =	por !p0, !p1;
	v8 =	vadd.s32 s19, v8  }
0x2fe: {  	s26 =	simm.s32 $0x1;
	s23 =	sshll.u32 s31, $0x4;
	p0 =	por !p0, !p0  }
0x2ff: {  	s24 =	sshrl.u32 s24, $0x16;
	s23 =	sadd.s32 $0x80, s23;
	s26 =	simm.s32 @!p0 $0x0  }
0x300: {  	s25 =	smul.u32 $0x640, s25;
	s23 =	sand.u32 $0xFFF0, s23;
	s26 =	ssub.s32 s24, s26  }
0x301: {  	s17 =	simm.s32 $0x2;
	v9 =	vadd.s32 s23, v6;
	s26 =	smul.u32 $0x3200, s26  }
0x302: {  	s24 =	simm.s32 $0x3;
	vm0 =	vgt.s32 v9, $0x0;
	s19 =	smul.u32 $0xE38F, s17;
	v8 =	vld.idx.msk [tilespmem:v8+s2+$0x0], $0xffff  }
.LBB2_54:
0x303: {  	p0 =	sne.s32 s24, $0x23F  }
0x304: {  	s28 =	smov.u32 s18;
	s18 =	smov.u32 s23;
	s23 =	smov.u32 s21  }
0x305: {  	v9 =	vnsel vm0, $0x0, v9;
	s21 =	smov.u32 s17;
	s17 =	smov.u32 s24;
	s29 =	sshrl.u32 s19, $0x13  }
0x306: {  	s25 =	sshrl.u32 s25, $0x2;
	v9 =	vmin.u32 v9, $0x80;
	s26 =	sshra.s32 s26, $0x2;
	s30 =	smul.u32 $0x9, s29  }
0x307: {  	p1 =	slt.u32 s23, $0x9;
	v9 =	vshll.u32 v9, $0x6;
	s25 =	sadd.s32 s25, s26;
	s26 =	sand.u32 $0x7, s22  }
0x308: {  	v10 =	vadd.s32 s22, v9;
	s25 =	sadd.s32 s28, s25;
	s22 =	smov.u32 s29;
	s28 =	ssub.s32 s21, s30  }
0x309: {  	p2 =	sne.s32 s26, $0x0;
	[tilespmem:s25+$0x2040] =	vst v8;
	s23 =	sshll.u32 s28, $0x4;
	s28 =	smul.u32 $0xE38F, s24  }
.Ltmp26:
0x30a: {  	p1 =	por !p1, !p2;
	(pc) =	sbr.rel @p0 .LBB2_54-.Ltmp26, $4  }
0x30b: {  	s25 =	simm.s32 $0x1;
	s23 =	sadd.s32 $0x80, s23;
	p1 =	por !p1, !p1  }
0x30c: {  	s20 =	sshrl.u32 s20, $0x16;
	s23 =	sand.u32 $0xFFF0, s23;
	s25 =	simm.s32 @!p1 $0x0  }
0x30d: {  	v9 =	vadd.s32 s23, v6;
	s29 =	ssub.s32 s20, s25;
	s25 =	smul.u32 $0x640, s26;
	s20 =	smov.u32 s19;
	v8 =	vld.idx.msk [tilespmem:v10+s2+$0x0], $0xffff  }
0x30e: {  	s24 =	sadd.s32 $0x1, s24;
	s19 =	smov.u32 s28;
	vm0 =	vgt.s32 v9, $0x0;
	s26 =	smul.u32 $0x3200, s29  }
0x30f: {  	s24 =	sshrl.u32 s19, $0x13  }
0x310: {  	s28 =	smul.u32 $0x9, s24;
	_ =	sdelay $0x1  }
0x311: {  	v9 =	vnsel vm0, $0x0, v9;
	s28 =	ssub.s32 s17, s28  }
0x312: {  	v9 =	vmin.u32 v9, $0x80;
	s28 =	sshll.u32 s28, $0x4  }
0x313: {  	s29 =	sand.u32 $0x7, s22;
	v9 =	vshll.u32 v9, $0x6;
	s28 =	sadd.s32 $0x80, s28  }
0x314: {  	p0 =	slt.u32 s21, $0x9;
	p1 =	sne.s32 s29, $0x0;
	v9 =	vadd.s32 s22, v9;
	s21 =	sand.u32 $0xFFF0, s28  }
0x315: {  	s25 =	sshrl.u32 s25, $0x2;
	s31 =	sshra.s32 s26, $0x2;
	p0 =	por !p0, !p1;
	v10 =	vadd.s32 s21, v6  }
0x316: {  	s22 =	sadd.s32 s25, s31;
	p0 =	por !p0, !p0;
	s25 =	simm.s32 $0x1;
	vm15 =	vgt.s32 v10, $0x0  }
0x317: {  	s20 =	sshrl.u32 s20, $0x16;
	s18 =	sadd.s32 s18, s22;
	s25 =	simm.s32 @!p0 $0x0;
	v10 =	vnsel vm15, $0x0, v10  }
0x318: {  	s22 =	smul.u32 $0x640, s29;
	[tilespmem:s18+$0x2040] =	vst v8;
	s20 =	ssub.s32 s20, s25;
	v8 =	vmin.u32 v10, $0x80  }
0x319: {  	s25 =	sand.u32 $0x7, s24;
	s18 =	smul.u32 $0x3200, s20;
	v9 =	vld.idx.msk [tilespmem:v9+s2+$0x0], $0xffff;
	v8 =	vshll.u32 v8, $0x6  }
0x31a: {  	p5 =	slt.u32 s17, $0x9;
	p6 =	sne.s32 s25, $0x0;
	v8 =	vadd.s32 s24, v8  }
0x31b: {  	s28 =	sshrl.u32 s22, $0x2;
	p0 =	por !p5, !p6;
	s26 =	sshra.s32 s18, $0x2  }
0x31c: {  	p0 =	por !p0, !p0;
	s18 =	simm.s32 $0x1;
	s17 =	sadd.s32 s28, s26  }
0x31d: {  	s29 =	sshrl.u32 s19, $0x16;
	s18 =	simm.s32 @!p0 $0x0;
	s17 =	sadd.s32 s23, s17  }
0x31e: {  	s31 =	smul.u32 $0x640, s25;
	s30 =	ssub.s32 s29, s18;
	[tilespmem:s17+$0x2040] =	vst v9  }
0x31f: {  	s17 =	smul.u32 $0x3200, s30;
	v8 =	vld.idx.msk [tilespmem:v8+s2+$0x0], $0xffff;
	_ =	sdelay $0x1  }
0x320: {  	s18 =	sshrl.u32 s31, $0x2;
	s17 =	sshra.s32 s17, $0x2  }
0x321: {  	s17 =	sadd.s32 s18, s17  }
0x322: {  	s17 =	sadd.s32 s21, s17  }
0x323: {  	[tilespmem:s17+$0x2040] =	vst v8  }
0x324: {  	_ =	swait.ge [sflag:s15], $0x2000  }
0x325: {  	s18 =	simm.s32 $0x7F;
	[sflag:s15] =	ssyncset.done $0x0  }
.LBB2_56:
0x326: {  	p0 =	sne.s32 s18, $0x1;
	s18 =	sadd.s32 $0xFFFFFFFF, s18;
	[sflag:s15] =	ssyncadd.s32 $0xFFFFE000  }
.Ltmp27:
0x327: {  	(pc) =	sbr.rel @p0 .LBB2_56-.Ltmp27, $3  }
0x328: {  	_ =	sdelay $0x1  }
0x329: {  	_ =	swait.ge [sflag:s15], $0x2000  }
0x32a: {  	s17 =	simm.s32 $0x0;
	[sflag:s15] =	ssyncset.done $0x0  }
0x32b: {  	[sflag:s15] =	ssyncadd.s32 $0xFFFFE000;
	s18 =	simm.s32 $0x0  }
.LBB2_58:
0x32c: {  	s19 =	sshrl.u32 s18, $0x1  }
0x32d: {  	s20 =	sand.u32 $0xF, s17;
	s21 =	sand.u32 $0x7FFFFFF8, s19  }
0x32e: {  	s20 =	sshll.u32 s20, $0x7;
	s21 =	sadd.s32 s21, s5  }
0x32f: {  	s20 =	ssub.s32 s20, s21  }
0x330: {  	p0 =	sgt.s32 s20, $0xFFFFFF40  }
0x331: {  	s20 =	simm.s32 @!p0 $0xFFFFFF40  }
0x332: {  	p0 =	slt.s32 s20, $0x50  }
0x333: {  	s20 =	simm.s32 @!p0 $0x50  }
0x334: {  	s25 =	sshll.u32 s18, $0x7;
	s19 =	sand.u32 $0x38, s19;
	s20 =	sadd.s32 $0xC0, s20  }
0x335: {  	s22 =	sor.u32 s5, s19;
	s21 =	sand.u32 $0x780, s25;
	s20 =	sand.u32 $0x1F8, s20  }
0x336: {  	s26 =	sshll.u32 s22, $0xE;
	s21 =	sadd.s32 s21, s11;
	s19 =	sadd.s32 $0x2040, s20  }
0x337: {  	s20 =	sadd.s32 s26, s21;
	s23 =	sadd.s32 $0x0, s19  }
0x338: {  	[hbm4b:s20+s2] =	stream.linear.scatter [tilespmem:s23], [sflag:$0x1], $0x80, $0x38;
	[tilespmem:$0xE840] =	vst v63  }
0x339: {  	s29 =	sadd.s32 $0x10, s20;
	s28 =	sadd.s32 $0x190, s23  }
0x33a: {  	[hbm4b:s29+s2] =	stream.linear.scatter [tilespmem:s28], [sflag:$0x1], $0x80, $0x38;
	[tilespmem:$0xE840] =	vst v63  }
0x33b: {  	s21 =	simm.s32 $0xC80;
	s31 =	sadd.s32 $0x20, s20;
	s30 =	sadd.s32 $0x320, s23  }
0x33c: {  	[hbm4b:s31+s2] =	stream.linear.scatter [tilespmem:s30], [sflag:$0x1], $0x80, $0x38;
	[tilespmem:$0xE840] =	vst v63  }
0x33d: {  	s24 =	sadd.s32 $0x30, s20;
	s26 =	sadd.s32 $0x40, s20;
	s22 =	sadd.s32 $0x4B0, s23  }
0x33e: {  	[hbm4b:s24+s2] =	stream.linear.scatter [tilespmem:s22], [sflag:$0x1], $0x80, $0x38;
	[tilespmem:$0xE840] =	vst v63  }
0x33f: {  	s25 =	sadd.s32 $0x640, s23;
	s28 =	sadd.s32 $0x7D0, s23;
	s29 =	sadd.s32 $0x50, s20  }
0x340: {  	[hbm4b:s26+s2] =	stream.linear.scatter [tilespmem:s25], [sflag:$0x1], $0x80, $0x38;
	[tilespmem:$0xE840] =	vst v63  }
0x341: {  	s30 =	sadd.s32 $0x960, s23;
	s31 =	sadd.s32 $0x60, s20;
	s23 =	sadd.s32 $0xAF0, s23  }
0x342: {  	[hbm4b:s29+s2] =	stream.linear.scatter [tilespmem:s28], [sflag:$0x1], $0x80, $0x38;
	[tilespmem:$0xE840] =	vst v63  }
0x343: {  	s22 =	simm.s32 $0x6400;
	s24 =	sadd.s32 $0x70, s20;
	s20 =	sadd.s32 $0x800, s20  }
0x344: {  	[hbm4b:s31+s2] =	stream.linear.scatter [tilespmem:s30], [sflag:$0x1], $0x80, $0x38;
	[tilespmem:$0xE840] =	vst v63  }
.LBB2_59:
0x345: {  	[hbm4b:s24+s2] =	stream.linear.scatter [tilespmem:s23], [sflag:$0x1], $0x80, $0x38;
	[tilespmem:$0xE840] =	vst v63  }
0x346: {  	s23 =	smov.u32 s22  }
0x347: {  	s25 =	sadd.s32 $0x3200, s22;
	s24 =	sadd.s32 s21, s19;
	s21 =	sshra.s32 s23, $0x2  }
0x348: {  	[hbm4b:s20+s2] =	stream.linear.scatter [tilespmem:s24], [sflag:$0x1], $0x80, $0x38;
	[tilespmem:$0xE840] =	vst v63  }
0x349: {  	p0 =	sne.s32 s22, $0x15E00;
	s22 =	sadd.s32 $0x190, s24;
	s23 =	sadd.s32 $0x10, s20  }
0x34a: {  	[hbm4b:s23+s2] =	stream.linear.scatter [tilespmem:s22], [sflag:$0x1], $0x80, $0x38;
	[tilespmem:$0xE840] =	vst v63  }
0x34b: {  	s22 =	sadd.s32 $0x320, s24;
	s23 =	sadd.s32 $0x20, s20  }
0x34c: {  	[hbm4b:s23+s2] =	stream.linear.scatter [tilespmem:s22], [sflag:$0x1], $0x80, $0x38;
	[tilespmem:$0xE840] =	vst v63  }
0x34d: {  	s22 =	sadd.s32 $0x4B0, s24;
	s23 =	sadd.s32 $0x30, s20  }
0x34e: {  	[hbm4b:s23+s2] =	stream.linear.scatter [tilespmem:s22], [sflag:$0x1], $0x80, $0x38;
	[tilespmem:$0xE840] =	vst v63  }
0x34f: {  	s22 =	sadd.s32 $0x640, s24;
	s23 =	sadd.s32 $0x40, s20  }
0x350: {  	[hbm4b:s23+s2] =	stream.linear.scatter [tilespmem:s22], [sflag:$0x1], $0x80, $0x38;
	[tilespmem:$0xE840] =	vst v63  }
0x351: {  	s22 =	sadd.s32 $0x7D0, s24;
	s23 =	sadd.s32 $0x50, s20  }
0x352: {  	[hbm4b:s23+s2] =	stream.linear.scatter [tilespmem:s22], [sflag:$0x1], $0x80, $0x38;
	[tilespmem:$0xE840] =	vst v63  }
.Ltmp28:
0x353: {  	_ = 	snop;
	(pc) =	sbr.rel @p0 .LBB2_59-.Ltmp28, $4  }
0x354: {  	s22 =	sadd.s32 $0x960, s24;
	s23 =	sadd.s32 $0x60, s20  }
0x355: {  	[hbm4b:s23+s2] =	stream.linear.scatter [tilespmem:s22], [sflag:$0x1], $0x80, $0x38;
	[tilespmem:$0xE840] =	vst v63  }
0x356: {  	s23 =	sadd.s32 $0xAF0, s24  }
0x357: {  	s24 =	sadd.s32 $0x70, s20;
	s20 =	sadd.s32 $0x800, s20;
	s22 =	smov.u32 s25  }
0x358: {  	[hbm4b:s24+s2] =	stream.linear.scatter [tilespmem:s23], [sflag:$0x1], $0x80, $0x38;
	[tilespmem:$0xE840] =	vst v63  }
0x359: {  	s19 =	sadd.s32 s21, s19  }
0x35a: {  	[hbm4b:s20+s2] =	stream.linear.scatter [tilespmem:s19], [sflag:$0x1], $0x80, $0x38;
	[tilespmem:$0xE840] =	vst v63  }
0x35b: {  	s22 =	sadd.s32 $0x10, s20;
	s21 =	sadd.s32 $0x190, s19  }
0x35c: {  	[hbm4b:s22+s2] =	stream.linear.scatter [tilespmem:s21], [sflag:$0x1], $0x80, $0x38;
	[tilespmem:$0xE840] =	vst v63  }
0x35d: {  	s31 =	sadd.s32 $0x20, s20;
	s30 =	sadd.s32 $0x320, s19  }
0x35e: {  	[hbm4b:s31+s2] =	stream.linear.scatter [tilespmem:s30], [sflag:$0x1], $0x80, $0x38;
	[tilespmem:$0xE840] =	vst v63  }
0x35f: {  	s23 =	sadd.s32 $0x30, s20;
	s22 =	sadd.s32 $0x4B0, s19  }
0x360: {  	[hbm4b:s23+s2] =	stream.linear.scatter [tilespmem:s22], [sflag:$0x1], $0x80, $0x38;
	[tilespmem:$0xE840] =	vst v63  }
0x361: {  	s25 =	sadd.s32 $0x40, s20;
	s18 =	sadd.s32 $0x1, s18;
	s24 =	sadd.s32 $0x640, s19  }
0x362: {  	[hbm4b:s25+s2] =	stream.linear.scatter [tilespmem:s24], [sflag:$0x1], $0x80, $0x38;
	[tilespmem:$0xE840] =	vst v63  }
0x363: {  	s28 =	sadd.s32 $0x50, s20;
	s26 =	sadd.s32 $0x7D0, s19;
	p0 =	sne.s32 s18, $0x80  }
0x364: {  	[hbm4b:s28+s2] =	stream.linear.scatter [tilespmem:s26], [sflag:$0x1], $0x80, $0x38;
	[tilespmem:$0xE840] =	vst v63  }
.Ltmp29:
0x365: {  	_ = 	snop;
	(pc) =	sbr.rel @p0 .LBB2_58-.Ltmp29, $4  }
0x366: {  	s29 =	sadd.s32 $0x960, s19;
	s30 =	sadd.s32 $0x60, s20  }
0x367: {  	[hbm4b:s30+s2] =	stream.linear.scatter [tilespmem:s29], [sflag:$0x1], $0x80, $0x38;
	[tilespmem:$0xE840] =	vst v63  }
0x368: {  	s17 =	sadd.s32 $0x1, s17;
	s19 =	sadd.s32 $0xAF0, s19;
	s31 =	sadd.s32 $0x70, s20  }
0x369: {  	[hbm4b:s31+s2] =	stream.linear.scatter [tilespmem:s19], [sflag:$0x1], $0x80, $0x38;
	[tilespmem:$0xE840] =	vst v63  }
0x36a: {  	s17 =	simm.s32 $0x0  }
0x36b: {  	s24 =	smul.u32 $0xE38F, s17;
	_ =	sdelay $0x1  }
0x36c: {  	s19 =	sshrl.u32 s24, $0x13  }
0x36d: {  	s30 =	smul.u32 $0x9, s19;
	_ =	sdelay $0x1  }
0x36e: {  	s17 =	ssub.s32 $0x0, s30  }
0x36f: {  	s17 =	sshll.u32 s17, $0x4  }
0x370: {  	s17 =	sadd.s32 $0x80, s17  }
0x371: {  	s21 =	simm.s32 $0x1;
	s18 =	sand.u32 $0xFFF0, s17  }
0x372: {  	s20 =	smul.u32 $0xE38F, s21;
	v8 =	vadd.s32 s18, v7  }
0x373: {  	vm0 =	vgt.s32 v8, $0x0  }
0x374: {  	s22 =	sshrl.u32 s20, $0x13;
	v8 =	vnsel vm0, $0x0, v8  }
0x375: {  	s23 =	smul.u32 $0x9, s22;
	s25 =	sand.u32 $0x7, s19;
	v8 =	vmin.u32 v8, $0x80  }
0x376: {  	p0 =	por $0x1, $0x1;
	p1 =	sne.s32 s25, $0x0;
	v8 =	vshll.u32 v8, $0x6  }
0x377: {  	s31 =	ssub.s32 $0x1, s23;
	p0 =	por !p0, !p1;
	v8 =	vadd.s32 s19, v8  }
0x378: {  	s26 =	simm.s32 $0x1;
	s23 =	sshll.u32 s31, $0x4;
	p0 =	por !p0, !p0  }
0x379: {  	s24 =	sshrl.u32 s24, $0x16;
	s23 =	sadd.s32 $0x80, s23;
	s26 =	simm.s32 @!p0 $0x0  }
0x37a: {  	s25 =	smul.u32 $0x640, s25;
	s23 =	sand.u32 $0xFFF0, s23;
	s26 =	ssub.s32 s24, s26  }
0x37b: {  	s17 =	simm.s32 $0x2;
	v9 =	vadd.s32 s23, v7;
	s26 =	smul.u32 $0x3200, s26  }
0x37c: {  	s24 =	simm.s32 $0x3;
	vm0 =	vgt.s32 v9, $0x0;
	s19 =	smul.u32 $0xE38F, s17;
	v8 =	vld.idx.msk [tilespmem:v8+s2+$0x0], $0xffff  }
.LBB2_62:
0x37d: {  	p0 =	sne.s32 s24, $0x23F  }
0x37e: {  	s28 =	smov.u32 s18;
	s18 =	smov.u32 s23;
	s23 =	smov.u32 s21  }
0x37f: {  	v9 =	vnsel vm0, $0x0, v9;
	s21 =	smov.u32 s17;
	s17 =	smov.u32 s24;
	s29 =	sshrl.u32 s19, $0x13  }
0x380: {  	s25 =	sshrl.u32 s25, $0x2;
	v9 =	vmin.u32 v9, $0x80;
	s26 =	sshra.s32 s26, $0x2;
	s30 =	smul.u32 $0x9, s29  }
0x381: {  	p1 =	slt.u32 s23, $0x9;
	v9 =	vshll.u32 v9, $0x6;
	s25 =	sadd.s32 s25, s26;
	s26 =	sand.u32 $0x7, s22  }
0x382: {  	v10 =	vadd.s32 s22, v9;
	s25 =	sadd.s32 s28, s25;
	s22 =	smov.u32 s29;
	s28 =	ssub.s32 s21, s30  }
0x383: {  	p2 =	sne.s32 s26, $0x0;
	[tilespmem:s25+$0x8440] =	vst v8;
	s23 =	sshll.u32 s28, $0x4;
	s28 =	smul.u32 $0xE38F, s24  }
.Ltmp30:
0x384: {  	p1 =	por !p1, !p2;
	(pc) =	sbr.rel @p0 .LBB2_62-.Ltmp30, $4  }
0x385: {  	s25 =	simm.s32 $0x1;
	s23 =	sadd.s32 $0x80, s23;
	p1 =	por !p1, !p1  }
0x386: {  	s20 =	sshrl.u32 s20, $0x16;
	s23 =	sand.u32 $0xFFF0, s23;
	s25 =	simm.s32 @!p1 $0x0  }
0x387: {  	v9 =	vadd.s32 s23, v7;
	s29 =	ssub.s32 s20, s25;
	s25 =	smul.u32 $0x640, s26;
	s20 =	smov.u32 s19;
	v8 =	vld.idx.msk [tilespmem:v10+s2+$0x0], $0xffff  }
0x388: {  	s24 =	sadd.s32 $0x1, s24;
	s19 =	smov.u32 s28;
	vm0 =	vgt.s32 v9, $0x0;
	s26 =	smul.u32 $0x3200, s29  }
0x389: {  	s24 =	sshrl.u32 s19, $0x13  }
0x38a: {  	s28 =	smul.u32 $0x9, s24;
	_ =	sdelay $0x1  }
0x38b: {  	v9 =	vnsel vm0, $0x0, v9;
	s28 =	ssub.s32 s17, s28  }
0x38c: {  	v9 =	vmin.u32 v9, $0x80;
	s28 =	sshll.u32 s28, $0x4  }
0x38d: {  	s29 =	sand.u32 $0x7, s22;
	v9 =	vshll.u32 v9, $0x6;
	s28 =	sadd.s32 $0x80, s28  }
0x38e: {  	p0 =	slt.u32 s21, $0x9;
	p1 =	sne.s32 s29, $0x0;
	v9 =	vadd.s32 s22, v9;
	s21 =	sand.u32 $0xFFF0, s28  }
0x38f: {  	s25 =	sshrl.u32 s25, $0x2;
	s31 =	sshra.s32 s26, $0x2;
	p0 =	por !p0, !p1;
	v10 =	vadd.s32 s21, v7  }
0x390: {  	s22 =	sadd.s32 s25, s31;
	p0 =	por !p0, !p0;
	s25 =	simm.s32 $0x1;
	vm15 =	vgt.s32 v10, $0x0  }
0x391: {  	s20 =	sshrl.u32 s20, $0x16;
	s18 =	sadd.s32 s18, s22;
	s25 =	simm.s32 @!p0 $0x0;
	v10 =	vnsel vm15, $0x0, v10  }
0x392: {  	s22 =	smul.u32 $0x640, s29;
	[tilespmem:s18+$0x8440] =	vst v8;
	s20 =	ssub.s32 s20, s25;
	v8 =	vmin.u32 v10, $0x80  }
0x393: {  	s25 =	sand.u32 $0x7, s24;
	s18 =	smul.u32 $0x3200, s20;
	v9 =	vld.idx.msk [tilespmem:v9+s2+$0x0], $0xffff;
	v8 =	vshll.u32 v8, $0x6  }
0x394: {  	p5 =	slt.u32 s17, $0x9;
	p6 =	sne.s32 s25, $0x0;
	v8 =	vadd.s32 s24, v8  }
0x395: {  	s28 =	sshrl.u32 s22, $0x2;
	p0 =	por !p5, !p6;
	s26 =	sshra.s32 s18, $0x2  }
0x396: {  	p0 =	por !p0, !p0;
	s18 =	simm.s32 $0x1;
	s17 =	sadd.s32 s28, s26  }
0x397: {  	s29 =	sshrl.u32 s19, $0x16;
	s18 =	simm.s32 @!p0 $0x0;
	s17 =	sadd.s32 s23, s17  }
0x398: {  	s31 =	smul.u32 $0x640, s25;
	s30 =	ssub.s32 s29, s18;
	[tilespmem:s17+$0x8440] =	vst v9  }
0x399: {  	s17 =	smul.u32 $0x3200, s30;
	v8 =	vld.idx.msk [tilespmem:v8+s2+$0x0], $0xffff;
	_ =	sdelay $0x1  }
0x39a: {  	s18 =	sshrl.u32 s31, $0x2;
	s17 =	sshra.s32 s17, $0x2  }
0x39b: {  	s17 =	sadd.s32 s18, s17  }
0x39c: {  	s17 =	sadd.s32 s21, s17  }
0x39d: {  	[tilespmem:s17+$0x8440] =	vst v8  }
0x39e: {  	_ =	swait.ge [sflag:s15], $0x2000  }
0x39f: {  	s18 =	simm.s32 $0x7F;
	[sflag:s15] =	ssyncset.done $0x0  }
.LBB2_64:
0x3a0: {  	p0 =	sne.s32 s18, $0x1;
	s18 =	sadd.s32 $0xFFFFFFFF, s18;
	[sflag:s15] =	ssyncadd.s32 $0xFFFFE000  }
.Ltmp31:
0x3a1: {  	(pc) =	sbr.rel @p0 .LBB2_64-.Ltmp31, $3  }
0x3a2: {  	_ =	sdelay $0x1  }
0x3a3: {  	_ =	swait.ge [sflag:s15], $0x2000  }
0x3a4: {  	s17 =	simm.s32 $0x0;
	[sflag:s15] =	ssyncset.done $0x0  }
0x3a5: {  	[sflag:s15] =	ssyncadd.s32 $0xFFFFE000;
	s18 =	simm.s32 $0x0  }
.LBB2_66:
0x3a6: {  	s19 =	sshrl.u32 s18, $0x1  }
0x3a7: {  	s20 =	sand.u32 $0xF, s17;
	s21 =	sand.u32 $0x7FFFFFF8, s19  }
0x3a8: {  	s20 =	sshll.u32 s20, $0x7;
	s21 =	sadd.s32 s21, s5  }
0x3a9: {  	s20 =	ssub.s32 s20, s21  }
0x3aa: {  	p0 =	sgt.s32 s20, $0xFFFFFF40  }
0x3ab: {  	s20 =	simm.s32 @!p0 $0xFFFFFF40  }
0x3ac: {  	p0 =	slt.s32 s20, $0x50  }
0x3ad: {  	s20 =	simm.s32 @!p0 $0x50  }
0x3ae: {  	s25 =	sshll.u32 s18, $0x7;
	s19 =	sand.u32 $0x38, s19;
	s20 =	sadd.s32 $0xC0, s20  }
0x3af: {  	s22 =	sor.u32 s5, s19;
	s21 =	sand.u32 $0x780, s25;
	s20 =	sand.u32 $0x1F8, s20  }
0x3b0: {  	s26 =	sshll.u32 s22, $0xE;
	s21 =	sadd.s32 s21, s12;
	s19 =	sadd.s32 $0x8440, s20  }
0x3b1: {  	s20 =	sadd.s32 s26, s21;
	s23 =	sadd.s32 $0x0, s19  }
0x3b2: {  	[hbm4b:s20+s2] =	stream.linear.scatter [tilespmem:s23], [sflag:$0x1], $0x80, $0x38;
	[tilespmem:$0xE840] =	vst v63  }
0x3b3: {  	s29 =	sadd.s32 $0x10, s20;
	s28 =	sadd.s32 $0x190, s23  }
0x3b4: {  	[hbm4b:s29+s2] =	stream.linear.scatter [tilespmem:s28], [sflag:$0x1], $0x80, $0x38;
	[tilespmem:$0xE840] =	vst v63  }
0x3b5: {  	s21 =	simm.s32 $0xC80;
	s31 =	sadd.s32 $0x20, s20;
	s30 =	sadd.s32 $0x320, s23  }
0x3b6: {  	[hbm4b:s31+s2] =	stream.linear.scatter [tilespmem:s30], [sflag:$0x1], $0x80, $0x38;
	[tilespmem:$0xE840] =	vst v63  }
0x3b7: {  	s24 =	sadd.s32 $0x30, s20;
	s26 =	sadd.s32 $0x40, s20;
	s22 =	sadd.s32 $0x4B0, s23  }
0x3b8: {  	[hbm4b:s24+s2] =	stream.linear.scatter [tilespmem:s22], [sflag:$0x1], $0x80, $0x38;
	[tilespmem:$0xE840] =	vst v63  }
0x3b9: {  	s25 =	sadd.s32 $0x640, s23;
	s28 =	sadd.s32 $0x7D0, s23;
	s29 =	sadd.s32 $0x50, s20  }
0x3ba: {  	[hbm4b:s26+s2] =	stream.linear.scatter [tilespmem:s25], [sflag:$0x1], $0x80, $0x38;
	[tilespmem:$0xE840] =	vst v63  }
0x3bb: {  	s30 =	sadd.s32 $0x960, s23;
	s31 =	sadd.s32 $0x60, s20;
	s23 =	sadd.s32 $0xAF0, s23  }
0x3bc: {  	[hbm4b:s29+s2] =	stream.linear.scatter [tilespmem:s28], [sflag:$0x1], $0x80, $0x38;
	[tilespmem:$0xE840] =	vst v63  }
0x3bd: {  	s22 =	simm.s32 $0x6400;
	s24 =	sadd.s32 $0x70, s20;
	s20 =	sadd.s32 $0x800, s20  }
0x3be: {  	[hbm4b:s31+s2] =	stream.linear.scatter [tilespmem:s30], [sflag:$0x1], $0x80, $0x38;
	[tilespmem:$0xE840] =	vst v63  }
.LBB2_67:
0x3bf: {  	[hbm4b:s24+s2] =	stream.linear.scatter [tilespmem:s23], [sflag:$0x1], $0x80, $0x38;
	[tilespmem:$0xE840] =	vst v63  }
0x3c0: {  	s23 =	smov.u32 s22  }
0x3c1: {  	s25 =	sadd.s32 $0x3200, s22;
	s24 =	sadd.s32 s21, s19;
	s21 =	sshra.s32 s23, $0x2  }
0x3c2: {  	[hbm4b:s20+s2] =	stream.linear.scatter [tilespmem:s24], [sflag:$0x1], $0x80, $0x38;
	[tilespmem:$0xE840] =	vst v63  }
0x3c3: {  	p0 =	sne.s32 s22, $0x15E00;
	s22 =	sadd.s32 $0x190, s24;
	s23 =	sadd.s32 $0x10, s20  }
0x3c4: {  	[hbm4b:s23+s2] =	stream.linear.scatter [tilespmem:s22], [sflag:$0x1], $0x80, $0x38;
	[tilespmem:$0xE840] =	vst v63  }
0x3c5: {  	s22 =	sadd.s32 $0x320, s24;
	s23 =	sadd.s32 $0x20, s20  }
0x3c6: {  	[hbm4b:s23+s2] =	stream.linear.scatter [tilespmem:s22], [sflag:$0x1], $0x80, $0x38;
	[tilespmem:$0xE840] =	vst v63  }
0x3c7: {  	s22 =	sadd.s32 $0x4B0, s24;
	s23 =	sadd.s32 $0x30, s20  }
0x3c8: {  	[hbm4b:s23+s2] =	stream.linear.scatter [tilespmem:s22], [sflag:$0x1], $0x80, $0x38;
	[tilespmem:$0xE840] =	vst v63  }
0x3c9: {  	s22 =	sadd.s32 $0x640, s24;
	s23 =	sadd.s32 $0x40, s20  }
0x3ca: {  	[hbm4b:s23+s2] =	stream.linear.scatter [tilespmem:s22], [sflag:$0x1], $0x80, $0x38;
	[tilespmem:$0xE840] =	vst v63  }
0x3cb: {  	s22 =	sadd.s32 $0x7D0, s24;
	s23 =	sadd.s32 $0x50, s20  }
0x3cc: {  	[hbm4b:s23+s2] =	stream.linear.scatter [tilespmem:s22], [sflag:$0x1], $0x80, $0x38;
	[tilespmem:$0xE840] =	vst v63  }
.Ltmp32:
0x3cd: {  	_ = 	snop;
	(pc) =	sbr.rel @p0 .LBB2_67-.Ltmp32, $4  }
0x3ce: {  	s22 =	sadd.s32 $0x960, s24;
	s23 =	sadd.s32 $0x60, s20  }
0x3cf: {  	[hbm4b:s23+s2] =	stream.linear.scatter [tilespmem:s22], [sflag:$0x1], $0x80, $0x38;
	[tilespmem:$0xE840] =	vst v63  }
0x3d0: {  	s23 =	sadd.s32 $0xAF0, s24  }
0x3d1: {  	s24 =	sadd.s32 $0x70, s20;
	s20 =	sadd.s32 $0x800, s20;
	s22 =	smov.u32 s25  }
0x3d2: {  	[hbm4b:s24+s2] =	stream.linear.scatter [tilespmem:s23], [sflag:$0x1], $0x80, $0x38;
	[tilespmem:$0xE840] =	vst v63  }
0x3d3: {  	s19 =	sadd.s32 s21, s19  }
0x3d4: {  	[hbm4b:s20+s2] =	stream.linear.scatter [tilespmem:s19], [sflag:$0x1], $0x80, $0x38;
	[tilespmem:$0xE840] =	vst v63  }
0x3d5: {  	s22 =	sadd.s32 $0x10, s20;
	s21 =	sadd.s32 $0x190, s19  }
0x3d6: {  	[hbm4b:s22+s2] =	stream.linear.scatter [tilespmem:s21], [sflag:$0x1], $0x80, $0x38;
	[tilespmem:$0xE840] =	vst v63  }
0x3d7: {  	s31 =	sadd.s32 $0x20, s20;
	s30 =	sadd.s32 $0x320, s19  }
0x3d8: {  	[hbm4b:s31+s2] =	stream.linear.scatter [tilespmem:s30], [sflag:$0x1], $0x80, $0x38;
	[tilespmem:$0xE840] =	vst v63  }
0x3d9: {  	s23 =	sadd.s32 $0x30, s20;
	s22 =	sadd.s32 $0x4B0, s19  }
0x3da: {  	[hbm4b:s23+s2] =	stream.linear.scatter [tilespmem:s22], [sflag:$0x1], $0x80, $0x38;
	[tilespmem:$0xE840] =	vst v63  }
0x3db: {  	s25 =	sadd.s32 $0x40, s20;
	s18 =	sadd.s32 $0x1, s18;
	s24 =	sadd.s32 $0x640, s19  }
0x3dc: {  	[hbm4b:s25+s2] =	stream.linear.scatter [tilespmem:s24], [sflag:$0x1], $0x80, $0x38;
	[tilespmem:$0xE840] =	vst v63  }
0x3dd: {  	s28 =	sadd.s32 $0x50, s20;
	s26 =	sadd.s32 $0x7D0, s19;
	p0 =	sne.s32 s18, $0x80  }
0x3de: {  	[hbm4b:s28+s2] =	stream.linear.scatter [tilespmem:s26], [sflag:$0x1], $0x80, $0x38;
	[tilespmem:$0xE840] =	vst v63  }
.Ltmp33:
0x3df: {  	_ = 	snop;
	(pc) =	sbr.rel @p0 .LBB2_66-.Ltmp33, $4  }
0x3e0: {  	s29 =	sadd.s32 $0x960, s19;
	s30 =	sadd.s32 $0x60, s20  }
0x3e1: {  	[hbm4b:s30+s2] =	stream.linear.scatter [tilespmem:s29], [sflag:$0x1], $0x80, $0x38;
	[tilespmem:$0xE840] =	vst v63  }
0x3e2: {  	s17 =	sadd.s32 $0x1, s17;
	s19 =	sadd.s32 $0xAF0, s19;
	s31 =	sadd.s32 $0x70, s20  }
0x3e3: {  	[hbm4b:s31+s2] =	stream.linear.scatter [tilespmem:s19], [sflag:$0x1], $0x80, $0x38;
	[tilespmem:$0xE840] =	vst v63  }
0x3e4: {  	_ =	swait.ge [sflag:s15], $0x2000  }
0x3e5: {  	s17 =	simm.s32 $0x7F;
	[sflag:s15] =	ssyncset.done $0x0  }
.LBB2_70:
0x3e6: {  	p0 =	sne.s32 s17, $0x1;
	s17 =	sadd.s32 $0xFFFFFFFF, s17;
	[sflag:s15] =	ssyncadd.s32 $0xFFFFE000  }
.Ltmp34:
0x3e7: {  	(pc) =	sbr.rel @p0 .LBB2_70-.Ltmp34, $3  }
0x3e8: {  	_ =	sdelay $0x1  }
0x3e9: {  	_ =	swait.ge [sflag:s15], $0x2000  }
0x3ea: {  	[sflag:s15] =	ssyncset.done $0x0  }
0x3eb: {  	s16 =	sadd.s32 $0x1, s16  }
0x3ec: {  	p0 =	sne.s32 s16, s13  }
.Ltmp35:
0x3ed: {  	_ = 	snop;
	(pc) =	sbr.rel @p0 .LBB2_1-.Ltmp35, $4  }
.Ltmp36:
0x3ee: {  	_ = 	snop;
	(pc) =	sbr.rel @!p0 .LBB2_72-.Ltmp36, $4  }
0x3ef: {  	_ = 	snop  }
0x3f0: {  	_ = 	snop  }
0x3f1: {  	[sflag:s15] =	ssyncadd.s32 $0xFFFFE000  }
0x3f2: {  	_ = 	snop  }
.LBB2_4:
.Ltmp37:
0x3f3: {  	(pc) =	sbr.rel .LBB2_11-.Ltmp37, $2  }
0x3f4: {  	_ =	sdelay $0x2  }
0x3f5: {  	s18 =	simm.s32 $0x0  }
.LBB2_6:
.Ltmp38:
0x3f6: {  	(pc) =	sbr.rel .LBB2_11-.Ltmp38, $2  }
0x3f7: {  	_ =	sdelay $0x2  }
0x3f8: {  	s25 =	simm.s32 $0x0  }
.LBB2_8:
.Ltmp39:
0x3f9: {  	(pc) =	sbr.rel .LBB2_11-.Ltmp39, $2  }
0x3fa: {  	_ =	sdelay $0x2  }
0x3fb: {  	s25 =	simm.s32 $0x1;
	s18 =	simm.s32 $0x2;
	s22 =	smov.u32 s23  }
.LBB2_72:
0x3fc: {  	_ =	sfence.sel $0x180000  }
0x3fd: {  	[bflag:$0x0] =	sbarrier.arrive $0xFFFF  }
0x3fe: {  	p0 =	sne.s32 s3, $0x0;
	_ =	strace $0x90000047  }
0x3ff: {  	s0 =	sadd.s32 @!p0 $0x100000, s0;
	[bflag:$0x2] =	sbarrier.arrive $0xFFFF  }
0x400: {  	[sflag:s0] =	ssyncadd.tile.s32 @!p0 $0x1;
	_ =	shalt  }
.Lfunc_end2:
_tile_overlayer_lowered:
.L_overlay_start_2:
0x401: {  	(tag) =	ssettag $0x2  }
0x402: {  	s0 =	rddreg [dreg:$0x0];
	s2 =	stileid.u32  }
0x403: {  	s1 =	rddreg [dreg:$0x1];
	p0 =	sne.s32 s2, $0x0  }
0x404: {  	s3 =	rddreg [dreg:$0x2];
	[bflag:$0x3] =	sbarrier.arrive $0xFFFF;
	s2 =	simm.s32 @!p0 $0x1C02  }
0x405: {  	[timem:s3], [sflag:s2] =	dma.local @!p0 [hbm:s0], s1  }
0x406: {  	s0 =	simm.s32 @!p0 $0x2  }
0x407: {  	_ =	swait.ge @!p0 [sflag:s0], s1  }
0x408: {  	s1 =	ssub.s32 @!p0 $0x0, s1;
	[sflag:s0] =	ssyncset.done @!p0 $0x0  }
0x409: {  	[sflag:s0] =	ssyncadd.s32 @!p0 s1  }
0x40a: {  	[bflag:$0x3] =	sbarrier.arrive $0xFFFF  }
0x40b: {  	_ =	shalt  }

</sc_bundles>
